<compile_context>
chip_gen: v7x
topology: tpu7x:2x2x1
jax: 0.10.2.dev20260603
libtpu: 0.0.44.dev20260713+nightly
codegen_flags: <defaults>
</compile_context>

<pallas_src>
import functools

import jax
import jax.numpy as jnp
from jax import lax
from jax.experimental import pallas as pl
from jax.experimental.pallas import tpu as pltpu
from jax.experimental.pallas import tpu_sc as plsc

N = 10000
D = 128
NC = 2
NS = 16
NW = NC * NS
C = 128
N_PAD = 10240
SLAB = N_PAD // NS
ZROWS = 32
WAL = 8
JPAD = 16


def _agg_body(base_cw, extra, sg_sz, win, x_hbm, ei_hbm, out_hbm,
              idx_v, rows_v, zbuf_v, acc_sh, sem0, sem1):
    c = lax.axis_index("c")
    s = lax.axis_index("s")
    w = c * NS + s
    base = w * base_cw + jnp.minimum(w, extra)
    tail = jnp.where(w < extra, 1, 0)

    zv = jnp.zeros((16,), jnp.float32)

    def _zrow(i, _):
        for j in range(D // 16):
            zbuf_v[i, pl.ds(j * 16, 16)] = zv
        return 0

    lax.fori_loop(0, ZROWS, _zrow, 0)
    for r in range(SLAB // ZROWS):
        pltpu.sync_copy(zbuf_v, acc_sh.at[pl.ds(s * SLAB + r * ZROWS, ZROWS)])
    plsc.subcore_barrier()

    sems = (sem0, sem1)

    def _fire(chunk, j):
        return pltpu.async_copy(x_hbm.at[idx_v.at[chunk, 0]], rows_v.at[j],
                                sems[j])

    def _drain(j):
        pltpu.make_async_copy(x_hbm.at[idx_v.at[0, 0]], rows_v.at[j],
                              sems[j]).wait()

    def _scatter(chunk, j):
        pltpu.sync_copy(rows_v.at[j], acc_sh.at[idx_v.at[chunk, 1]], add=True)

    def _super(sg, _):
        cb = base + sg * sg_sz
        cb_al = cb // WAL * WAL
        off = cb - cb_al
        pltpu.sync_copy(ei_hbm.at[pl.ds(cb_al, win)], idx_v)
        _fire(off, 0)
        _fire(off + 1, 1)

        def _pair(p, _):
            _drain(0)
            _scatter(off + 2 * p, 0)
            _fire(off + 2 * p + 2, 0)
            _drain(1)
            _scatter(off + 2 * p + 1, 1)
            _fire(off + 2 * p + 3, 1)
            return 0

        lax.fori_loop(0, sg_sz // 2 - 1, _pair, 0)
        _drain(0)
        _scatter(off + sg_sz - 2, 0)
        _drain(1)
        _scatter(off + sg_sz - 1, 1)
        return 0

    nsg = base_cw // sg_sz
    lax.fori_loop(0, nsg, _super, 0)

    def _tail(t, _):
        cb = base + nsg * sg_sz + t
        cb_al = cb // WAL * WAL
        off = cb - cb_al
        pltpu.sync_copy(ei_hbm.at[pl.ds(cb_al, WAL)],
                        idx_v.at[pl.ds(0, WAL)])
        _fire(off, 0).wait()
        _scatter(off, 0)
        return 0

    lax.fori_loop(0, tail, _tail, 0)
    plsc.subcore_barrier()

    pltpu.sync_copy(acc_sh.at[pl.ds(s * SLAB, SLAB)],
                    out_hbm.at[c, pl.ds(s * SLAB, SLAB)])


def _aggregate(x, ei3):
    chunks = ei3.shape[0] - JPAD
    base_cw = chunks // NW
    extra = chunks % NW
    sg_sz = 2
    for d in range(2, min(40, base_cw) + 1, 2):
        if base_cw % d == 0:
            sg_sz = d
    win = (sg_sz + WAL + WAL - 1) // WAL * WAL
    mesh = plsc.VectorSubcoreMesh(core_axis_name="c", subcore_axis_name="s")
    kern = pl.kernel(
        functools.partial(_agg_body, base_cw, extra, sg_sz, win),
        out_type=jax.ShapeDtypeStruct((NC, N_PAD, D), jnp.float32),
        mesh=mesh,
        scratch_types=[
            pltpu.VMEM((win, 2, C), jnp.int32),
            pltpu.VMEM((2, C, D), jnp.float32),
            pltpu.VMEM((ZROWS, D), jnp.float32),
            pltpu.VMEM_SHARED((N_PAD, D), jnp.float32),
            pltpu.SemaphoreType.DMA,
            pltpu.SemaphoreType.DMA,
        ],
    )
    return kern(x, ei3)


def _dense1_body(p_ref, w_ref, b_ref, gw_ref, gb_ref, gms_ref, o_ref):
    agg = p_ref[0, :N, :] + p_ref[1, :N, :]
    z = jnp.dot(agg, w_ref[...], preferred_element_type=jnp.float32) + b_ref[...]
    mean = jnp.mean(z, axis=0, keepdims=True)
    cent = z - mean * gms_ref[...]
    var = jnp.mean(cent * cent, axis=0, keepdims=True)
    o_ref[...] = jnp.tanh(gw_ref[...] * cent * lax.rsqrt(var + 1e-5) + gb_ref[...])


def _dense2_body(p_ref, w_ref, b_ref, o_ref):
    agg = p_ref[0, :N, :] + p_ref[1, :N, :]
    z = jnp.dot(agg, w_ref[...], preferred_element_type=jnp.float32) + b_ref[...]
    o_ref[...] = jnp.tanh(z)


def _dense1(partial, w1t, b1, gw, gb, gms):
    return pl.pallas_call(
        _dense1_body,
        out_shape=jax.ShapeDtypeStruct((N, D), jnp.float32),
    )(partial, w1t, b1, gw, gb, gms)


def _dense2(partial, w2t, b2):
    return pl.pallas_call(
        _dense2_body,
        out_shape=jax.ShapeDtypeStruct((N, D), jnp.float32),
    )(partial, w2t, b2)


def kernel(x, edge_index, W1, b1, gn_weight, gn_bias, gn_mean_scale, W2, b2):
    e = edge_index.shape[1]
    assert e % C == 0, "edge count must be a multiple of the chunk size"
    ei3 = edge_index.astype(jnp.int32).reshape(2, e // C, C).transpose(1, 0, 2)
    ei3 = jnp.concatenate([ei3, jnp.zeros((JPAD, 2, C), jnp.int32)])

    w1t = W1.T
    w2t = W2.T
    b1r = b1.reshape(1, D)
    b2r = b2.reshape(1, D)
    gwr = gn_weight.reshape(1, D)
    gbr = gn_bias.reshape(1, D)
    gmsr = gn_mean_scale.reshape(1, D)

    p1 = _aggregate(x, ei3)
    t1 = _dense1(p1, w1t, b1r, gwr, gbr, gmsr)
    p2 = _aggregate(t1, ei3)
    return _dense2(p2, w2t, b2r)

# --- scband reference (transcript-rebuilt; emitter-appended) ---
"""Pipeline reference for scband-context-target-predictor-32255204393746 (READ-ONLY COPY).

The authoritative reference and input builder live on the scoring server;
editing this copy changes nothing except your own understanding.
"""

import jax, jax.numpy as jnp
import numpy as np

N, D, E = 10000, 128, 320000

def setup_inputs(seed: int = 0):
    key = jax.random.key(seed)
    ks = jax.random.split(key, 10)
    x = jax.random.normal(ks[0], (N, D), dtype=jnp.float32)
    edge_index = jax.random.randint(ks[1], (2, E), 0, N)
    s = 1.0 / np.sqrt(D)
    W1 = jax.random.uniform(ks[2], (D, D), dtype=jnp.float32, minval=-s, maxval=s)
    b1 = jax.random.uniform(ks[3], (D,), dtype=jnp.float32, minval=-s, maxval=s)
    W2 = jax.random.uniform(ks[4], (D, D), dtype=jnp.float32, minval=-s, maxval=s)
    b2 = jax.random.uniform(ks[5], (D,), dtype=jnp.float32, minval=-s, maxval=s)
    gn_weight = jnp.ones((D,), dtype=jnp.float32)
    gn_bias = jnp.zeros((D,), dtype=jnp.float32)
    gn_mean_scale = jnp.ones((D,), dtype=jnp.float32)
    return {"x": x, "edge_index": edge_index, "W1": W1, "b1": b1, "gn_weight": gn_weight, "gn_bias": gn_bias, "gn_mean_scale": gn_mean_scale, "W2": W2, "b2": b2}

def _gcn_conv(x, edge_index, W, b):
    # GCNConv(normalize=False): linear transform, then sum-aggregate x_j over edges src->dst, then bias
    h = x @ W.T
    src = edge_index[0]
    dst = edge_index[1]
    agg = jax.ops.segment_sum(h[src], dst, num_segments=x.shape[0])
    return agg + b

def _graph_norm(x, weight, bias, mean_scale, eps=1e-5):
    # PyG GraphNorm with batch=None (single graph)
    mean = jnp.mean(x, axis=0, keepdims=True)
    out = x - mean * mean_scale
    var = jnp.mean(out * out, axis=0, keepdims=True)
    std = jnp.sqrt(var + eps)
    return weight * out / std + bias

def reference(x, edge_index, W1, b1, gn_weight, gn_bias, gn_mean_scale, W2, b2):
    h = _gcn_conv(x, edge_index, W1, b1)
    h = _graph_norm(h, gn_weight, gn_bias, gn_mean_scale)
    h = jnp.tanh(h)
    h = _gcn_conv(h, edge_index, W2, b2)
    h = jnp.tanh(h)
    return h

if __name__ == "__main__":
    import jax
    _d = setup_inputs()
    print(jax.jit(kernel)(*tuple(_d.values())))

</pallas_src>

<mosaic_0001>
#map = affine_map<(d0, d1) -> (0, 0)>
#map1 = affine_map<(d0, d1) -> (0, 0, 0)>
module attributes {stable_mosaic.version = 14 : i64} {
  func.func @_agg_body(%arg0: i32, %arg1: i32, %arg2: memref<10000x128xf32, #tpu.memory_space<hbm>>, %arg3: memref<2516x2x128xi32, #tpu.memory_space<hbm>>, %arg4: memref<2x10240x128xf32, #tpu.memory_space<hbm>>, %arg5: memref<40x2x128xi32, #tpu.memory_space<vmem>>, %arg6: memref<2x128x128xf32, #tpu.memory_space<vmem>>, %arg7: memref<32x128xf32, #tpu.memory_space<vmem>>, %arg8: memref<10240x128xf32, #tpu.memory_space<vmem_shared>>, %arg9: memref<!tpu.dma_semaphore, #tpu.memory_space<semaphore_mem>>, %arg10: memref<!tpu.dma_semaphore, #tpu.memory_space<semaphore_mem>>) attributes {dimension_semantics = [#tpu.dimension_semantics<core_parallel>, #tpu.dimension_semantics<subcore_parallel>], iteration_bounds = array<i64: 2, 16>, scalar_prefetch = 0 : i64, scratch_operands = 6 : i64, tpu.core_type = #tpu.core_type<sc_vector_subcore>, window_params = [{transform_indices = #map}, {transform_indices = #map1}, {transform_indices = #map1}]} {
    %mul3A = arith.constant 16 : i32
    %mul3A_0 = arith.muli %arg0, %mul3A : i32
    %add3A = arith.addi %mul3A_0, %arg1 : i32
    %mul3A_1 = arith.constant 78 : i32
    %mul3A_2 = arith.muli %add3A, %mul3A_1 : i32
    %min3A = arith.constant 4 : i32
    %min3A_3 = arith.minsi %add3A, %min3A : i32
    %add3A_4 = arith.addi %mul3A_2, %min3A_3 : i32
    %lt3A = arith.constant 4 : i32
    %lt3A_5 = arith.cmpi slt, %add3A, %lt3A : i32
    %jit3A = arith.constant 1 : i32
    %jit3A_6 = arith.constant 0 : i32
    %select_n3A = arith.select %lt3A_5, %jit3A, %jit3A_6 : i32
    %broadcast_in_dim3A = arith.constant 0.000000e+00 : f32
    %broadcast_in_dim3A_7 = vector.broadcast %broadcast_in_dim3A : f32 to vector<16xf32>
    %scan3A = arith.constant 0 : i32
    %scan3A_8 = arith.constant 0 : i32
    %scan3A_9 = arith.constant 32 : i32
    %scan3A_10 = arith.addi %scan3A_8, %scan3A_9 : i32
    %scan3A_11 = arith.constant 1 : i32
    %scan3A_12 = scf.for %scan3A_117 = %scan3A_8 to %scan3A_10 step %scan3A_11 iter_args(%scan3A_118 = %scan3A) -> (i32)  : i32 {
      %swap3A = arith.index_cast %scan3A_117 : i32 to index
      %swap3A_119 = arith.constant 0 : index
      %swap3A_120 = tpu.vector_load %arg7[%swap3A, %swap3A_119] {strides = array<i32>} : memref<32x128xf32, #tpu.memory_space<vmem>>, vector<1x16xf32>,
      %swap3A_121 = vector.shape_cast %swap3A_120 : vector<1x16xf32> to vector<16xf32>
      %swap3A_122 = vector.shape_cast %broadcast_in_dim3A_7 : vector<16xf32> to vector<1x16xf32>
      tpu.vector_store %arg7[%swap3A, %swap3A_119], %swap3A_122 {strides = array<i32>} : memref<32x128xf32, #tpu.memory_space<vmem>>, vector<1x16xf32>,
      %swap3A_123 = arith.index_cast %scan3A_117 : i32 to index
      %swap3A_124 = arith.constant 16 : index
      %swap3A_125 = tpu.vector_load %arg7[%swap3A_123, %swap3A_124] {strides = array<i32>} : memref<32x128xf32, #tpu.memory_space<vmem>>, vector<1x16xf32>,
      %swap3A_126 = vector.shape_cast %swap3A_125 : vector<1x16xf32> to vector<16xf32>
      %swap3A_127 = vector.shape_cast %broadcast_in_dim3A_7 : vector<16xf32> to vector<1x16xf32>
      tpu.vector_store %arg7[%swap3A_123, %swap3A_124], %swap3A_127 {strides = array<i32>} : memref<32x128xf32, #tpu.memory_space<vmem>>, vector<1x16xf32>,
      %swap3A_128 = arith.index_cast %scan3A_117 : i32 to index
      %swap3A_129 = arith.constant 32 : index
      %swap3A_130 = tpu.vector_load %arg7[%swap3A_128, %swap3A_129] {strides = array<i32>} : memref<32x128xf32, #tpu.memory_space<vmem>>, vector<1x16xf32>,
      %swap3A_131 = vector.shape_cast %swap3A_130 : vector<1x16xf32> to vector<16xf32>
      %swap3A_132 = vector.shape_cast %broadcast_in_dim3A_7 : vector<16xf32> to vector<1x16xf32>
      tpu.vector_store %arg7[%swap3A_128, %swap3A_129], %swap3A_132 {strides = array<i32>} : memref<32x128xf32, #tpu.memory_space<vmem>>, vector<1x16xf32>,
      %swap3A_133 = arith.index_cast %scan3A_117 : i32 to index
      %swap3A_134 = arith.constant 48 : index
      %swap3A_135 = tpu.vector_load %arg7[%swap3A_133, %swap3A_134] {strides = array<i32>} : memref<32x128xf32, #tpu.memory_space<vmem>>, vector<1x16xf32>,
      %swap3A_136 = vector.shape_cast %swap3A_135 : vector<1x16xf32> to vector<16xf32>
      %swap3A_137 = vector.shape_cast %broadcast_in_dim3A_7 : vector<16xf32> to vector<1x16xf32>
      tpu.vector_store %arg7[%swap3A_133, %swap3A_134], %swap3A_137 {strides = array<i32>} : memref<32x128xf32, #tpu.memory_space<vmem>>, vector<1x16xf32>,
      %swap3A_138 = arith.index_cast %scan3A_117 : i32 to index
      %swap3A_139 = arith.constant 64 : index
      %swap3A_140 = tpu.vector_load %arg7[%swap3A_138, %swap3A_139] {strides = array<i32>} : memref<32x128xf32, #tpu.memory_space<vmem>>, vector<1x16xf32>,
      %swap3A_141 = vector.shape_cast %swap3A_140 : vector<1x16xf32> to vector<16xf32>
      %swap3A_142 = vector.shape_cast %broadcast_in_dim3A_7 : vector<16xf32> to vector<1x16xf32>
      tpu.vector_store %arg7[%swap3A_138, %swap3A_139], %swap3A_142 {strides = array<i32>} : memref<32x128xf32, #tpu.memory_space<vmem>>, vector<1x16xf32>,
      %swap3A_143 = arith.index_cast %scan3A_117 : i32 to index
      %swap3A_144 = arith.constant 80 : index
      %swap3A_145 = tpu.vector_load %arg7[%swap3A_143, %swap3A_144] {strides = array<i32>} : memref<32x128xf32, #tpu.memory_space<vmem>>, vector<1x16xf32>,
      %swap3A_146 = vector.shape_cast %swap3A_145 : vector<1x16xf32> to vector<16xf32>
      %swap3A_147 = vector.shape_cast %broadcast_in_dim3A_7 : vector<16xf32> to vector<1x16xf32>
      tpu.vector_store %arg7[%swap3A_143, %swap3A_144], %swap3A_147 {strides = array<i32>} : memref<32x128xf32, #tpu.memory_space<vmem>>, vector<1x16xf32>,
      %swap3A_148 = arith.index_cast %scan3A_117 : i32 to index
      %swap3A_149 = arith.constant 96 : index
      %swap3A_150 = tpu.vector_load %arg7[%swap3A_148, %swap3A_149] {strides = array<i32>} : memref<32x128xf32, #tpu.memory_space<vmem>>, vector<1x16xf32>,
      %swap3A_151 = vector.shape_cast %swap3A_150 : vector<1x16xf32> to vector<16xf32>
      %swap3A_152 = vector.shape_cast %broadcast_in_dim3A_7 : vector<16xf32> to vector<1x16xf32>
      tpu.vector_store %arg7[%swap3A_148, %swap3A_149], %swap3A_152 {strides = array<i32>} : memref<32x128xf32, #tpu.memory_space<vmem>>, vector<1x16xf32>,
      %swap3A_153 = arith.index_cast %scan3A_117 : i32 to index
      %swap3A_154 = arith.constant 112 : index
      %swap3A_155 = tpu.vector_load %arg7[%swap3A_153, %swap3A_154] {strides = array<i32>} : memref<32x128xf32, #tpu.memory_space<vmem>>, vector<1x16xf32>,
      %swap3A_156 = vector.shape_cast %swap3A_155 : vector<1x16xf32> to vector<16xf32>
      %swap3A_157 = vector.shape_cast %broadcast_in_dim3A_7 : vector<16xf32> to vector<1x16xf32>
      tpu.vector_store %arg7[%swap3A_153, %swap3A_154], %swap3A_157 {strides = array<i32>} : memref<32x128xf32, #tpu.memory_space<vmem>>, vector<1x16xf32>,
      %scan3A_158 = arith.constant 0 : i32
      scf.yield %scan3A_158 : i32
    }
    %scan3A_13 = arith.constant 32 : i32
    %mul3A_14 = arith.constant 640 : i32
    %mul3A_15 = arith.muli %arg1, %mul3A_14 : i32
    %add3A_16 = arith.constant 0 : i32
    %add3A_17 = arith.addi %mul3A_15, %add3A_16 : i32
    "tpu.region"() ({
      %run_scoped3A = tpu.sem_alloc : memref<!tpu.dma_semaphore, #tpu.memory_space<semaphore_mem>>
      %dma_start3A = arith.constant 0 : i32
      %dma_start3A_117 = tpu.memref_slice %arg8[%add3A_17, %dma_start3A] : memref<10240x128xf32, #tpu.memory_space<vmem_shared>> -> memref<32x128xf32, #tpu.memory_space<vmem_shared>>
      %dma_start3A_118 = arith.constant 0 : i32
      %dma_start3A_119 = tpu.memref_slice %arg8[%add3A_17, %dma_start3A_118] : memref<10240x128xf32, #tpu.memory_space<vmem_shared>> -> memref<32x128xf32, #tpu.memory_space<vmem_shared>>
      tpu.enqueue_dma source(%arg7 : memref<32x128xf32, #tpu.memory_space<vmem>>) target(%dma_start3A_119 : memref<32x128xf32, #tpu.memory_space<vmem_shared>>) target_semaphore(%run_scoped3A : memref<!tpu.dma_semaphore, #tpu.memory_space<semaphore_mem>>)
      %dma_wait3A = arith.constant 0 : i32
      %dma_wait3A_120 = tpu.memref_slice %arg8[%add3A_17, %dma_wait3A] : memref<10240x128xf32, #tpu.memory_space<vmem_shared>> -> memref<32x128xf32, #tpu.memory_space<vmem_shared>>
      %dma_wait3A_121 = arith.constant 0 : i32
      %dma_wait3A_122 = tpu.memref_slice %arg8[%add3A_17, %dma_wait3A_121] : memref<10240x128xf32, #tpu.memory_space<vmem_shared>> -> memref<32x128xf32, #tpu.memory_space<vmem_shared>>
      tpu.wait_dma2 semaphore(%run_scoped3A : memref<!tpu.dma_semaphore, #tpu.memory_space<semaphore_mem>>) src(%arg7 : memref<32x128xf32, #tpu.memory_space<vmem>>) dst(%dma_wait3A_122 : memref<32x128xf32, #tpu.memory_space<vmem_shared>>)
      tpu.yield
    }) : () -> ()
    %mul3A_18 = arith.constant 640 : i32
    %mul3A_19 = arith.muli %arg1, %mul3A_18 : i32
    %add3A_20 = arith.constant 32 : i32
    %add3A_21 = arith.addi %mul3A_19, %add3A_20 : i32
    "tpu.region"() ({
      %run_scoped3A = tpu.sem_alloc : memref<!tpu.dma_semaphore, #tpu.memory_space<semaphore_mem>>
      %dma_start3A = arith.constant 0 : i32
      %dma_start3A_117 = tpu.memref_slice %arg8[%add3A_21, %dma_start3A] : memref<10240x128xf32, #tpu.memory_space<vmem_shared>> -> memref<32x128xf32, #tpu.memory_space<vmem_shared>>
      %dma_start3A_118 = arith.constant 0 : i32
      %dma_start3A_119 = tpu.memref_slice %arg8[%add3A_21, %dma_start3A_118] : memref<10240x128xf32, #tpu.memory_space<vmem_shared>> -> memref<32x128xf32, #tpu.memory_space<vmem_shared>>
      tpu.enqueue_dma source(%arg7 : memref<32x128xf32, #tpu.memory_space<vmem>>) target(%dma_start3A_119 : memref<32x128xf32, #tpu.memory_space<vmem_shared>>) target_semaphore(%run_scoped3A : memref<!tpu.dma_semaphore, #tpu.memory_space<semaphore_mem>>)
      %dma_wait3A = arith.constant 0 : i32
      %dma_wait3A_120 = tpu.memref_slice %arg8[%add3A_21, %dma_wait3A] : memref<10240x128xf32, #tpu.memory_space<vmem_shared>> -> memref<32x128xf32, #tpu.memory_space<vmem_shared>>
      %dma_wait3A_121 = arith.constant 0 : i32
      %dma_wait3A_122 = tpu.memref_slice %arg8[%add3A_21, %dma_wait3A_121] : memref<10240x128xf32, #tpu.memory_space<vmem_shared>> -> memref<32x128xf32, #tpu.memory_space<vmem_shared>>
      tpu.wait_dma2 semaphore(%run_scoped3A : memref<!tpu.dma_semaphore, #tpu.memory_space<semaphore_mem>>) src(%arg7 : memref<32x128xf32, #tpu.memory_space<vmem>>) dst(%dma_wait3A_122 : memref<32x128xf32, #tpu.memory_space<vmem_shared>>)
      tpu.yield
    }) : () -> ()
    %mul3A_22 = arith.constant 640 : i32
    %mul3A_23 = arith.muli %arg1, %mul3A_22 : i32
    %add3A_24 = arith.constant 64 : i32
    %add3A_25 = arith.addi %mul3A_23, %add3A_24 : i32
    "tpu.region"() ({
      %run_scoped3A = tpu.sem_alloc : memref<!tpu.dma_semaphore, #tpu.memory_space<semaphore_mem>>
      %dma_start3A = arith.constant 0 : i32
      %dma_start3A_117 = tpu.memref_slice %arg8[%add3A_25, %dma_start3A] : memref<10240x128xf32, #tpu.memory_space<vmem_shared>> -> memref<32x128xf32, #tpu.memory_space<vmem_shared>>
      %dma_start3A_118 = arith.constant 0 : i32
      %dma_start3A_119 = tpu.memref_slice %arg8[%add3A_25, %dma_start3A_118] : memref<10240x128xf32, #tpu.memory_space<vmem_shared>> -> memref<32x128xf32, #tpu.memory_space<vmem_shared>>
      tpu.enqueue_dma source(%arg7 : memref<32x128xf32, #tpu.memory_space<vmem>>) target(%dma_start3A_119 : memref<32x128xf32, #tpu.memory_space<vmem_shared>>) target_semaphore(%run_scoped3A : memref<!tpu.dma_semaphore, #tpu.memory_space<semaphore_mem>>)
      %dma_wait3A = arith.constant 0 : i32
      %dma_wait3A_120 = tpu.memref_slice %arg8[%add3A_25, %dma_wait3A] : memref<10240x128xf32, #tpu.memory_space<vmem_shared>> -> memref<32x128xf32, #tpu.memory_space<vmem_shared>>
      %dma_wait3A_121 = arith.constant 0 : i32
      %dma_wait3A_122 = tpu.memref_slice %arg8[%add3A_25, %dma_wait3A_121] : memref<10240x128xf32, #tpu.memory_space<vmem_shared>> -> memref<32x128xf32, #tpu.memory_space<vmem_shared>>
      tpu.wait_dma2 semaphore(%run_scoped3A : memref<!tpu.dma_semaphore, #tpu.memory_space<semaphore_mem>>) src(%arg7 : memref<32x128xf32, #tpu.memory_space<vmem>>) dst(%dma_wait3A_122 : memref<32x128xf32, #tpu.memory_space<vmem_shared>>)
      tpu.yield
    }) : () -> ()
    %mul3A_26 = arith.constant 640 : i32
    %mul3A_27 = arith.muli %arg1, %mul3A_26 : i32
    %add3A_28 = arith.constant 96 : i32
    %add3A_29 = arith.addi %mul3A_27, %add3A_28 : i32
    "tpu.region"() ({
      %run_scoped3A = tpu.sem_alloc : memref<!tpu.dma_semaphore, #tpu.memory_space<semaphore_mem>>
      %dma_start3A = arith.constant 0 : i32
      %dma_start3A_117 = tpu.memref_slice %arg8[%add3A_29, %dma_start3A] : memref<10240x128xf32, #tpu.memory_space<vmem_shared>> -> memref<32x128xf32, #tpu.memory_space<vmem_shared>>
      %dma_start3A_118 = arith.constant 0 : i32
      %dma_start3A_119 = tpu.memref_slice %arg8[%add3A_29, %dma_start3A_118] : memref<10240x128xf32, #tpu.memory_space<vmem_shared>> -> memref<32x128xf32, #tpu.memory_space<vmem_shared>>
      tpu.enqueue_dma source(%arg7 : memref<32x128xf32, #tpu.memory_space<vmem>>) target(%dma_start3A_119 : memref<32x128xf32, #tpu.memory_space<vmem_shared>>) target_semaphore(%run_scoped3A : memref<!tpu.dma_semaphore, #tpu.memory_space<semaphore_mem>>)
      %dma_wait3A = arith.constant 0 : i32
      %dma_wait3A_120 = tpu.memref_slice %arg8[%add3A_29, %dma_wait3A] : memref<10240x128xf32, #tpu.memory_space<vmem_shared>> -> memref<32x128xf32, #tpu.memory_space<vmem_shared>>
      %dma_wait3A_121 = arith.constant 0 : i32
      %dma_wait3A_122 = tpu.memref_slice %arg8[%add3A_29, %dma_wait3A_121] : memref<10240x128xf32, #tpu.memory_space<vmem_shared>> -> memref<32x128xf32, #tpu.memory_space<vmem_shared>>
      tpu.wait_dma2 semaphore(%run_scoped3A : memref<!tpu.dma_semaphore, #tpu.memory_space<semaphore_mem>>) src(%arg7 : memref<32x128xf32, #tpu.memory_space<vmem>>) dst(%dma_wait3A_122 : memref<32x128xf32, #tpu.memory_space<vmem_shared>>)
      tpu.yield
    }) : () -> ()
    %mul3A_30 = arith.constant 640 : i32
    %mul3A_31 = arith.muli %arg1, %mul3A_30 : i32
    %add3A_32 = arith.constant 128 : i32
    %add3A_33 = arith.addi %mul3A_31, %add3A_32 : i32
    "tpu.region"() ({
      %run_scoped3A = tpu.sem_alloc : memref<!tpu.dma_semaphore, #tpu.memory_space<semaphore_mem>>
      %dma_start3A = arith.constant 0 : i32
      %dma_start3A_117 = tpu.memref_slice %arg8[%add3A_33, %dma_start3A] : memref<10240x128xf32, #tpu.memory_space<vmem_shared>> -> memref<32x128xf32, #tpu.memory_space<vmem_shared>>
      %dma_start3A_118 = arith.constant 0 : i32
      %dma_start3A_119 = tpu.memref_slice %arg8[%add3A_33, %dma_start3A_118] : memref<10240x128xf32, #tpu.memory_space<vmem_shared>> -> memref<32x128xf32, #tpu.memory_space<vmem_shared>>
      tpu.enqueue_dma source(%arg7 : memref<32x128xf32, #tpu.memory_space<vmem>>) target(%dma_start3A_119 : memref<32x128xf32, #tpu.memory_space<vmem_shared>>) target_semaphore(%run_scoped3A : memref<!tpu.dma_semaphore, #tpu.memory_space<semaphore_mem>>)
      %dma_wait3A = arith.constant 0 : i32
      %dma_wait3A_120 = tpu.memref_slice %arg8[%add3A_33, %dma_wait3A] : memref<10240x128xf32, #tpu.memory_space<vmem_shared>> -> memref<32x128xf32, #tpu.memory_space<vmem_shared>>
      %dma_wait3A_121 = arith.constant 0 : i32
      %dma_wait3A_122 = tpu.memref_slice %arg8[%add3A_33, %dma_wait3A_121] : memref<10240x128xf32, #tpu.memory_space<vmem_shared>> -> memref<32x128xf32, #tpu.memory_space<vmem_shared>>
      tpu.wait_dma2 semaphore(%run_scoped3A : memref<!tpu.dma_semaphore, #tpu.memory_space<semaphore_mem>>) src(%arg7 : memref<32x128xf32, #tpu.memory_space<vmem>>) dst(%dma_wait3A_122 : memref<32x128xf32, #tpu.memory_space<vmem_shared>>)
      tpu.yield
    }) : () -> ()
    %mul3A_34 = arith.constant 640 : i32
    %mul3A_35 = arith.muli %arg1, %mul3A_34 : i32
    %add3A_36 = arith.constant 160 : i32
    %add3A_37 = arith.addi %mul3A_35, %add3A_36 : i32
    "tpu.region"() ({
      %run_scoped3A = tpu.sem_alloc : memref<!tpu.dma_semaphore, #tpu.memory_space<semaphore_mem>>
      %dma_start3A = arith.constant 0 : i32
      %dma_start3A_117 = tpu.memref_slice %arg8[%add3A_37, %dma_start3A] : memref<10240x128xf32, #tpu.memory_space<vmem_shared>> -> memref<32x128xf32, #tpu.memory_space<vmem_shared>>
      %dma_start3A_118 = arith.constant 0 : i32
      %dma_start3A_119 = tpu.memref_slice %arg8[%add3A_37, %dma_start3A_118] : memref<10240x128xf32, #tpu.memory_space<vmem_shared>> -> memref<32x128xf32, #tpu.memory_space<vmem_shared>>
      tpu.enqueue_dma source(%arg7 : memref<32x128xf32, #tpu.memory_space<vmem>>) target(%dma_start3A_119 : memref<32x128xf32, #tpu.memory_space<vmem_shared>>) target_semaphore(%run_scoped3A : memref<!tpu.dma_semaphore, #tpu.memory_space<semaphore_mem>>)
      %dma_wait3A = arith.constant 0 : i32
      %dma_wait3A_120 = tpu.memref_slice %arg8[%add3A_37, %dma_wait3A] : memref<10240x128xf32, #tpu.memory_space<vmem_shared>> -> memref<32x128xf32, #tpu.memory_space<vmem_shared>>
      %dma_wait3A_121 = arith.constant 0 : i32
      %dma_wait3A_122 = tpu.memref_slice %arg8[%add3A_37, %dma_wait3A_121] : memref<10240x128xf32, #tpu.memory_space<vmem_shared>> -> memref<32x128xf32, #tpu.memory_space<vmem_shared>>
      tpu.wait_dma2 semaphore(%run_scoped3A : memref<!tpu.dma_semaphore, #tpu.memory_space<semaphore_mem>>) src(%arg7 : memref<32x128xf32, #tpu.memory_space<vmem>>) dst(%dma_wait3A_122 : memref<32x128xf32, #tpu.memory_space<vmem_shared>>)
      tpu.yield
    }) : () -> ()
    %mul3A_38 = arith.constant 640 : i32
    %mul3A_39 = arith.muli %arg1, %mul3A_38 : i32
    %add3A_40 = arith.constant 192 : i32
    %add3A_41 = arith.addi %mul3A_39, %add3A_40 : i32
    "tpu.region"() ({
      %run_scoped3A = tpu.sem_alloc : memref<!tpu.dma_semaphore, #tpu.memory_space<semaphore_mem>>
      %dma_start3A = arith.constant 0 : i32
      %dma_start3A_117 = tpu.memref_slice %arg8[%add3A_41, %dma_start3A] : memref<10240x128xf32, #tpu.memory_space<vmem_shared>> -> memref<32x128xf32, #tpu.memory_space<vmem_shared>>
      %dma_start3A_118 = arith.constant 0 : i32
      %dma_start3A_119 = tpu.memref_slice %arg8[%add3A_41, %dma_start3A_118] : memref<10240x128xf32, #tpu.memory_space<vmem_shared>> -> memref<32x128xf32, #tpu.memory_space<vmem_shared>>
      tpu.enqueue_dma source(%arg7 : memref<32x128xf32, #tpu.memory_space<vmem>>) target(%dma_start3A_119 : memref<32x128xf32, #tpu.memory_space<vmem_shared>>) target_semaphore(%run_scoped3A : memref<!tpu.dma_semaphore, #tpu.memory_space<semaphore_mem>>)
      %dma_wait3A = arith.constant 0 : i32
      %dma_wait3A_120 = tpu.memref_slice %arg8[%add3A_41, %dma_wait3A] : memref<10240x128xf32, #tpu.memory_space<vmem_shared>> -> memref<32x128xf32, #tpu.memory_space<vmem_shared>>
      %dma_wait3A_121 = arith.constant 0 : i32
      %dma_wait3A_122 = tpu.memref_slice %arg8[%add3A_41, %dma_wait3A_121] : memref<10240x128xf32, #tpu.memory_space<vmem_shared>> -> memref<32x128xf32, #tpu.memory_space<vmem_shared>>
      tpu.wait_dma2 semaphore(%run_scoped3A : memref<!tpu.dma_semaphore, #tpu.memory_space<semaphore_mem>>) src(%arg7 : memref<32x128xf32, #tpu.memory_space<vmem>>) dst(%dma_wait3A_122 : memref<32x128xf32, #tpu.memory_space<vmem_shared>>)
      tpu.yield
    }) : () -> ()
    %mul3A_42 = arith.constant 640 : i32
    %mul3A_43 = arith.muli %arg1, %mul3A_42 : i32
    %add3A_44 = arith.constant 224 : i32
    %add3A_45 = arith.addi %mul3A_43, %add3A_44 : i32
    "tpu.region"() ({
      %run_scoped3A = tpu.sem_alloc : memref<!tpu.dma_semaphore, #tpu.memory_space<semaphore_mem>>
      %dma_start3A = arith.constant 0 : i32
      %dma_start3A_117 = tpu.memref_slice %arg8[%add3A_45, %dma_start3A] : memref<10240x128xf32, #tpu.memory_space<vmem_shared>> -> memref<32x128xf32, #tpu.memory_space<vmem_shared>>
      %dma_start3A_118 = arith.constant 0 : i32
      %dma_start3A_119 = tpu.memref_slice %arg8[%add3A_45, %dma_start3A_118] : memref<10240x128xf32, #tpu.memory_space<vmem_shared>> -> memref<32x128xf32, #tpu.memory_space<vmem_shared>>
      tpu.enqueue_dma source(%arg7 : memref<32x128xf32, #tpu.memory_space<vmem>>) target(%dma_start3A_119 : memref<32x128xf32, #tpu.memory_space<vmem_shared>>) target_semaphore(%run_scoped3A : memref<!tpu.dma_semaphore, #tpu.memory_space<semaphore_mem>>)
      %dma_wait3A = arith.constant 0 : i32
      %dma_wait3A_120 = tpu.memref_slice %arg8[%add3A_45, %dma_wait3A] : memref<10240x128xf32, #tpu.memory_space<vmem_shared>> -> memref<32x128xf32, #tpu.memory_space<vmem_shared>>
      %dma_wait3A_121 = arith.constant 0 : i32
      %dma_wait3A_122 = tpu.memref_slice %arg8[%add3A_45, %dma_wait3A_121] : memref<10240x128xf32, #tpu.memory_space<vmem_shared>> -> memref<32x128xf32, #tpu.memory_space<vmem_shared>>
      tpu.wait_dma2 semaphore(%run_scoped3A : memref<!tpu.dma_semaphore, #tpu.memory_space<semaphore_mem>>) src(%arg7 : memref<32x128xf32, #tpu.memory_space<vmem>>) dst(%dma_wait3A_122 : memref<32x128xf32, #tpu.memory_space<vmem_shared>>)
      tpu.yield
    }) : () -> ()
    %mul3A_46 = arith.constant 640 : i32
    %mul3A_47 = arith.muli %arg1, %mul3A_46 : i32
    %add3A_48 = arith.constant 256 : i32
    %add3A_49 = arith.addi %mul3A_47, %add3A_48 : i32
    "tpu.region"() ({
      %run_scoped3A = tpu.sem_alloc : memref<!tpu.dma_semaphore, #tpu.memory_space<semaphore_mem>>
      %dma_start3A = arith.constant 0 : i32
      %dma_start3A_117 = tpu.memref_slice %arg8[%add3A_49, %dma_start3A] : memref<10240x128xf32, #tpu.memory_space<vmem_shared>> -> memref<32x128xf32, #tpu.memory_space<vmem_shared>>
      %dma_start3A_118 = arith.constant 0 : i32
      %dma_start3A_119 = tpu.memref_slice %arg8[%add3A_49, %dma_start3A_118] : memref<10240x128xf32, #tpu.memory_space<vmem_shared>> -> memref<32x128xf32, #tpu.memory_space<vmem_shared>>
      tpu.enqueue_dma source(%arg7 : memref<32x128xf32, #tpu.memory_space<vmem>>) target(%dma_start3A_119 : memref<32x128xf32, #tpu.memory_space<vmem_shared>>) target_semaphore(%run_scoped3A : memref<!tpu.dma_semaphore, #tpu.memory_space<semaphore_mem>>)
      %dma_wait3A = arith.constant 0 : i32
      %dma_wait3A_120 = tpu.memref_slice %arg8[%add3A_49, %dma_wait3A] : memref<10240x128xf32, #tpu.memory_space<vmem_shared>> -> memref<32x128xf32, #tpu.memory_space<vmem_shared>>
      %dma_wait3A_121 = arith.constant 0 : i32
      %dma_wait3A_122 = tpu.memref_slice %arg8[%add3A_49, %dma_wait3A_121] : memref<10240x128xf32, #tpu.memory_space<vmem_shared>> -> memref<32x128xf32, #tpu.memory_space<vmem_shared>>
      tpu.wait_dma2 semaphore(%run_scoped3A : memref<!tpu.dma_semaphore, #tpu.memory_space<semaphore_mem>>) src(%arg7 : memref<32x128xf32, #tpu.memory_space<vmem>>) dst(%dma_wait3A_122 : memref<32x128xf32, #tpu.memory_space<vmem_shared>>)
      tpu.yield
    }) : () -> ()
    %mul3A_50 = arith.constant 640 : i32
    %mul3A_51 = arith.muli %arg1, %mul3A_50 : i32
    %add3A_52 = arith.constant 288 : i32
    %add3A_53 = arith.addi %mul3A_51, %add3A_52 : i32
    "tpu.region"() ({
      %run_scoped3A = tpu.sem_alloc : memref<!tpu.dma_semaphore, #tpu.memory_space<semaphore_mem>>
      %dma_start3A = arith.constant 0 : i32
      %dma_start3A_117 = tpu.memref_slice %arg8[%add3A_53, %dma_start3A] : memref<10240x128xf32, #tpu.memory_space<vmem_shared>> -> memref<32x128xf32, #tpu.memory_space<vmem_shared>>
      %dma_start3A_118 = arith.constant 0 : i32
      %dma_start3A_119 = tpu.memref_slice %arg8[%add3A_53, %dma_start3A_118] : memref<10240x128xf32, #tpu.memory_space<vmem_shared>> -> memref<32x128xf32, #tpu.memory_space<vmem_shared>>
      tpu.enqueue_dma source(%arg7 : memref<32x128xf32, #tpu.memory_space<vmem>>) target(%dma_start3A_119 : memref<32x128xf32, #tpu.memory_space<vmem_shared>>) target_semaphore(%run_scoped3A : memref<!tpu.dma_semaphore, #tpu.memory_space<semaphore_mem>>)
      %dma_wait3A = arith.constant 0 : i32
      %dma_wait3A_120 = tpu.memref_slice %arg8[%add3A_53, %dma_wait3A] : memref<10240x128xf32, #tpu.memory_space<vmem_shared>> -> memref<32x128xf32, #tpu.memory_space<vmem_shared>>
      %dma_wait3A_121 = arith.constant 0 : i32
      %dma_wait3A_122 = tpu.memref_slice %arg8[%add3A_53, %dma_wait3A_121] : memref<10240x128xf32, #tpu.memory_space<vmem_shared>> -> memref<32x128xf32, #tpu.memory_space<vmem_shared>>
      tpu.wait_dma2 semaphore(%run_scoped3A : memref<!tpu.dma_semaphore, #tpu.memory_space<semaphore_mem>>) src(%arg7 : memref<32x128xf32, #tpu.memory_space<vmem>>) dst(%dma_wait3A_122 : memref<32x128xf32, #tpu.memory_space<vmem_shared>>)
      tpu.yield
    }) : () -> ()
    %mul3A_54 = arith.constant 640 : i32
    %mul3A_55 = arith.muli %arg1, %mul3A_54 : i32
    %add3A_56 = arith.constant 320 : i32
    %add3A_57 = arith.addi %mul3A_55, %add3A_56 : i32
    "tpu.region"() ({
      %run_scoped3A = tpu.sem_alloc : memref<!tpu.dma_semaphore, #tpu.memory_space<semaphore_mem>>
      %dma_start3A = arith.constant 0 : i32
      %dma_start3A_117 = tpu.memref_slice %arg8[%add3A_57, %dma_start3A] : memref<10240x128xf32, #tpu.memory_space<vmem_shared>> -> memref<32x128xf32, #tpu.memory_space<vmem_shared>>
      %dma_start3A_118 = arith.constant 0 : i32
      %dma_start3A_119 = tpu.memref_slice %arg8[%add3A_57, %dma_start3A_118] : memref<10240x128xf32, #tpu.memory_space<vmem_shared>> -> memref<32x128xf32, #tpu.memory_space<vmem_shared>>
      tpu.enqueue_dma source(%arg7 : memref<32x128xf32, #tpu.memory_space<vmem>>) target(%dma_start3A_119 : memref<32x128xf32, #tpu.memory_space<vmem_shared>>) target_semaphore(%run_scoped3A : memref<!tpu.dma_semaphore, #tpu.memory_space<semaphore_mem>>)
      %dma_wait3A = arith.constant 0 : i32
      %dma_wait3A_120 = tpu.memref_slice %arg8[%add3A_57, %dma_wait3A] : memref<10240x128xf32, #tpu.memory_space<vmem_shared>> -> memref<32x128xf32, #tpu.memory_space<vmem_shared>>
      %dma_wait3A_121 = arith.constant 0 : i32
      %dma_wait3A_122 = tpu.memref_slice %arg8[%add3A_57, %dma_wait3A_121] : memref<10240x128xf32, #tpu.memory_space<vmem_shared>> -> memref<32x128xf32, #tpu.memory_space<vmem_shared>>
      tpu.wait_dma2 semaphore(%run_scoped3A : memref<!tpu.dma_semaphore, #tpu.memory_space<semaphore_mem>>) src(%arg7 : memref<32x128xf32, #tpu.memory_space<vmem>>) dst(%dma_wait3A_122 : memref<32x128xf32, #tpu.memory_space<vmem_shared>>)
      tpu.yield
    }) : () -> ()
    %mul3A_58 = arith.constant 640 : i32
    %mul3A_59 = arith.muli %arg1, %mul3A_58 : i32
    %add3A_60 = arith.constant 352 : i32
    %add3A_61 = arith.addi %mul3A_59, %add3A_60 : i32
    "tpu.region"() ({
      %run_scoped3A = tpu.sem_alloc : memref<!tpu.dma_semaphore, #tpu.memory_space<semaphore_mem>>
      %dma_start3A = arith.constant 0 : i32
      %dma_start3A_117 = tpu.memref_slice %arg8[%add3A_61, %dma_start3A] : memref<10240x128xf32, #tpu.memory_space<vmem_shared>> -> memref<32x128xf32, #tpu.memory_space<vmem_shared>>
      %dma_start3A_118 = arith.constant 0 : i32
      %dma_start3A_119 = tpu.memref_slice %arg8[%add3A_61, %dma_start3A_118] : memref<10240x128xf32, #tpu.memory_space<vmem_shared>> -> memref<32x128xf32, #tpu.memory_space<vmem_shared>>
      tpu.enqueue_dma source(%arg7 : memref<32x128xf32, #tpu.memory_space<vmem>>) target(%dma_start3A_119 : memref<32x128xf32, #tpu.memory_space<vmem_shared>>) target_semaphore(%run_scoped3A : memref<!tpu.dma_semaphore, #tpu.memory_space<semaphore_mem>>)
      %dma_wait3A = arith.constant 0 : i32
      %dma_wait3A_120 = tpu.memref_slice %arg8[%add3A_61, %dma_wait3A] : memref<10240x128xf32, #tpu.memory_space<vmem_shared>> -> memref<32x128xf32, #tpu.memory_space<vmem_shared>>
      %dma_wait3A_121 = arith.constant 0 : i32
      %dma_wait3A_122 = tpu.memref_slice %arg8[%add3A_61, %dma_wait3A_121] : memref<10240x128xf32, #tpu.memory_space<vmem_shared>> -> memref<32x128xf32, #tpu.memory_space<vmem_shared>>
      tpu.wait_dma2 semaphore(%run_scoped3A : memref<!tpu.dma_semaphore, #tpu.memory_space<semaphore_mem>>) src(%arg7 : memref<32x128xf32, #tpu.memory_space<vmem>>) dst(%dma_wait3A_122 : memref<32x128xf32, #tpu.memory_space<vmem_shared>>)
      tpu.yield
    }) : () -> ()
    %mul3A_62 = arith.constant 640 : i32
    %mul3A_63 = arith.muli %arg1, %mul3A_62 : i32
    %add3A_64 = arith.constant 384 : i32
    %add3A_65 = arith.addi %mul3A_63, %add3A_64 : i32
    "tpu.region"() ({
      %run_scoped3A = tpu.sem_alloc : memref<!tpu.dma_semaphore, #tpu.memory_space<semaphore_mem>>
      %dma_start3A = arith.constant 0 : i32
      %dma_start3A_117 = tpu.memref_slice %arg8[%add3A_65, %dma_start3A] : memref<10240x128xf32, #tpu.memory_space<vmem_shared>> -> memref<32x128xf32, #tpu.memory_space<vmem_shared>>
      %dma_start3A_118 = arith.constant 0 : i32
      %dma_start3A_119 = tpu.memref_slice %arg8[%add3A_65, %dma_start3A_118] : memref<10240x128xf32, #tpu.memory_space<vmem_shared>> -> memref<32x128xf32, #tpu.memory_space<vmem_shared>>
      tpu.enqueue_dma source(%arg7 : memref<32x128xf32, #tpu.memory_space<vmem>>) target(%dma_start3A_119 : memref<32x128xf32, #tpu.memory_space<vmem_shared>>) target_semaphore(%run_scoped3A : memref<!tpu.dma_semaphore, #tpu.memory_space<semaphore_mem>>)
      %dma_wait3A = arith.constant 0 : i32
      %dma_wait3A_120 = tpu.memref_slice %arg8[%add3A_65, %dma_wait3A] : memref<10240x128xf32, #tpu.memory_space<vmem_shared>> -> memref<32x128xf32, #tpu.memory_space<vmem_shared>>
      %dma_wait3A_121 = arith.constant 0 : i32
      %dma_wait3A_122 = tpu.memref_slice %arg8[%add3A_65, %dma_wait3A_121] : memref<10240x128xf32, #tpu.memory_space<vmem_shared>> -> memref<32x128xf32, #tpu.memory_space<vmem_shared>>
      tpu.wait_dma2 semaphore(%run_scoped3A : memref<!tpu.dma_semaphore, #tpu.memory_space<semaphore_mem>>) src(%arg7 : memref<32x128xf32, #tpu.memory_space<vmem>>) dst(%dma_wait3A_122 : memref<32x128xf32, #tpu.memory_space<vmem_shared>>)
      tpu.yield
    }) : () -> ()
    %mul3A_66 = arith.constant 640 : i32
    %mul3A_67 = arith.muli %arg1, %mul3A_66 : i32
    %add3A_68 = arith.constant 416 : i32
    %add3A_69 = arith.addi %mul3A_67, %add3A_68 : i32
    "tpu.region"() ({
      %run_scoped3A = tpu.sem_alloc : memref<!tpu.dma_semaphore, #tpu.memory_space<semaphore_mem>>
      %dma_start3A = arith.constant 0 : i32
      %dma_start3A_117 = tpu.memref_slice %arg8[%add3A_69, %dma_start3A] : memref<10240x128xf32, #tpu.memory_space<vmem_shared>> -> memref<32x128xf32, #tpu.memory_space<vmem_shared>>
      %dma_start3A_118 = arith.constant 0 : i32
      %dma_start3A_119 = tpu.memref_slice %arg8[%add3A_69, %dma_start3A_118] : memref<10240x128xf32, #tpu.memory_space<vmem_shared>> -> memref<32x128xf32, #tpu.memory_space<vmem_shared>>
      tpu.enqueue_dma source(%arg7 : memref<32x128xf32, #tpu.memory_space<vmem>>) target(%dma_start3A_119 : memref<32x128xf32, #tpu.memory_space<vmem_shared>>) target_semaphore(%run_scoped3A : memref<!tpu.dma_semaphore, #tpu.memory_space<semaphore_mem>>)
      %dma_wait3A = arith.constant 0 : i32
      %dma_wait3A_120 = tpu.memref_slice %arg8[%add3A_69, %dma_wait3A] : memref<10240x128xf32, #tpu.memory_space<vmem_shared>> -> memref<32x128xf32, #tpu.memory_space<vmem_shared>>
      %dma_wait3A_121 = arith.constant 0 : i32
      %dma_wait3A_122 = tpu.memref_slice %arg8[%add3A_69, %dma_wait3A_121] : memref<10240x128xf32, #tpu.memory_space<vmem_shared>> -> memref<32x128xf32, #tpu.memory_space<vmem_shared>>
      tpu.wait_dma2 semaphore(%run_scoped3A : memref<!tpu.dma_semaphore, #tpu.memory_space<semaphore_mem>>) src(%arg7 : memref<32x128xf32, #tpu.memory_space<vmem>>) dst(%dma_wait3A_122 : memref<32x128xf32, #tpu.memory_space<vmem_shared>>)
      tpu.yield
    }) : () -> ()
    %mul3A_70 = arith.constant 640 : i32
    %mul3A_71 = arith.muli %arg1, %mul3A_70 : i32
    %add3A_72 = arith.constant 448 : i32
    %add3A_73 = arith.addi %mul3A_71, %add3A_72 : i32
    "tpu.region"() ({
      %run_scoped3A = tpu.sem_alloc : memref<!tpu.dma_semaphore, #tpu.memory_space<semaphore_mem>>
      %dma_start3A = arith.constant 0 : i32
      %dma_start3A_117 = tpu.memref_slice %arg8[%add3A_73, %dma_start3A] : memref<10240x128xf32, #tpu.memory_space<vmem_shared>> -> memref<32x128xf32, #tpu.memory_space<vmem_shared>>
      %dma_start3A_118 = arith.constant 0 : i32
      %dma_start3A_119 = tpu.memref_slice %arg8[%add3A_73, %dma_start3A_118] : memref<10240x128xf32, #tpu.memory_space<vmem_shared>> -> memref<32x128xf32, #tpu.memory_space<vmem_shared>>
      tpu.enqueue_dma source(%arg7 : memref<32x128xf32, #tpu.memory_space<vmem>>) target(%dma_start3A_119 : memref<32x128xf32, #tpu.memory_space<vmem_shared>>) target_semaphore(%run_scoped3A : memref<!tpu.dma_semaphore, #tpu.memory_space<semaphore_mem>>)
      %dma_wait3A = arith.constant 0 : i32
      %dma_wait3A_120 = tpu.memref_slice %arg8[%add3A_73, %dma_wait3A] : memref<10240x128xf32, #tpu.memory_space<vmem_shared>> -> memref<32x128xf32, #tpu.memory_space<vmem_shared>>
      %dma_wait3A_121 = arith.constant 0 : i32
      %dma_wait3A_122 = tpu.memref_slice %arg8[%add3A_73, %dma_wait3A_121] : memref<10240x128xf32, #tpu.memory_space<vmem_shared>> -> memref<32x128xf32, #tpu.memory_space<vmem_shared>>
      tpu.wait_dma2 semaphore(%run_scoped3A : memref<!tpu.dma_semaphore, #tpu.memory_space<semaphore_mem>>) src(%arg7 : memref<32x128xf32, #tpu.memory_space<vmem>>) dst(%dma_wait3A_122 : memref<32x128xf32, #tpu.memory_space<vmem_shared>>)
      tpu.yield
    }) : () -> ()
    %mul3A_74 = arith.constant 640 : i32
    %mul3A_75 = arith.muli %arg1, %mul3A_74 : i32
    %add3A_76 = arith.constant 480 : i32
    %add3A_77 = arith.addi %mul3A_75, %add3A_76 : i32
    "tpu.region"() ({
      %run_scoped3A = tpu.sem_alloc : memref<!tpu.dma_semaphore, #tpu.memory_space<semaphore_mem>>
      %dma_start3A = arith.constant 0 : i32
      %dma_start3A_117 = tpu.memref_slice %arg8[%add3A_77, %dma_start3A] : memref<10240x128xf32, #tpu.memory_space<vmem_shared>> -> memref<32x128xf32, #tpu.memory_space<vmem_shared>>
      %dma_start3A_118 = arith.constant 0 : i32
      %dma_start3A_119 = tpu.memref_slice %arg8[%add3A_77, %dma_start3A_118] : memref<10240x128xf32, #tpu.memory_space<vmem_shared>> -> memref<32x128xf32, #tpu.memory_space<vmem_shared>>
      tpu.enqueue_dma source(%arg7 : memref<32x128xf32, #tpu.memory_space<vmem>>) target(%dma_start3A_119 : memref<32x128xf32, #tpu.memory_space<vmem_shared>>) target_semaphore(%run_scoped3A : memref<!tpu.dma_semaphore, #tpu.memory_space<semaphore_mem>>)
      %dma_wait3A = arith.constant 0 : i32
      %dma_wait3A_120 = tpu.memref_slice %arg8[%add3A_77, %dma_wait3A] : memref<10240x128xf32, #tpu.memory_space<vmem_shared>> -> memref<32x128xf32, #tpu.memory_space<vmem_shared>>
      %dma_wait3A_121 = arith.constant 0 : i32
      %dma_wait3A_122 = tpu.memref_slice %arg8[%add3A_77, %dma_wait3A_121] : memref<10240x128xf32, #tpu.memory_space<vmem_shared>> -> memref<32x128xf32, #tpu.memory_space<vmem_shared>>
      tpu.wait_dma2 semaphore(%run_scoped3A : memref<!tpu.dma_semaphore, #tpu.memory_space<semaphore_mem>>) src(%arg7 : memref<32x128xf32, #tpu.memory_space<vmem>>) dst(%dma_wait3A_122 : memref<32x128xf32, #tpu.memory_space<vmem_shared>>)
      tpu.yield
    }) : () -> ()
    %mul3A_78 = arith.constant 640 : i32
    %mul3A_79 = arith.muli %arg1, %mul3A_78 : i32
    %add3A_80 = arith.constant 512 : i32
    %add3A_81 = arith.addi %mul3A_79, %add3A_80 : i32
    "tpu.region"() ({
      %run_scoped3A = tpu.sem_alloc : memref<!tpu.dma_semaphore, #tpu.memory_space<semaphore_mem>>
      %dma_start3A = arith.constant 0 : i32
      %dma_start3A_117 = tpu.memref_slice %arg8[%add3A_81, %dma_start3A] : memref<10240x128xf32, #tpu.memory_space<vmem_shared>> -> memref<32x128xf32, #tpu.memory_space<vmem_shared>>
      %dma_start3A_118 = arith.constant 0 : i32
      %dma_start3A_119 = tpu.memref_slice %arg8[%add3A_81, %dma_start3A_118] : memref<10240x128xf32, #tpu.memory_space<vmem_shared>> -> memref<32x128xf32, #tpu.memory_space<vmem_shared>>
      tpu.enqueue_dma source(%arg7 : memref<32x128xf32, #tpu.memory_space<vmem>>) target(%dma_start3A_119 : memref<32x128xf32, #tpu.memory_space<vmem_shared>>) target_semaphore(%run_scoped3A : memref<!tpu.dma_semaphore, #tpu.memory_space<semaphore_mem>>)
      %dma_wait3A = arith.constant 0 : i32
      %dma_wait3A_120 = tpu.memref_slice %arg8[%add3A_81, %dma_wait3A] : memref<10240x128xf32, #tpu.memory_space<vmem_shared>> -> memref<32x128xf32, #tpu.memory_space<vmem_shared>>
      %dma_wait3A_121 = arith.constant 0 : i32
      %dma_wait3A_122 = tpu.memref_slice %arg8[%add3A_81, %dma_wait3A_121] : memref<10240x128xf32, #tpu.memory_space<vmem_shared>> -> memref<32x128xf32, #tpu.memory_space<vmem_shared>>
      tpu.wait_dma2 semaphore(%run_scoped3A : memref<!tpu.dma_semaphore, #tpu.memory_space<semaphore_mem>>) src(%arg7 : memref<32x128xf32, #tpu.memory_space<vmem>>) dst(%dma_wait3A_122 : memref<32x128xf32, #tpu.memory_space<vmem_shared>>)
      tpu.yield
    }) : () -> ()
    %mul3A_82 = arith.constant 640 : i32
    %mul3A_83 = arith.muli %arg1, %mul3A_82 : i32
    %add3A_84 = arith.constant 544 : i32
    %add3A_85 = arith.addi %mul3A_83, %add3A_84 : i32
    "tpu.region"() ({
      %run_scoped3A = tpu.sem_alloc : memref<!tpu.dma_semaphore, #tpu.memory_space<semaphore_mem>>
      %dma_start3A = arith.constant 0 : i32
      %dma_start3A_117 = tpu.memref_slice %arg8[%add3A_85, %dma_start3A] : memref<10240x128xf32, #tpu.memory_space<vmem_shared>> -> memref<32x128xf32, #tpu.memory_space<vmem_shared>>
      %dma_start3A_118 = arith.constant 0 : i32
      %dma_start3A_119 = tpu.memref_slice %arg8[%add3A_85, %dma_start3A_118] : memref<10240x128xf32, #tpu.memory_space<vmem_shared>> -> memref<32x128xf32, #tpu.memory_space<vmem_shared>>
      tpu.enqueue_dma source(%arg7 : memref<32x128xf32, #tpu.memory_space<vmem>>) target(%dma_start3A_119 : memref<32x128xf32, #tpu.memory_space<vmem_shared>>) target_semaphore(%run_scoped3A : memref<!tpu.dma_semaphore, #tpu.memory_space<semaphore_mem>>)
      %dma_wait3A = arith.constant 0 : i32
      %dma_wait3A_120 = tpu.memref_slice %arg8[%add3A_85, %dma_wait3A] : memref<10240x128xf32, #tpu.memory_space<vmem_shared>> -> memref<32x128xf32, #tpu.memory_space<vmem_shared>>
      %dma_wait3A_121 = arith.constant 0 : i32
      %dma_wait3A_122 = tpu.memref_slice %arg8[%add3A_85, %dma_wait3A_121] : memref<10240x128xf32, #tpu.memory_space<vmem_shared>> -> memref<32x128xf32, #tpu.memory_space<vmem_shared>>
      tpu.wait_dma2 semaphore(%run_scoped3A : memref<!tpu.dma_semaphore, #tpu.memory_space<semaphore_mem>>) src(%arg7 : memref<32x128xf32, #tpu.memory_space<vmem>>) dst(%dma_wait3A_122 : memref<32x128xf32, #tpu.memory_space<vmem_shared>>)
      tpu.yield
    }) : () -> ()
    %mul3A_86 = arith.constant 640 : i32
    %mul3A_87 = arith.muli %arg1, %mul3A_86 : i32
    %add3A_88 = arith.constant 576 : i32
    %add3A_89 = arith.addi %mul3A_87, %add3A_88 : i32
    "tpu.region"() ({
      %run_scoped3A = tpu.sem_alloc : memref<!tpu.dma_semaphore, #tpu.memory_space<semaphore_mem>>
      %dma_start3A = arith.constant 0 : i32
      %dma_start3A_117 = tpu.memref_slice %arg8[%add3A_89, %dma_start3A] : memref<10240x128xf32, #tpu.memory_space<vmem_shared>> -> memref<32x128xf32, #tpu.memory_space<vmem_shared>>
      %dma_start3A_118 = arith.constant 0 : i32
      %dma_start3A_119 = tpu.memref_slice %arg8[%add3A_89, %dma_start3A_118] : memref<10240x128xf32, #tpu.memory_space<vmem_shared>> -> memref<32x128xf32, #tpu.memory_space<vmem_shared>>
      tpu.enqueue_dma source(%arg7 : memref<32x128xf32, #tpu.memory_space<vmem>>) target(%dma_start3A_119 : memref<32x128xf32, #tpu.memory_space<vmem_shared>>) target_semaphore(%run_scoped3A : memref<!tpu.dma_semaphore, #tpu.memory_space<semaphore_mem>>)
      %dma_wait3A = arith.constant 0 : i32
      %dma_wait3A_120 = tpu.memref_slice %arg8[%add3A_89, %dma_wait3A] : memref<10240x128xf32, #tpu.memory_space<vmem_shared>> -> memref<32x128xf32, #tpu.memory_space<vmem_shared>>
      %dma_wait3A_121 = arith.constant 0 : i32
      %dma_wait3A_122 = tpu.memref_slice %arg8[%add3A_89, %dma_wait3A_121] : memref<10240x128xf32, #tpu.memory_space<vmem_shared>> -> memref<32x128xf32, #tpu.memory_space<vmem_shared>>
      tpu.wait_dma2 semaphore(%run_scoped3A : memref<!tpu.dma_semaphore, #tpu.memory_space<semaphore_mem>>) src(%arg7 : memref<32x128xf32, #tpu.memory_space<vmem>>) dst(%dma_wait3A_122 : memref<32x128xf32, #tpu.memory_space<vmem_shared>>)
      tpu.yield
    }) : () -> ()
    %mul3A_90 = arith.constant 640 : i32
    %mul3A_91 = arith.muli %arg1, %mul3A_90 : i32
    %add3A_92 = arith.constant 608 : i32
    %add3A_93 = arith.addi %mul3A_91, %add3A_92 : i32
    "tpu.region"() ({
      %run_scoped3A = tpu.sem_alloc : memref<!tpu.dma_semaphore, #tpu.memory_space<semaphore_mem>>
      %dma_start3A = arith.constant 0 : i32
      %dma_start3A_117 = tpu.memref_slice %arg8[%add3A_93, %dma_start3A] : memref<10240x128xf32, #tpu.memory_space<vmem_shared>> -> memref<32x128xf32, #tpu.memory_space<vmem_shared>>
      %dma_start3A_118 = arith.constant 0 : i32
      %dma_start3A_119 = tpu.memref_slice %arg8[%add3A_93, %dma_start3A_118] : memref<10240x128xf32, #tpu.memory_space<vmem_shared>> -> memref<32x128xf32, #tpu.memory_space<vmem_shared>>
      tpu.enqueue_dma source(%arg7 : memref<32x128xf32, #tpu.memory_space<vmem>>) target(%dma_start3A_119 : memref<32x128xf32, #tpu.memory_space<vmem_shared>>) target_semaphore(%run_scoped3A : memref<!tpu.dma_semaphore, #tpu.memory_space<semaphore_mem>>)
      %dma_wait3A = arith.constant 0 : i32
      %dma_wait3A_120 = tpu.memref_slice %arg8[%add3A_93, %dma_wait3A] : memref<10240x128xf32, #tpu.memory_space<vmem_shared>> -> memref<32x128xf32, #tpu.memory_space<vmem_shared>>
      %dma_wait3A_121 = arith.constant 0 : i32
      %dma_wait3A_122 = tpu.memref_slice %arg8[%add3A_93, %dma_wait3A_121] : memref<10240x128xf32, #tpu.memory_space<vmem_shared>> -> memref<32x128xf32, #tpu.memory_space<vmem_shared>>
      tpu.wait_dma2 semaphore(%run_scoped3A : memref<!tpu.dma_semaphore, #tpu.memory_space<semaphore_mem>>) src(%arg7 : memref<32x128xf32, #tpu.memory_space<vmem>>) dst(%dma_wait3A_122 : memref<32x128xf32, #tpu.memory_space<vmem_shared>>)
      tpu.yield
    }) : () -> ()
    %barrier3A = arith.constant 0 : index
    tpu.barrier barrier_id(%barrier3A)
    %scan3A_94 = arith.constant 0 : i32
    %scan3A_95 = arith.constant 0 : i32
    %scan3A_96 = arith.constant 3 : i32
    %scan3A_97 = arith.addi %scan3A_95, %scan3A_96 : i32
    %scan3A_98 = arith.constant 1 : i32
    %scan3A_99 = scf.for %scan3A_117 = %scan3A_95 to %scan3A_97 step %scan3A_98 iter_args(%scan3A_118 = %scan3A_94) -> (i32)  : i32 {
      %mul3A_119 = arith.constant 26 : i32
      %mul3A_120 = arith.muli %scan3A_117, %mul3A_119 : i32
      %add3A_121 = arith.addi %add3A_4, %mul3A_120 : i32
      %jit3A_122 = arith.constant 8 : i32
      %div3A = arith.divsi %add3A_121, %jit3A_122 : i32
      %sign3A = arith.constant 0 : i32
      %sign3A_123 = arith.cmpi sgt, %add3A_121, %sign3A : i32
      %sign3A_124 = arith.extui %sign3A_123 : i1 to i32
      %sign3A_125 = arith.constant 0 : i32
      %sign3A_126 = arith.cmpi slt, %add3A_121, %sign3A_125 : i32
      %sign3A_127 = arith.extui %sign3A_126 : i1 to i32
      %sign3A_128 = arith.subi %sign3A_124, %sign3A_127 : i32
      %sign3A_129 = arith.constant 0 : i32
      %sign3A_130 = arith.cmpi sgt, %jit3A_122, %sign3A_129 : i32
      %sign3A_131 = arith.extui %sign3A_130 : i1 to i32
      %sign3A_132 = arith.constant 0 : i32
      %sign3A_133 = arith.cmpi slt, %jit3A_122, %sign3A_132 : i32
      %sign3A_134 = arith.extui %sign3A_133 : i1 to i32
      %sign3A_135 = arith.subi %sign3A_131, %sign3A_134 : i32
      %ne3A = arith.cmpi ne, %sign3A_128, %sign3A_135 : i32
      %rem3A = arith.remsi %add3A_121, %jit3A_122 : i32
      %ne3A_136 = arith.constant 0 : i32
      %ne3A_137 = arith.cmpi ne, %rem3A, %ne3A_136 : i32
      %and3A = arith.andi %ne3A, %ne3A_137 : i1
      %sub3A = arith.constant 1 : i32
      %sub3A_138 = arith.subi %div3A, %sub3A : i32
      %select_n3A_139 = arith.select %and3A, %sub3A_138, %div3A : i32
      %mul3A_140 = arith.constant 8 : i32
      %mul3A_141 = arith.muli %select_n3A_139, %mul3A_140 : i32
      %sub3A_142 = arith.subi %add3A_121, %mul3A_141 : i32
      "tpu.region"() ({
        %run_scoped3A_212 = tpu.sem_alloc : memref<!tpu.dma_semaphore, #tpu.memory_space<semaphore_mem>>
        %dma_start3A_213 = arith.constant 0 : i32
        %dma_start3A_214 = arith.constant 0 : i32
        %dma_start3A_215 = tpu.memref_slice %arg3[%mul3A_141, %dma_start3A_213, %dma_start3A_214] : memref<2516x2x128xi32, #tpu.memory_space<hbm>> -> memref<40x2x128xi32, #tpu.memory_space<hbm>>
        %dma_start3A_216 = arith.constant 0 : i32
        %dma_start3A_217 = arith.constant 0 : i32
        %dma_start3A_218 = tpu.memref_slice %arg3[%mul3A_141, %dma_start3A_216, %dma_start3A_217] : memref<2516x2x128xi32, #tpu.memory_space<hbm>> -> memref<40x2x128xi32, #tpu.memory_space<hbm>>
        tpu.enqueue_dma source(%dma_start3A_218 : memref<40x2x128xi32, #tpu.memory_space<hbm>>) target(%arg5 : memref<40x2x128xi32, #tpu.memory_space<vmem>>) target_semaphore(%run_scoped3A_212 : memref<!tpu.dma_semaphore, #tpu.memory_space<semaphore_mem>>)
        %dma_wait3A_219 = arith.constant 0 : i32
        %dma_wait3A_220 = arith.constant 0 : i32
        %dma_wait3A_221 = tpu.memref_slice %arg3[%mul3A_141, %dma_wait3A_219, %dma_wait3A_220] : memref<2516x2x128xi32, #tpu.memory_space<hbm>> -> memref<40x2x128xi32, #tpu.memory_space<hbm>>
        %dma_wait3A_222 = arith.constant 0 : i32
        %dma_wait3A_223 = arith.constant 0 : i32
        %dma_wait3A_224 = tpu.memref_slice %arg3[%mul3A_141, %dma_wait3A_222, %dma_wait3A_223] : memref<2516x2x128xi32, #tpu.memory_space<hbm>> -> memref<40x2x128xi32, #tpu.memory_space<hbm>>
        tpu.wait_dma2 semaphore(%run_scoped3A_212 : memref<!tpu.dma_semaphore, #tpu.memory_space<semaphore_mem>>) src(%dma_wait3A_224 : memref<40x2x128xi32, #tpu.memory_space<hbm>>) dst(%arg5 : memref<40x2x128xi32, #tpu.memory_space<vmem>>)
        tpu.yield
      }) : () -> ()
      %dma_start3A = arith.constant 0 : i32
      %dma_start3A_143 = arith.constant 0 : i32
      %dma_start3A_144 = arith.constant 0 : i32
      %dma_start3A_145 = arith.constant 0 : i32
      %dma_start3A_146 = tpu.memref_slice %arg6[%dma_start3A_143, %dma_start3A_144, %dma_start3A_145] : memref<2x128x128xf32, #tpu.memory_space<vmem>> -> memref<1x128x128xf32, #tpu.memory_space<vmem>>
      %dma_start3A_147 = tpu.memref_squeeze %dma_start3A_146 : memref<1x128x128xf32, #tpu.memory_space<vmem>> -> memref<128x128xf32, #tpu.memory_space<vmem>>
      %dma_start3A_148 = arith.constant 0 : i32
      %dma_start3A_149 = tpu.memref_slice %arg5[%sub3A_142, %dma_start3A, %dma_start3A_148] : memref<40x2x128xi32, #tpu.memory_space<vmem>> -> memref<1x1x128xi32, #tpu.memory_space<vmem>>
      %dma_start3A_150 = tpu.memref_squeeze %dma_start3A_149 : memref<1x1x128xi32, #tpu.memory_space<vmem>> -> memref<128xi32, #tpu.memory_space<vmem>>
      %dma_start3A_151 = arith.constant 0 : i32
      %dma_start3A_152 = arith.constant 0 : i32
      %dma_start3A_153 = tpu.memref_slice %arg2[%dma_start3A_151, %dma_start3A_152] : memref<10000x128xf32, #tpu.memory_space<hbm>> -> memref<10000x128xf32, #tpu.memory_space<hbm>>
      tpu.enqueue_indirect_dma source(%dma_start3A_153 : memref<10000x128xf32, #tpu.memory_space<hbm>>) target(%dma_start3A_147 : memref<128x128xf32, #tpu.memory_space<vmem>>) offsets(%dma_start3A_150 : memref<128xi32, #tpu.memory_space<vmem>>) semaphore(%arg9 : memref<!tpu.dma_semaphore, #tpu.memory_space<semaphore_mem>>)
      %add3A_154 = arith.constant 1 : i32
      %add3A_155 = arith.addi %sub3A_142, %add3A_154 : i32
      %dma_start3A_156 = arith.constant 0 : i32
      %dma_start3A_157 = arith.constant 1 : i32
      %dma_start3A_158 = arith.constant 0 : i32
      %dma_start3A_159 = arith.constant 0 : i32
      %dma_start3A_160 = tpu.memref_slice %arg6[%dma_start3A_157, %dma_start3A_158, %dma_start3A_159] : memref<2x128x128xf32, #tpu.memory_space<vmem>> -> memref<1x128x128xf32, #tpu.memory_space<vmem>>
      %dma_start3A_161 = tpu.memref_squeeze %dma_start3A_160 : memref<1x128x128xf32, #tpu.memory_space<vmem>> -> memref<128x128xf32, #tpu.memory_space<vmem>>
      %dma_start3A_162 = arith.constant 0 : i32
      %dma_start3A_163 = tpu.memref_slice %arg5[%add3A_155, %dma_start3A_156, %dma_start3A_162] : memref<40x2x128xi32, #tpu.memory_space<vmem>> -> memref<1x1x128xi32, #tpu.memory_space<vmem>>
      %dma_start3A_164 = tpu.memref_squeeze %dma_start3A_163 : memref<1x1x128xi32, #tpu.memory_space<vmem>> -> memref<128xi32, #tpu.memory_space<vmem>>
      %dma_start3A_165 = arith.constant 0 : i32
      %dma_start3A_166 = arith.constant 0 : i32
      %dma_start3A_167 = tpu.memref_slice %arg2[%dma_start3A_165, %dma_start3A_166] : memref<10000x128xf32, #tpu.memory_space<hbm>> -> memref<10000x128xf32, #tpu.memory_space<hbm>>
      tpu.enqueue_indirect_dma source(%dma_start3A_167 : memref<10000x128xf32, #tpu.memory_space<hbm>>) target(%dma_start3A_161 : memref<128x128xf32, #tpu.memory_space<vmem>>) offsets(%dma_start3A_164 : memref<128xi32, #tpu.memory_space<vmem>>) semaphore(%arg10 : memref<!tpu.dma_semaphore, #tpu.memory_space<semaphore_mem>>)
      %scan3A_168 = arith.constant 0 : i32
      %scan3A_169 = arith.constant 0 : i32
      %scan3A_170 = arith.constant 12 : i32
      %scan3A_171 = arith.addi %scan3A_169, %scan3A_170 : i32
      %scan3A_172 = arith.constant 1 : i32
      %scan3A_173 = scf.for %scan3A_212 = %scan3A_169 to %scan3A_171 step %scan3A_172 iter_args(%scan3A_213 = %scan3A_168) -> (i32)  : i32 {
        %dma_wait3A_214 = arith.constant 0 : i32
        %dma_wait3A_215 = arith.constant 0 : i32
        %dma_wait3A_216 = arith.constant 0 : i32
        %dma_wait3A_217 = arith.constant 0 : i32
        %dma_wait3A_218 = arith.constant 0 : i32
        %dma_wait3A_219 = tpu.memref_slice %arg6[%dma_wait3A_216, %dma_wait3A_217, %dma_wait3A_218] : memref<2x128x128xf32, #tpu.memory_space<vmem>> -> memref<1x128x128xf32, #tpu.memory_space<vmem>>
        %dma_wait3A_220 = tpu.memref_squeeze %dma_wait3A_219 : memref<1x128x128xf32, #tpu.memory_space<vmem>> -> memref<128x128xf32, #tpu.memory_space<vmem>>
        %dma_wait3A_221 = arith.constant 0 : i32
        %dma_wait3A_222 = tpu.memref_slice %arg5[%dma_wait3A_214, %dma_wait3A_215, %dma_wait3A_221] : memref<40x2x128xi32, #tpu.memory_space<vmem>> -> memref<1x1x128xi32, #tpu.memory_space<vmem>>
        %dma_wait3A_223 = tpu.memref_squeeze %dma_wait3A_222 : memref<1x1x128xi32, #tpu.memory_space<vmem>> -> memref<128xi32, #tpu.memory_space<vmem>>
        %dma_wait3A_224 = arith.constant 0 : i32
        %dma_wait3A_225 = arith.constant 0 : i32
        %dma_wait3A_226 = tpu.memref_slice %arg2[%dma_wait3A_224, %dma_wait3A_225] : memref<10000x128xf32, #tpu.memory_space<hbm>> -> memref<10000x128xf32, #tpu.memory_space<hbm>>
        tpu.wait_indirect_dma semaphore(%arg9 : memref<!tpu.dma_semaphore, #tpu.memory_space<semaphore_mem>>) src(%dma_wait3A_226 : memref<10000x128xf32, #tpu.memory_space<hbm>>) dst(%dma_wait3A_220 : memref<128x128xf32, #tpu.memory_space<vmem>>)
        %mul3A_227 = arith.constant 2 : i32
        %mul3A_228 = arith.muli %mul3A_227, %scan3A_212 : i32
        %add3A_229 = arith.addi %sub3A_142, %mul3A_228 : i32
        %run_scoped3A_230 = arith.constant 0 : i32
        %run_scoped3A_231 = arith.constant 1 : i32
        "tpu.region"() ({
          %run_scoped3A_287 = tpu.sem_alloc : memref<!tpu.dma_semaphore, #tpu.memory_space<semaphore_mem>>
          %dma_start3A_288 = arith.constant 0 : i32
          %dma_start3A_289 = arith.constant 0 : i32
          %dma_start3A_290 = tpu.memref_slice %arg6[%run_scoped3A_230, %dma_start3A_288, %dma_start3A_289] : memref<2x128x128xf32, #tpu.memory_space<vmem>> -> memref<1x128x128xf32, #tpu.memory_space<vmem>>
          %dma_start3A_291 = tpu.memref_squeeze %dma_start3A_290 : memref<1x128x128xf32, #tpu.memory_space<vmem>> -> memref<128x128xf32, #tpu.memory_space<vmem>>
          %dma_start3A_292 = arith.constant 0 : i32
          %dma_start3A_293 = tpu.memref_slice %arg5[%add3A_229, %run_scoped3A_231, %dma_start3A_292] : memref<40x2x128xi32, #tpu.memory_space<vmem>> -> memref<1x1x128xi32, #tpu.memory_space<vmem>>
          %dma_start3A_294 = tpu.memref_squeeze %dma_start3A_293 : memref<1x1x128xi32, #tpu.memory_space<vmem>> -> memref<128xi32, #tpu.memory_space<vmem>>
          %dma_start3A_295 = arith.constant 0 : i32
          %dma_start3A_296 = arith.constant 0 : i32
          %dma_start3A_297 = tpu.memref_slice %arg8[%dma_start3A_295, %dma_start3A_296] : memref<10240x128xf32, #tpu.memory_space<vmem_shared>> -> memref<10240x128xf32, #tpu.memory_space<vmem_shared>>
          tpu.enqueue_indirect_dma source(%dma_start3A_291 : memref<128x128xf32, #tpu.memory_space<vmem>>) target(%dma_start3A_297 : memref<10240x128xf32, #tpu.memory_space<vmem_shared>>) offsets(%dma_start3A_294 : memref<128xi32, #tpu.memory_space<vmem>>) semaphore(%run_scoped3A_287 : memref<!tpu.dma_semaphore, #tpu.memory_space<semaphore_mem>>) {add = true}
          %dma_wait3A_298 = arith.constant 0 : i32
          %dma_wait3A_299 = arith.constant 0 : i32
          %dma_wait3A_300 = tpu.memref_slice %arg6[%run_scoped3A_230, %dma_wait3A_298, %dma_wait3A_299] : memref<2x128x128xf32, #tpu.memory_space<vmem>> -> memref<1x128x128xf32, #tpu.memory_space<vmem>>
          %dma_wait3A_301 = tpu.memref_squeeze %dma_wait3A_300 : memref<1x128x128xf32, #tpu.memory_space<vmem>> -> memref<128x128xf32, #tpu.memory_space<vmem>>
          %dma_wait3A_302 = arith.constant 0 : i32
          %dma_wait3A_303 = tpu.memref_slice %arg5[%add3A_229, %run_scoped3A_231, %dma_wait3A_302] : memref<40x2x128xi32, #tpu.memory_space<vmem>> -> memref<1x1x128xi32, #tpu.memory_space<vmem>>
          %dma_wait3A_304 = tpu.memref_squeeze %dma_wait3A_303 : memref<1x1x128xi32, #tpu.memory_space<vmem>> -> memref<128xi32, #tpu.memory_space<vmem>>
          %dma_wait3A_305 = arith.constant 0 : i32
          %dma_wait3A_306 = arith.constant 0 : i32
          %dma_wait3A_307 = tpu.memref_slice %arg8[%dma_wait3A_305, %dma_wait3A_306] : memref<10240x128xf32, #tpu.memory_space<vmem_shared>> -> memref<10240x128xf32, #tpu.memory_space<vmem_shared>>
          tpu.wait_indirect_dma semaphore(%run_scoped3A_287 : memref<!tpu.dma_semaphore, #tpu.memory_space<semaphore_mem>>) src(%dma_wait3A_301 : memref<128x128xf32, #tpu.memory_space<vmem>>) dst(%dma_wait3A_307 : memref<10240x128xf32, #tpu.memory_space<vmem_shared>>)
          tpu.yield
        }) : () -> ()
        %mul3A_232 = arith.constant 2 : i32
        %mul3A_233 = arith.muli %mul3A_232, %scan3A_212 : i32
        %add3A_234 = arith.addi %sub3A_142, %mul3A_233 : i32
        %add3A_235 = arith.constant 2 : i32
        %add3A_236 = arith.addi %add3A_234, %add3A_235 : i32
        %dma_start3A_237 = arith.constant 0 : i32
        %dma_start3A_238 = arith.constant 0 : i32
        %dma_start3A_239 = arith.constant 0 : i32
        %dma_start3A_240 = arith.constant 0 : i32
        %dma_start3A_241 = tpu.memref_slice %arg6[%dma_start3A_238, %dma_start3A_239, %dma_start3A_240] : memref<2x128x128xf32, #tpu.memory_space<vmem>> -> memref<1x128x128xf32, #tpu.memory_space<vmem>>
        %dma_start3A_242 = tpu.memref_squeeze %dma_start3A_241 : memref<1x128x128xf32, #tpu.memory_space<vmem>> -> memref<128x128xf32, #tpu.memory_space<vmem>>
        %dma_start3A_243 = arith.constant 0 : i32
        %dma_start3A_244 = tpu.memref_slice %arg5[%add3A_236, %dma_start3A_237, %dma_start3A_243] : memref<40x2x128xi32, #tpu.memory_space<vmem>> -> memref<1x1x128xi32, #tpu.memory_space<vmem>>
        %dma_start3A_245 = tpu.memref_squeeze %dma_start3A_244 : memref<1x1x128xi32, #tpu.memory_space<vmem>> -> memref<128xi32, #tpu.memory_space<vmem>>
        %dma_start3A_246 = arith.constant 0 : i32
        %dma_start3A_247 = arith.constant 0 : i32
        %dma_start3A_248 = tpu.memref_slice %arg2[%dma_start3A_246, %dma_start3A_247] : memref<10000x128xf32, #tpu.memory_space<hbm>> -> memref<10000x128xf32, #tpu.memory_space<hbm>>
        tpu.enqueue_indirect_dma source(%dma_start3A_248 : memref<10000x128xf32, #tpu.memory_space<hbm>>) target(%dma_start3A_242 : memref<128x128xf32, #tpu.memory_space<vmem>>) offsets(%dma_start3A_245 : memref<128xi32, #tpu.memory_space<vmem>>) semaphore(%arg9 : memref<!tpu.dma_semaphore, #tpu.memory_space<semaphore_mem>>)
        %dma_wait3A_249 = arith.constant 0 : i32
        %dma_wait3A_250 = arith.constant 0 : i32
        %dma_wait3A_251 = arith.constant 1 : i32
        %dma_wait3A_252 = arith.constant 0 : i32
        %dma_wait3A_253 = arith.constant 0 : i32
        %dma_wait3A_254 = tpu.memref_slice %arg6[%dma_wait3A_251, %dma_wait3A_252, %dma_wait3A_253] : memref<2x128x128xf32, #tpu.memory_space<vmem>> -> memref<1x128x128xf32, #tpu.memory_space<vmem>>
        %dma_wait3A_255 = tpu.memref_squeeze %dma_wait3A_254 : memref<1x128x128xf32, #tpu.memory_space<vmem>> -> memref<128x128xf32, #tpu.memory_space<vmem>>
        %dma_wait3A_256 = arith.constant 0 : i32
        %dma_wait3A_257 = tpu.memref_slice %arg5[%dma_wait3A_249, %dma_wait3A_250, %dma_wait3A_256] : memref<40x2x128xi32, #tpu.memory_space<vmem>> -> memref<1x1x128xi32, #tpu.memory_space<vmem>>
        %dma_wait3A_258 = tpu.memref_squeeze %dma_wait3A_257 : memref<1x1x128xi32, #tpu.memory_space<vmem>> -> memref<128xi32, #tpu.memory_space<vmem>>
        %dma_wait3A_259 = arith.constant 0 : i32
        %dma_wait3A_260 = arith.constant 0 : i32
        %dma_wait3A_261 = tpu.memref_slice %arg2[%dma_wait3A_259, %dma_wait3A_260] : memref<10000x128xf32, #tpu.memory_space<hbm>> -> memref<10000x128xf32, #tpu.memory_space<hbm>>
        tpu.wait_indirect_dma semaphore(%arg10 : memref<!tpu.dma_semaphore, #tpu.memory_space<semaphore_mem>>) src(%dma_wait3A_261 : memref<10000x128xf32, #tpu.memory_space<hbm>>) dst(%dma_wait3A_255 : memref<128x128xf32, #tpu.memory_space<vmem>>)
        %mul3A_262 = arith.constant 2 : i32
        %mul3A_263 = arith.muli %mul3A_262, %scan3A_212 : i32
        %add3A_264 = arith.addi %sub3A_142, %mul3A_263 : i32
        %add3A_265 = arith.constant 1 : i32
        %add3A_266 = arith.addi %add3A_264, %add3A_265 : i32
        %run_scoped3A_267 = arith.constant 1 : i32
        %run_scoped3A_268 = arith.constant 1 : i32
        "tpu.region"() ({
          %run_scoped3A_287 = tpu.sem_alloc : memref<!tpu.dma_semaphore, #tpu.memory_space<semaphore_mem>>
          %dma_start3A_288 = arith.constant 0 : i32
          %dma_start3A_289 = arith.constant 0 : i32
          %dma_start3A_290 = tpu.memref_slice %arg6[%run_scoped3A_267, %dma_start3A_288, %dma_start3A_289] : memref<2x128x128xf32, #tpu.memory_space<vmem>> -> memref<1x128x128xf32, #tpu.memory_space<vmem>>
          %dma_start3A_291 = tpu.memref_squeeze %dma_start3A_290 : memref<1x128x128xf32, #tpu.memory_space<vmem>> -> memref<128x128xf32, #tpu.memory_space<vmem>>
          %dma_start3A_292 = arith.constant 0 : i32
          %dma_start3A_293 = tpu.memref_slice %arg5[%add3A_266, %run_scoped3A_268, %dma_start3A_292] : memref<40x2x128xi32, #tpu.memory_space<vmem>> -> memref<1x1x128xi32, #tpu.memory_space<vmem>>
          %dma_start3A_294 = tpu.memref_squeeze %dma_start3A_293 : memref<1x1x128xi32, #tpu.memory_space<vmem>> -> memref<128xi32, #tpu.memory_space<vmem>>
          %dma_start3A_295 = arith.constant 0 : i32
          %dma_start3A_296 = arith.constant 0 : i32
          %dma_start3A_297 = tpu.memref_slice %arg8[%dma_start3A_295, %dma_start3A_296] : memref<10240x128xf32, #tpu.memory_space<vmem_shared>> -> memref<10240x128xf32, #tpu.memory_space<vmem_shared>>
          tpu.enqueue_indirect_dma source(%dma_start3A_291 : memref<128x128xf32, #tpu.memory_space<vmem>>) target(%dma_start3A_297 : memref<10240x128xf32, #tpu.memory_space<vmem_shared>>) offsets(%dma_start3A_294 : memref<128xi32, #tpu.memory_space<vmem>>) semaphore(%run_scoped3A_287 : memref<!tpu.dma_semaphore, #tpu.memory_space<semaphore_mem>>) {add = true}
          %dma_wait3A_298 = arith.constant 0 : i32
          %dma_wait3A_299 = arith.constant 0 : i32
          %dma_wait3A_300 = tpu.memref_slice %arg6[%run_scoped3A_267, %dma_wait3A_298, %dma_wait3A_299] : memref<2x128x128xf32, #tpu.memory_space<vmem>> -> memref<1x128x128xf32, #tpu.memory_space<vmem>>
          %dma_wait3A_301 = tpu.memref_squeeze %dma_wait3A_300 : memref<1x128x128xf32, #tpu.memory_space<vmem>> -> memref<128x128xf32, #tpu.memory_space<vmem>>
          %dma_wait3A_302 = arith.constant 0 : i32
          %dma_wait3A_303 = tpu.memref_slice %arg5[%add3A_266, %run_scoped3A_268, %dma_wait3A_302] : memref<40x2x128xi32, #tpu.memory_space<vmem>> -> memref<1x1x128xi32, #tpu.memory_space<vmem>>
          %dma_wait3A_304 = tpu.memref_squeeze %dma_wait3A_303 : memref<1x1x128xi32, #tpu.memory_space<vmem>> -> memref<128xi32, #tpu.memory_space<vmem>>
          %dma_wait3A_305 = arith.constant 0 : i32
          %dma_wait3A_306 = arith.constant 0 : i32
          %dma_wait3A_307 = tpu.memref_slice %arg8[%dma_wait3A_305, %dma_wait3A_306] : memref<10240x128xf32, #tpu.memory_space<vmem_shared>> -> memref<10240x128xf32, #tpu.memory_space<vmem_shared>>
          tpu.wait_indirect_dma semaphore(%run_scoped3A_287 : memref<!tpu.dma_semaphore, #tpu.memory_space<semaphore_mem>>) src(%dma_wait3A_301 : memref<128x128xf32, #tpu.memory_space<vmem>>) dst(%dma_wait3A_307 : memref<10240x128xf32, #tpu.memory_space<vmem_shared>>)
          tpu.yield
        }) : () -> ()
        %mul3A_269 = arith.constant 2 : i32
        %mul3A_270 = arith.muli %mul3A_269, %scan3A_212 : i32
        %add3A_271 = arith.addi %sub3A_142, %mul3A_270 : i32
        %add3A_272 = arith.constant 3 : i32
        %add3A_273 = arith.addi %add3A_271, %add3A_272 : i32
        %dma_start3A_274 = arith.constant 0 : i32
        %dma_start3A_275 = arith.constant 1 : i32
        %dma_start3A_276 = arith.constant 0 : i32
        %dma_start3A_277 = arith.constant 0 : i32
        %dma_start3A_278 = tpu.memref_slice %arg6[%dma_start3A_275, %dma_start3A_276, %dma_start3A_277] : memref<2x128x128xf32, #tpu.memory_space<vmem>> -> memref<1x128x128xf32, #tpu.memory_space<vmem>>
        %dma_start3A_279 = tpu.memref_squeeze %dma_start3A_278 : memref<1x128x128xf32, #tpu.memory_space<vmem>> -> memref<128x128xf32, #tpu.memory_space<vmem>>
        %dma_start3A_280 = arith.constant 0 : i32
        %dma_start3A_281 = tpu.memref_slice %arg5[%add3A_273, %dma_start3A_274, %dma_start3A_280] : memref<40x2x128xi32, #tpu.memory_space<vmem>> -> memref<1x1x128xi32, #tpu.memory_space<vmem>>
        %dma_start3A_282 = tpu.memref_squeeze %dma_start3A_281 : memref<1x1x128xi32, #tpu.memory_space<vmem>> -> memref<128xi32, #tpu.memory_space<vmem>>
        %dma_start3A_283 = arith.constant 0 : i32
        %dma_start3A_284 = arith.constant 0 : i32
        %dma_start3A_285 = tpu.memref_slice %arg2[%dma_start3A_283, %dma_start3A_284] : memref<10000x128xf32, #tpu.memory_space<hbm>> -> memref<10000x128xf32, #tpu.memory_space<hbm>>
        tpu.enqueue_indirect_dma source(%dma_start3A_285 : memref<10000x128xf32, #tpu.memory_space<hbm>>) target(%dma_start3A_279 : memref<128x128xf32, #tpu.memory_space<vmem>>) offsets(%dma_start3A_282 : memref<128xi32, #tpu.memory_space<vmem>>) semaphore(%arg10 : memref<!tpu.dma_semaphore, #tpu.memory_space<semaphore_mem>>)
        %scan3A_286 = arith.constant 0 : i32
        scf.yield %scan3A_286 : i32
      }
      %scan3A_174 = arith.constant 12 : i32
      %dma_wait3A = arith.constant 0 : i32
      %dma_wait3A_175 = arith.constant 0 : i32
      %dma_wait3A_176 = arith.constant 0 : i32
      %dma_wait3A_177 = arith.constant 0 : i32
      %dma_wait3A_178 = arith.constant 0 : i32
      %dma_wait3A_179 = tpu.memref_slice %arg6[%dma_wait3A_176, %dma_wait3A_177, %dma_wait3A_178] : memref<2x128x128xf32, #tpu.memory_space<vmem>> -> memref<1x128x128xf32, #tpu.memory_space<vmem>>
      %dma_wait3A_180 = tpu.memref_squeeze %dma_wait3A_179 : memref<1x128x128xf32, #tpu.memory_space<vmem>> -> memref<128x128xf32, #tpu.memory_space<vmem>>
      %dma_wait3A_181 = arith.constant 0 : i32
      %dma_wait3A_182 = tpu.memref_slice %arg5[%dma_wait3A, %dma_wait3A_175, %dma_wait3A_181] : memref<40x2x128xi32, #tpu.memory_space<vmem>> -> memref<1x1x128xi32, #tpu.memory_space<vmem>>
      %dma_wait3A_183 = tpu.memref_squeeze %dma_wait3A_182 : memref<1x1x128xi32, #tpu.memory_space<vmem>> -> memref<128xi32, #tpu.memory_space<vmem>>
      %dma_wait3A_184 = arith.constant 0 : i32
      %dma_wait3A_185 = arith.constant 0 : i32
      %dma_wait3A_186 = tpu.memref_slice %arg2[%dma_wait3A_184, %dma_wait3A_185] : memref<10000x128xf32, #tpu.memory_space<hbm>> -> memref<10000x128xf32, #tpu.memory_space<hbm>>
      tpu.wait_indirect_dma semaphore(%arg9 : memref<!tpu.dma_semaphore, #tpu.memory_space<semaphore_mem>>) src(%dma_wait3A_186 : memref<10000x128xf32, #tpu.memory_space<hbm>>) dst(%dma_wait3A_180 : memref<128x128xf32, #tpu.memory_space<vmem>>)
      %add3A_187 = arith.constant 26 : i32
      %add3A_188 = arith.addi %sub3A_142, %add3A_187 : i32
      %sub3A_189 = arith.constant 2 : i32
      %sub3A_190 = arith.subi %add3A_188, %sub3A_189 : i32
      %run_scoped3A = arith.constant 0 : i32
      %run_scoped3A_191 = arith.constant 1 : i32
      "tpu.region"() ({
        %run_scoped3A_212 = tpu.sem_alloc : memref<!tpu.dma_semaphore, #tpu.memory_space<semaphore_mem>>
        %dma_start3A_213 = arith.constant 0 : i32
        %dma_start3A_214 = arith.constant 0 : i32
        %dma_start3A_215 = tpu.memref_slice %arg6[%run_scoped3A, %dma_start3A_213, %dma_start3A_214] : memref<2x128x128xf32, #tpu.memory_space<vmem>> -> memref<1x128x128xf32, #tpu.memory_space<vmem>>
        %dma_start3A_216 = tpu.memref_squeeze %dma_start3A_215 : memref<1x128x128xf32, #tpu.memory_space<vmem>> -> memref<128x128xf32, #tpu.memory_space<vmem>>
        %dma_start3A_217 = arith.constant 0 : i32
        %dma_start3A_218 = tpu.memref_slice %arg5[%sub3A_190, %run_scoped3A_191, %dma_start3A_217] : memref<40x2x128xi32, #tpu.memory_space<vmem>> -> memref<1x1x128xi32, #tpu.memory_space<vmem>>
        %dma_start3A_219 = tpu.memref_squeeze %dma_start3A_218 : memref<1x1x128xi32, #tpu.memory_space<vmem>> -> memref<128xi32, #tpu.memory_space<vmem>>
        %dma_start3A_220 = arith.constant 0 : i32
        %dma_start3A_221 = arith.constant 0 : i32
        %dma_start3A_222 = tpu.memref_slice %arg8[%dma_start3A_220, %dma_start3A_221] : memref<10240x128xf32, #tpu.memory_space<vmem_shared>> -> memref<10240x128xf32, #tpu.memory_space<vmem_shared>>
        tpu.enqueue_indirect_dma source(%dma_start3A_216 : memref<128x128xf32, #tpu.memory_space<vmem>>) target(%dma_start3A_222 : memref<10240x128xf32, #tpu.memory_space<vmem_shared>>) offsets(%dma_start3A_219 : memref<128xi32, #tpu.memory_space<vmem>>) semaphore(%run_scoped3A_212 : memref<!tpu.dma_semaphore, #tpu.memory_space<semaphore_mem>>) {add = true}
        %dma_wait3A_223 = arith.constant 0 : i32
        %dma_wait3A_224 = arith.constant 0 : i32
        %dma_wait3A_225 = tpu.memref_slice %arg6[%run_scoped3A, %dma_wait3A_223, %dma_wait3A_224] : memref<2x128x128xf32, #tpu.memory_space<vmem>> -> memref<1x128x128xf32, #tpu.memory_space<vmem>>
        %dma_wait3A_226 = tpu.memref_squeeze %dma_wait3A_225 : memref<1x128x128xf32, #tpu.memory_space<vmem>> -> memref<128x128xf32, #tpu.memory_space<vmem>>
        %dma_wait3A_227 = arith.constant 0 : i32
        %dma_wait3A_228 = tpu.memref_slice %arg5[%sub3A_190, %run_scoped3A_191, %dma_wait3A_227] : memref<40x2x128xi32, #tpu.memory_space<vmem>> -> memref<1x1x128xi32, #tpu.memory_space<vmem>>
        %dma_wait3A_229 = tpu.memref_squeeze %dma_wait3A_228 : memref<1x1x128xi32, #tpu.memory_space<vmem>> -> memref<128xi32, #tpu.memory_space<vmem>>
        %dma_wait3A_230 = arith.constant 0 : i32
        %dma_wait3A_231 = arith.constant 0 : i32
        %dma_wait3A_232 = tpu.memref_slice %arg8[%dma_wait3A_230, %dma_wait3A_231] : memref<10240x128xf32, #tpu.memory_space<vmem_shared>> -> memref<10240x128xf32, #tpu.memory_space<vmem_shared>>
        tpu.wait_indirect_dma semaphore(%run_scoped3A_212 : memref<!tpu.dma_semaphore, #tpu.memory_space<semaphore_mem>>) src(%dma_wait3A_226 : memref<128x128xf32, #tpu.memory_space<vmem>>) dst(%dma_wait3A_232 : memref<10240x128xf32, #tpu.memory_space<vmem_shared>>)
        tpu.yield
      }) : () -> ()
      %dma_wait3A_192 = arith.constant 0 : i32
      %dma_wait3A_193 = arith.constant 0 : i32
      %dma_wait3A_194 = arith.constant 1 : i32
      %dma_wait3A_195 = arith.constant 0 : i32
      %dma_wait3A_196 = arith.constant 0 : i32
      %dma_wait3A_197 = tpu.memref_slice %arg6[%dma_wait3A_194, %dma_wait3A_195, %dma_wait3A_196] : memref<2x128x128xf32, #tpu.memory_space<vmem>> -> memref<1x128x128xf32, #tpu.memory_space<vmem>>
      %dma_wait3A_198 = tpu.memref_squeeze %dma_wait3A_197 : memref<1x128x128xf32, #tpu.memory_space<vmem>> -> memref<128x128xf32, #tpu.memory_space<vmem>>
      %dma_wait3A_199 = arith.constant 0 : i32
      %dma_wait3A_200 = tpu.memref_slice %arg5[%dma_wait3A_192, %dma_wait3A_193, %dma_wait3A_199] : memref<40x2x128xi32, #tpu.memory_space<vmem>> -> memref<1x1x128xi32, #tpu.memory_space<vmem>>
      %dma_wait3A_201 = tpu.memref_squeeze %dma_wait3A_200 : memref<1x1x128xi32, #tpu.memory_space<vmem>> -> memref<128xi32, #tpu.memory_space<vmem>>
      %dma_wait3A_202 = arith.constant 0 : i32
      %dma_wait3A_203 = arith.constant 0 : i32
      %dma_wait3A_204 = tpu.memref_slice %arg2[%dma_wait3A_202, %dma_wait3A_203] : memref<10000x128xf32, #tpu.memory_space<hbm>> -> memref<10000x128xf32, #tpu.memory_space<hbm>>
      tpu.wait_indirect_dma semaphore(%arg10 : memref<!tpu.dma_semaphore, #tpu.memory_space<semaphore_mem>>) src(%dma_wait3A_204 : memref<10000x128xf32, #tpu.memory_space<hbm>>) dst(%dma_wait3A_198 : memref<128x128xf32, #tpu.memory_space<vmem>>)
      %add3A_205 = arith.constant 26 : i32
      %add3A_206 = arith.addi %sub3A_142, %add3A_205 : i32
      %sub3A_207 = arith.constant 1 : i32
      %sub3A_208 = arith.subi %add3A_206, %sub3A_207 : i32
      %run_scoped3A_209 = arith.constant 1 : i32
      %run_scoped3A_210 = arith.constant 1 : i32
      "tpu.region"() ({
        %run_scoped3A_212 = tpu.sem_alloc : memref<!tpu.dma_semaphore, #tpu.memory_space<semaphore_mem>>
        %dma_start3A_213 = arith.constant 0 : i32
        %dma_start3A_214 = arith.constant 0 : i32
        %dma_start3A_215 = tpu.memref_slice %arg6[%run_scoped3A_209, %dma_start3A_213, %dma_start3A_214] : memref<2x128x128xf32, #tpu.memory_space<vmem>> -> memref<1x128x128xf32, #tpu.memory_space<vmem>>
        %dma_start3A_216 = tpu.memref_squeeze %dma_start3A_215 : memref<1x128x128xf32, #tpu.memory_space<vmem>> -> memref<128x128xf32, #tpu.memory_space<vmem>>
        %dma_start3A_217 = arith.constant 0 : i32
        %dma_start3A_218 = tpu.memref_slice %arg5[%sub3A_208, %run_scoped3A_210, %dma_start3A_217] : memref<40x2x128xi32, #tpu.memory_space<vmem>> -> memref<1x1x128xi32, #tpu.memory_space<vmem>>
        %dma_start3A_219 = tpu.memref_squeeze %dma_start3A_218 : memref<1x1x128xi32, #tpu.memory_space<vmem>> -> memref<128xi32, #tpu.memory_space<vmem>>
        %dma_start3A_220 = arith.constant 0 : i32
        %dma_start3A_221 = arith.constant 0 : i32
        %dma_start3A_222 = tpu.memref_slice %arg8[%dma_start3A_220, %dma_start3A_221] : memref<10240x128xf32, #tpu.memory_space<vmem_shared>> -> memref<10240x128xf32, #tpu.memory_space<vmem_shared>>
        tpu.enqueue_indirect_dma source(%dma_start3A_216 : memref<128x128xf32, #tpu.memory_space<vmem>>) target(%dma_start3A_222 : memref<10240x128xf32, #tpu.memory_space<vmem_shared>>) offsets(%dma_start3A_219 : memref<128xi32, #tpu.memory_space<vmem>>) semaphore(%run_scoped3A_212 : memref<!tpu.dma_semaphore, #tpu.memory_space<semaphore_mem>>) {add = true}
        %dma_wait3A_223 = arith.constant 0 : i32
        %dma_wait3A_224 = arith.constant 0 : i32
        %dma_wait3A_225 = tpu.memref_slice %arg6[%run_scoped3A_209, %dma_wait3A_223, %dma_wait3A_224] : memref<2x128x128xf32, #tpu.memory_space<vmem>> -> memref<1x128x128xf32, #tpu.memory_space<vmem>>
        %dma_wait3A_226 = tpu.memref_squeeze %dma_wait3A_225 : memref<1x128x128xf32, #tpu.memory_space<vmem>> -> memref<128x128xf32, #tpu.memory_space<vmem>>
        %dma_wait3A_227 = arith.constant 0 : i32
        %dma_wait3A_228 = tpu.memref_slice %arg5[%sub3A_208, %run_scoped3A_210, %dma_wait3A_227] : memref<40x2x128xi32, #tpu.memory_space<vmem>> -> memref<1x1x128xi32, #tpu.memory_space<vmem>>
        %dma_wait3A_229 = tpu.memref_squeeze %dma_wait3A_228 : memref<1x1x128xi32, #tpu.memory_space<vmem>> -> memref<128xi32, #tpu.memory_space<vmem>>
        %dma_wait3A_230 = arith.constant 0 : i32
        %dma_wait3A_231 = arith.constant 0 : i32
        %dma_wait3A_232 = tpu.memref_slice %arg8[%dma_wait3A_230, %dma_wait3A_231] : memref<10240x128xf32, #tpu.memory_space<vmem_shared>> -> memref<10240x128xf32, #tpu.memory_space<vmem_shared>>
        tpu.wait_indirect_dma semaphore(%run_scoped3A_212 : memref<!tpu.dma_semaphore, #tpu.memory_space<semaphore_mem>>) src(%dma_wait3A_226 : memref<128x128xf32, #tpu.memory_space<vmem>>) dst(%dma_wait3A_232 : memref<10240x128xf32, #tpu.memory_space<vmem_shared>>)
        tpu.yield
      }) : () -> ()
      %scan3A_211 = arith.constant 0 : i32
      scf.yield %scan3A_211 : i32
    }
    %scan3A_100 = arith.constant 3 : i32
    %while3A = arith.constant 0 : i32
    %while3A_101 = arith.constant 0 : i32
    %while3A_102 = arith.subi %select_n3A, %while3A : i32
    %while3A_103 = arith.addi %while3A, %while3A_102 : i32
    %while3A_104 = arith.constant 1 : i32
    %while3A_105 = arith.divsi %while3A_102, %while3A_104 : i32
    %while3A_106 = arith.muli %while3A_105, %while3A_104 : i32
    %while3A_107 = arith.addi %while3A, %while3A_106 : i32
    %while3A_108 = arith.constant 1 : i32
    %while3A_109 = scf.for %while3A_117 = %while3A to %while3A_107 step %while3A_108 iter_args(%while3A_118 = %while3A_101) -> (i32)  : i32 {
      %add3A_119 = arith.constant 78 : i32
      %add3A_120 = arith.addi %add3A_4, %add3A_119 : i32
      %add3A_121 = arith.addi %add3A_120, %while3A_117 : i32
      %jit3A_122 = arith.constant 8 : i32
      %div3A = arith.divsi %add3A_121, %jit3A_122 : i32
      %sign3A = arith.constant 0 : i32
      %sign3A_123 = arith.cmpi sgt, %add3A_121, %sign3A : i32
      %sign3A_124 = arith.extui %sign3A_123 : i1 to i32
      %sign3A_125 = arith.constant 0 : i32
      %sign3A_126 = arith.cmpi slt, %add3A_121, %sign3A_125 : i32
      %sign3A_127 = arith.extui %sign3A_126 : i1 to i32
      %sign3A_128 = arith.subi %sign3A_124, %sign3A_127 : i32
      %sign3A_129 = arith.constant 0 : i32
      %sign3A_130 = arith.cmpi sgt, %jit3A_122, %sign3A_129 : i32
      %sign3A_131 = arith.extui %sign3A_130 : i1 to i32
      %sign3A_132 = arith.constant 0 : i32
      %sign3A_133 = arith.cmpi slt, %jit3A_122, %sign3A_132 : i32
      %sign3A_134 = arith.extui %sign3A_133 : i1 to i32
      %sign3A_135 = arith.subi %sign3A_131, %sign3A_134 : i32
      %ne3A = arith.cmpi ne, %sign3A_128, %sign3A_135 : i32
      %rem3A = arith.remsi %add3A_121, %jit3A_122 : i32
      %ne3A_136 = arith.constant 0 : i32
      %ne3A_137 = arith.cmpi ne, %rem3A, %ne3A_136 : i32
      %and3A = arith.andi %ne3A, %ne3A_137 : i1
      %sub3A = arith.constant 1 : i32
      %sub3A_138 = arith.subi %div3A, %sub3A : i32
      %select_n3A_139 = arith.select %and3A, %sub3A_138, %div3A : i32
      %mul3A_140 = arith.constant 8 : i32
      %mul3A_141 = arith.muli %select_n3A_139, %mul3A_140 : i32
      %sub3A_142 = arith.subi %add3A_121, %mul3A_141 : i32
      "tpu.region"() ({
        %run_scoped3A_167 = tpu.sem_alloc : memref<!tpu.dma_semaphore, #tpu.memory_space<semaphore_mem>>
        %dma_start3A_168 = arith.constant 0 : i32
        %dma_start3A_169 = arith.constant 0 : i32
        %dma_start3A_170 = arith.constant 0 : i32
        %dma_start3A_171 = tpu.memref_slice %arg5[%dma_start3A_168, %dma_start3A_169, %dma_start3A_170] : memref<40x2x128xi32, #tpu.memory_space<vmem>> -> memref<8x2x128xi32, #tpu.memory_space<vmem>>
        %dma_start3A_172 = arith.constant 0 : i32
        %dma_start3A_173 = arith.constant 0 : i32
        %dma_start3A_174 = tpu.memref_slice %arg3[%mul3A_141, %dma_start3A_172, %dma_start3A_173] : memref<2516x2x128xi32, #tpu.memory_space<hbm>> -> memref<8x2x128xi32, #tpu.memory_space<hbm>>
        %dma_start3A_175 = arith.constant 0 : i32
        %dma_start3A_176 = arith.constant 0 : i32
        %dma_start3A_177 = arith.constant 0 : i32
        %dma_start3A_178 = tpu.memref_slice %arg5[%dma_start3A_175, %dma_start3A_176, %dma_start3A_177] : memref<40x2x128xi32, #tpu.memory_space<vmem>> -> memref<8x2x128xi32, #tpu.memory_space<vmem>>
        %dma_start3A_179 = arith.constant 0 : i32
        %dma_start3A_180 = arith.constant 0 : i32
        %dma_start3A_181 = tpu.memref_slice %arg3[%mul3A_141, %dma_start3A_179, %dma_start3A_180] : memref<2516x2x128xi32, #tpu.memory_space<hbm>> -> memref<8x2x128xi32, #tpu.memory_space<hbm>>
        tpu.enqueue_dma source(%dma_start3A_181 : memref<8x2x128xi32, #tpu.memory_space<hbm>>) target(%dma_start3A_178 : memref<8x2x128xi32, #tpu.memory_space<vmem>>) target_semaphore(%run_scoped3A_167 : memref<!tpu.dma_semaphore, #tpu.memory_space<semaphore_mem>>)
        %dma_wait3A_182 = arith.constant 0 : i32
        %dma_wait3A_183 = arith.constant 0 : i32
        %dma_wait3A_184 = arith.constant 0 : i32
        %dma_wait3A_185 = tpu.memref_slice %arg5[%dma_wait3A_182, %dma_wait3A_183, %dma_wait3A_184] : memref<40x2x128xi32, #tpu.memory_space<vmem>> -> memref<8x2x128xi32, #tpu.memory_space<vmem>>
        %dma_wait3A_186 = arith.constant 0 : i32
        %dma_wait3A_187 = arith.constant 0 : i32
        %dma_wait3A_188 = tpu.memref_slice %arg3[%mul3A_141, %dma_wait3A_186, %dma_wait3A_187] : memref<2516x2x128xi32, #tpu.memory_space<hbm>> -> memref<8x2x128xi32, #tpu.memory_space<hbm>>
        %dma_wait3A_189 = arith.constant 0 : i32
        %dma_wait3A_190 = arith.constant 0 : i32
        %dma_wait3A_191 = arith.constant 0 : i32
        %dma_wait3A_192 = tpu.memref_slice %arg5[%dma_wait3A_189, %dma_wait3A_190, %dma_wait3A_191] : memref<40x2x128xi32, #tpu.memory_space<vmem>> -> memref<8x2x128xi32, #tpu.memory_space<vmem>>
        %dma_wait3A_193 = arith.constant 0 : i32
        %dma_wait3A_194 = arith.constant 0 : i32
        %dma_wait3A_195 = tpu.memref_slice %arg3[%mul3A_141, %dma_wait3A_193, %dma_wait3A_194] : memref<2516x2x128xi32, #tpu.memory_space<hbm>> -> memref<8x2x128xi32, #tpu.memory_space<hbm>>
        tpu.wait_dma2 semaphore(%run_scoped3A_167 : memref<!tpu.dma_semaphore, #tpu.memory_space<semaphore_mem>>) src(%dma_wait3A_195 : memref<8x2x128xi32, #tpu.memory_space<hbm>>) dst(%dma_wait3A_192 : memref<8x2x128xi32, #tpu.memory_space<vmem>>)
        tpu.yield
      }) : () -> ()
      %dma_start3A = arith.constant 0 : i32
      %dma_start3A_143 = arith.constant 0 : i32
      %dma_start3A_144 = arith.constant 0 : i32
      %dma_start3A_145 = arith.constant 0 : i32
      %dma_start3A_146 = tpu.memref_slice %arg6[%dma_start3A_143, %dma_start3A_144, %dma_start3A_145] : memref<2x128x128xf32, #tpu.memory_space<vmem>> -> memref<1x128x128xf32, #tpu.memory_space<vmem>>
      %dma_start3A_147 = tpu.memref_squeeze %dma_start3A_146 : memref<1x128x128xf32, #tpu.memory_space<vmem>> -> memref<128x128xf32, #tpu.memory_space<vmem>>
      %dma_start3A_148 = arith.constant 0 : i32
      %dma_start3A_149 = tpu.memref_slice %arg5[%sub3A_142, %dma_start3A, %dma_start3A_148] : memref<40x2x128xi32, #tpu.memory_space<vmem>> -> memref<1x1x128xi32, #tpu.memory_space<vmem>>
      %dma_start3A_150 = tpu.memref_squeeze %dma_start3A_149 : memref<1x1x128xi32, #tpu.memory_space<vmem>> -> memref<128xi32, #tpu.memory_space<vmem>>
      %dma_start3A_151 = arith.constant 0 : i32
      %dma_start3A_152 = arith.constant 0 : i32
      %dma_start3A_153 = tpu.memref_slice %arg2[%dma_start3A_151, %dma_start3A_152] : memref<10000x128xf32, #tpu.memory_space<hbm>> -> memref<10000x128xf32, #tpu.memory_space<hbm>>
      tpu.enqueue_indirect_dma source(%dma_start3A_153 : memref<10000x128xf32, #tpu.memory_space<hbm>>) target(%dma_start3A_147 : memref<128x128xf32, #tpu.memory_space<vmem>>) offsets(%dma_start3A_150 : memref<128xi32, #tpu.memory_space<vmem>>) semaphore(%arg9 : memref<!tpu.dma_semaphore, #tpu.memory_space<semaphore_mem>>)
      %dma_wait3A = arith.constant 0 : i32
      %dma_wait3A_154 = arith.constant 0 : i32
      %dma_wait3A_155 = arith.constant 0 : i32
      %dma_wait3A_156 = arith.constant 0 : i32
      %dma_wait3A_157 = tpu.memref_slice %arg6[%dma_wait3A_154, %dma_wait3A_155, %dma_wait3A_156] : memref<2x128x128xf32, #tpu.memory_space<vmem>> -> memref<1x128x128xf32, #tpu.memory_space<vmem>>
      %dma_wait3A_158 = tpu.memref_squeeze %dma_wait3A_157 : memref<1x128x128xf32, #tpu.memory_space<vmem>> -> memref<128x128xf32, #tpu.memory_space<vmem>>
      %dma_wait3A_159 = arith.constant 0 : i32
      %dma_wait3A_160 = tpu.memref_slice %arg5[%sub3A_142, %dma_wait3A, %dma_wait3A_159] : memref<40x2x128xi32, #tpu.memory_space<vmem>> -> memref<1x1x128xi32, #tpu.memory_space<vmem>>
      %dma_wait3A_161 = tpu.memref_squeeze %dma_wait3A_160 : memref<1x1x128xi32, #tpu.memory_space<vmem>> -> memref<128xi32, #tpu.memory_space<vmem>>
      %dma_wait3A_162 = arith.constant 0 : i32
      %dma_wait3A_163 = arith.constant 0 : i32
      %dma_wait3A_164 = tpu.memref_slice %arg2[%dma_wait3A_162, %dma_wait3A_163] : memref<10000x128xf32, #tpu.memory_space<hbm>> -> memref<10000x128xf32, #tpu.memory_space<hbm>>
      tpu.wait_indirect_dma semaphore(%arg9 : memref<!tpu.dma_semaphore, #tpu.memory_space<semaphore_mem>>) src(%dma_wait3A_164 : memref<10000x128xf32, #tpu.memory_space<hbm>>) dst(%dma_wait3A_158 : memref<128x128xf32, #tpu.memory_space<vmem>>)
      %run_scoped3A = arith.constant 0 : i32
      %run_scoped3A_165 = arith.constant 1 : i32
      "tpu.region"() ({
        %run_scoped3A_167 = tpu.sem_alloc : memref<!tpu.dma_semaphore, #tpu.memory_space<semaphore_mem>>
        %dma_start3A_168 = arith.constant 0 : i32
        %dma_start3A_169 = arith.constant 0 : i32
        %dma_start3A_170 = tpu.memref_slice %arg6[%run_scoped3A, %dma_start3A_168, %dma_start3A_169] : memref<2x128x128xf32, #tpu.memory_space<vmem>> -> memref<1x128x128xf32, #tpu.memory_space<vmem>>
        %dma_start3A_171 = tpu.memref_squeeze %dma_start3A_170 : memref<1x128x128xf32, #tpu.memory_space<vmem>> -> memref<128x128xf32, #tpu.memory_space<vmem>>
        %dma_start3A_172 = arith.constant 0 : i32
        %dma_start3A_173 = tpu.memref_slice %arg5[%sub3A_142, %run_scoped3A_165, %dma_start3A_172] : memref<40x2x128xi32, #tpu.memory_space<vmem>> -> memref<1x1x128xi32, #tpu.memory_space<vmem>>
        %dma_start3A_174 = tpu.memref_squeeze %dma_start3A_173 : memref<1x1x128xi32, #tpu.memory_space<vmem>> -> memref<128xi32, #tpu.memory_space<vmem>>
        %dma_start3A_175 = arith.constant 0 : i32
        %dma_start3A_176 = arith.constant 0 : i32
        %dma_start3A_177 = tpu.memref_slice %arg8[%dma_start3A_175, %dma_start3A_176] : memref<10240x128xf32, #tpu.memory_space<vmem_shared>> -> memref<10240x128xf32, #tpu.memory_space<vmem_shared>>
        tpu.enqueue_indirect_dma source(%dma_start3A_171 : memref<128x128xf32, #tpu.memory_space<vmem>>) target(%dma_start3A_177 : memref<10240x128xf32, #tpu.memory_space<vmem_shared>>) offsets(%dma_start3A_174 : memref<128xi32, #tpu.memory_space<vmem>>) semaphore(%run_scoped3A_167 : memref<!tpu.dma_semaphore, #tpu.memory_space<semaphore_mem>>) {add = true}
        %dma_wait3A_178 = arith.constant 0 : i32
        %dma_wait3A_179 = arith.constant 0 : i32
        %dma_wait3A_180 = tpu.memref_slice %arg6[%run_scoped3A, %dma_wait3A_178, %dma_wait3A_179] : memref<2x128x128xf32, #tpu.memory_space<vmem>> -> memref<1x128x128xf32, #tpu.memory_space<vmem>>
        %dma_wait3A_181 = tpu.memref_squeeze %dma_wait3A_180 : memref<1x128x128xf32, #tpu.memory_space<vmem>> -> memref<128x128xf32, #tpu.memory_space<vmem>>
        %dma_wait3A_182 = arith.constant 0 : i32
        %dma_wait3A_183 = tpu.memref_slice %arg5[%sub3A_142, %run_scoped3A_165, %dma_wait3A_182] : memref<40x2x128xi32, #tpu.memory_space<vmem>> -> memref<1x1x128xi32, #tpu.memory_space<vmem>>
        %dma_wait3A_184 = tpu.memref_squeeze %dma_wait3A_183 : memref<1x1x128xi32, #tpu.memory_space<vmem>> -> memref<128xi32, #tpu.memory_space<vmem>>
        %dma_wait3A_185 = arith.constant 0 : i32
        %dma_wait3A_186 = arith.constant 0 : i32
        %dma_wait3A_187 = tpu.memref_slice %arg8[%dma_wait3A_185, %dma_wait3A_186] : memref<10240x128xf32, #tpu.memory_space<vmem_shared>> -> memref<10240x128xf32, #tpu.memory_space<vmem_shared>>
        tpu.wait_indirect_dma semaphore(%run_scoped3A_167 : memref<!tpu.dma_semaphore, #tpu.memory_space<semaphore_mem>>) src(%dma_wait3A_181 : memref<128x128xf32, #tpu.memory_space<vmem>>) dst(%dma_wait3A_187 : memref<10240x128xf32, #tpu.memory_space<vmem_shared>>)
        tpu.yield
      }) : () -> ()
      %while3A_166 = arith.constant 0 : i32
      scf.yield %while3A_166 : i32
    }
    %while3A_110 = arith.constant 1 : i32
    %while3A_111 = scf.for %while3A_117 = %while3A_107 to %while3A_103 step %while3A_110 iter_args(%while3A_118 = %while3A_109) -> (i32)  : i32 {
      %add3A_119 = arith.constant 78 : i32
      %add3A_120 = arith.addi %add3A_4, %add3A_119 : i32
      %add3A_121 = arith.addi %add3A_120, %while3A_117 : i32
      %jit3A_122 = arith.constant 8 : i32
      %div3A = arith.divsi %add3A_121, %jit3A_122 : i32
      %sign3A = arith.constant 0 : i32
      %sign3A_123 = arith.cmpi sgt, %add3A_121, %sign3A : i32
      %sign3A_124 = arith.extui %sign3A_123 : i1 to i32
      %sign3A_125 = arith.constant 0 : i32
      %sign3A_126 = arith.cmpi slt, %add3A_121, %sign3A_125 : i32
      %sign3A_127 = arith.extui %sign3A_126 : i1 to i32
      %sign3A_128 = arith.subi %sign3A_124, %sign3A_127 : i32
      %sign3A_129 = arith.constant 0 : i32
      %sign3A_130 = arith.cmpi sgt, %jit3A_122, %sign3A_129 : i32
      %sign3A_131 = arith.extui %sign3A_130 : i1 to i32
      %sign3A_132 = arith.constant 0 : i32
      %sign3A_133 = arith.cmpi slt, %jit3A_122, %sign3A_132 : i32
      %sign3A_134 = arith.extui %sign3A_133 : i1 to i32
      %sign3A_135 = arith.subi %sign3A_131, %sign3A_134 : i32
      %ne3A = arith.cmpi ne, %sign3A_128, %sign3A_135 : i32
      %rem3A = arith.remsi %add3A_121, %jit3A_122 : i32
      %ne3A_136 = arith.constant 0 : i32
      %ne3A_137 = arith.cmpi ne, %rem3A, %ne3A_136 : i32
      %and3A = arith.andi %ne3A, %ne3A_137 : i1
      %sub3A = arith.constant 1 : i32
      %sub3A_138 = arith.subi %div3A, %sub3A : i32
      %select_n3A_139 = arith.select %and3A, %sub3A_138, %div3A : i32
      %mul3A_140 = arith.constant 8 : i32
      %mul3A_141 = arith.muli %select_n3A_139, %mul3A_140 : i32
      %sub3A_142 = arith.subi %add3A_121, %mul3A_141 : i32
      "tpu.region"() ({
        %run_scoped3A_167 = tpu.sem_alloc : memref<!tpu.dma_semaphore, #tpu.memory_space<semaphore_mem>>
        %dma_start3A_168 = arith.constant 0 : i32
        %dma_start3A_169 = arith.constant 0 : i32
        %dma_start3A_170 = arith.constant 0 : i32
        %dma_start3A_171 = tpu.memref_slice %arg5[%dma_start3A_168, %dma_start3A_169, %dma_start3A_170] : memref<40x2x128xi32, #tpu.memory_space<vmem>> -> memref<8x2x128xi32, #tpu.memory_space<vmem>>
        %dma_start3A_172 = arith.constant 0 : i32
        %dma_start3A_173 = arith.constant 0 : i32
        %dma_start3A_174 = tpu.memref_slice %arg3[%mul3A_141, %dma_start3A_172, %dma_start3A_173] : memref<2516x2x128xi32, #tpu.memory_space<hbm>> -> memref<8x2x128xi32, #tpu.memory_space<hbm>>
        %dma_start3A_175 = arith.constant 0 : i32
        %dma_start3A_176 = arith.constant 0 : i32
        %dma_start3A_177 = arith.constant 0 : i32
        %dma_start3A_178 = tpu.memref_slice %arg5[%dma_start3A_175, %dma_start3A_176, %dma_start3A_177] : memref<40x2x128xi32, #tpu.memory_space<vmem>> -> memref<8x2x128xi32, #tpu.memory_space<vmem>>
        %dma_start3A_179 = arith.constant 0 : i32
        %dma_start3A_180 = arith.constant 0 : i32
        %dma_start3A_181 = tpu.memref_slice %arg3[%mul3A_141, %dma_start3A_179, %dma_start3A_180] : memref<2516x2x128xi32, #tpu.memory_space<hbm>> -> memref<8x2x128xi32, #tpu.memory_space<hbm>>
        tpu.enqueue_dma source(%dma_start3A_181 : memref<8x2x128xi32, #tpu.memory_space<hbm>>) target(%dma_start3A_178 : memref<8x2x128xi32, #tpu.memory_space<vmem>>) target_semaphore(%run_scoped3A_167 : memref<!tpu.dma_semaphore, #tpu.memory_space<semaphore_mem>>)
        %dma_wait3A_182 = arith.constant 0 : i32
        %dma_wait3A_183 = arith.constant 0 : i32
        %dma_wait3A_184 = arith.constant 0 : i32
        %dma_wait3A_185 = tpu.memref_slice %arg5[%dma_wait3A_182, %dma_wait3A_183, %dma_wait3A_184] : memref<40x2x128xi32, #tpu.memory_space<vmem>> -> memref<8x2x128xi32, #tpu.memory_space<vmem>>
        %dma_wait3A_186 = arith.constant 0 : i32
        %dma_wait3A_187 = arith.constant 0 : i32
        %dma_wait3A_188 = tpu.memref_slice %arg3[%mul3A_141, %dma_wait3A_186, %dma_wait3A_187] : memref<2516x2x128xi32, #tpu.memory_space<hbm>> -> memref<8x2x128xi32, #tpu.memory_space<hbm>>
        %dma_wait3A_189 = arith.constant 0 : i32
        %dma_wait3A_190 = arith.constant 0 : i32
        %dma_wait3A_191 = arith.constant 0 : i32
        %dma_wait3A_192 = tpu.memref_slice %arg5[%dma_wait3A_189, %dma_wait3A_190, %dma_wait3A_191] : memref<40x2x128xi32, #tpu.memory_space<vmem>> -> memref<8x2x128xi32, #tpu.memory_space<vmem>>
        %dma_wait3A_193 = arith.constant 0 : i32
        %dma_wait3A_194 = arith.constant 0 : i32
        %dma_wait3A_195 = tpu.memref_slice %arg3[%mul3A_141, %dma_wait3A_193, %dma_wait3A_194] : memref<2516x2x128xi32, #tpu.memory_space<hbm>> -> memref<8x2x128xi32, #tpu.memory_space<hbm>>
        tpu.wait_dma2 semaphore(%run_scoped3A_167 : memref<!tpu.dma_semaphore, #tpu.memory_space<semaphore_mem>>) src(%dma_wait3A_195 : memref<8x2x128xi32, #tpu.memory_space<hbm>>) dst(%dma_wait3A_192 : memref<8x2x128xi32, #tpu.memory_space<vmem>>)
        tpu.yield
      }) : () -> ()
      %dma_start3A = arith.constant 0 : i32
      %dma_start3A_143 = arith.constant 0 : i32
      %dma_start3A_144 = arith.constant 0 : i32
      %dma_start3A_145 = arith.constant 0 : i32
      %dma_start3A_146 = tpu.memref_slice %arg6[%dma_start3A_143, %dma_start3A_144, %dma_start3A_145] : memref<2x128x128xf32, #tpu.memory_space<vmem>> -> memref<1x128x128xf32, #tpu.memory_space<vmem>>
      %dma_start3A_147 = tpu.memref_squeeze %dma_start3A_146 : memref<1x128x128xf32, #tpu.memory_space<vmem>> -> memref<128x128xf32, #tpu.memory_space<vmem>>
      %dma_start3A_148 = arith.constant 0 : i32
      %dma_start3A_149 = tpu.memref_slice %arg5[%sub3A_142, %dma_start3A, %dma_start3A_148] : memref<40x2x128xi32, #tpu.memory_space<vmem>> -> memref<1x1x128xi32, #tpu.memory_space<vmem>>
      %dma_start3A_150 = tpu.memref_squeeze %dma_start3A_149 : memref<1x1x128xi32, #tpu.memory_space<vmem>> -> memref<128xi32, #tpu.memory_space<vmem>>
      %dma_start3A_151 = arith.constant 0 : i32
      %dma_start3A_152 = arith.constant 0 : i32
      %dma_start3A_153 = tpu.memref_slice %arg2[%dma_start3A_151, %dma_start3A_152] : memref<10000x128xf32, #tpu.memory_space<hbm>> -> memref<10000x128xf32, #tpu.memory_space<hbm>>
      tpu.enqueue_indirect_dma source(%dma_start3A_153 : memref<10000x128xf32, #tpu.memory_space<hbm>>) target(%dma_start3A_147 : memref<128x128xf32, #tpu.memory_space<vmem>>) offsets(%dma_start3A_150 : memref<128xi32, #tpu.memory_space<vmem>>) semaphore(%arg9 : memref<!tpu.dma_semaphore, #tpu.memory_space<semaphore_mem>>)
      %dma_wait3A = arith.constant 0 : i32
      %dma_wait3A_154 = arith.constant 0 : i32
      %dma_wait3A_155 = arith.constant 0 : i32
      %dma_wait3A_156 = arith.constant 0 : i32
      %dma_wait3A_157 = tpu.memref_slice %arg6[%dma_wait3A_154, %dma_wait3A_155, %dma_wait3A_156] : memref<2x128x128xf32, #tpu.memory_space<vmem>> -> memref<1x128x128xf32, #tpu.memory_space<vmem>>
      %dma_wait3A_158 = tpu.memref_squeeze %dma_wait3A_157 : memref<1x128x128xf32, #tpu.memory_space<vmem>> -> memref<128x128xf32, #tpu.memory_space<vmem>>
      %dma_wait3A_159 = arith.constant 0 : i32
      %dma_wait3A_160 = tpu.memref_slice %arg5[%sub3A_142, %dma_wait3A, %dma_wait3A_159] : memref<40x2x128xi32, #tpu.memory_space<vmem>> -> memref<1x1x128xi32, #tpu.memory_space<vmem>>
      %dma_wait3A_161 = tpu.memref_squeeze %dma_wait3A_160 : memref<1x1x128xi32, #tpu.memory_space<vmem>> -> memref<128xi32, #tpu.memory_space<vmem>>
      %dma_wait3A_162 = arith.constant 0 : i32
      %dma_wait3A_163 = arith.constant 0 : i32
      %dma_wait3A_164 = tpu.memref_slice %arg2[%dma_wait3A_162, %dma_wait3A_163] : memref<10000x128xf32, #tpu.memory_space<hbm>> -> memref<10000x128xf32, #tpu.memory_space<hbm>>
      tpu.wait_indirect_dma semaphore(%arg9 : memref<!tpu.dma_semaphore, #tpu.memory_space<semaphore_mem>>) src(%dma_wait3A_164 : memref<10000x128xf32, #tpu.memory_space<hbm>>) dst(%dma_wait3A_158 : memref<128x128xf32, #tpu.memory_space<vmem>>)
      %run_scoped3A = arith.constant 0 : i32
      %run_scoped3A_165 = arith.constant 1 : i32
      "tpu.region"() ({
        %run_scoped3A_167 = tpu.sem_alloc : memref<!tpu.dma_semaphore, #tpu.memory_space<semaphore_mem>>
        %dma_start3A_168 = arith.constant 0 : i32
        %dma_start3A_169 = arith.constant 0 : i32
        %dma_start3A_170 = tpu.memref_slice %arg6[%run_scoped3A, %dma_start3A_168, %dma_start3A_169] : memref<2x128x128xf32, #tpu.memory_space<vmem>> -> memref<1x128x128xf32, #tpu.memory_space<vmem>>
        %dma_start3A_171 = tpu.memref_squeeze %dma_start3A_170 : memref<1x128x128xf32, #tpu.memory_space<vmem>> -> memref<128x128xf32, #tpu.memory_space<vmem>>
        %dma_start3A_172 = arith.constant 0 : i32
        %dma_start3A_173 = tpu.memref_slice %arg5[%sub3A_142, %run_scoped3A_165, %dma_start3A_172] : memref<40x2x128xi32, #tpu.memory_space<vmem>> -> memref<1x1x128xi32, #tpu.memory_space<vmem>>
        %dma_start3A_174 = tpu.memref_squeeze %dma_start3A_173 : memref<1x1x128xi32, #tpu.memory_space<vmem>> -> memref<128xi32, #tpu.memory_space<vmem>>
        %dma_start3A_175 = arith.constant 0 : i32
        %dma_start3A_176 = arith.constant 0 : i32
        %dma_start3A_177 = tpu.memref_slice %arg8[%dma_start3A_175, %dma_start3A_176] : memref<10240x128xf32, #tpu.memory_space<vmem_shared>> -> memref<10240x128xf32, #tpu.memory_space<vmem_shared>>
        tpu.enqueue_indirect_dma source(%dma_start3A_171 : memref<128x128xf32, #tpu.memory_space<vmem>>) target(%dma_start3A_177 : memref<10240x128xf32, #tpu.memory_space<vmem_shared>>) offsets(%dma_start3A_174 : memref<128xi32, #tpu.memory_space<vmem>>) semaphore(%run_scoped3A_167 : memref<!tpu.dma_semaphore, #tpu.memory_space<semaphore_mem>>) {add = true}
        %dma_wait3A_178 = arith.constant 0 : i32
        %dma_wait3A_179 = arith.constant 0 : i32
        %dma_wait3A_180 = tpu.memref_slice %arg6[%run_scoped3A, %dma_wait3A_178, %dma_wait3A_179] : memref<2x128x128xf32, #tpu.memory_space<vmem>> -> memref<1x128x128xf32, #tpu.memory_space<vmem>>
        %dma_wait3A_181 = tpu.memref_squeeze %dma_wait3A_180 : memref<1x128x128xf32, #tpu.memory_space<vmem>> -> memref<128x128xf32, #tpu.memory_space<vmem>>
        %dma_wait3A_182 = arith.constant 0 : i32
        %dma_wait3A_183 = tpu.memref_slice %arg5[%sub3A_142, %run_scoped3A_165, %dma_wait3A_182] : memref<40x2x128xi32, #tpu.memory_space<vmem>> -> memref<1x1x128xi32, #tpu.memory_space<vmem>>
        %dma_wait3A_184 = tpu.memref_squeeze %dma_wait3A_183 : memref<1x1x128xi32, #tpu.memory_space<vmem>> -> memref<128xi32, #tpu.memory_space<vmem>>
        %dma_wait3A_185 = arith.constant 0 : i32
        %dma_wait3A_186 = arith.constant 0 : i32
        %dma_wait3A_187 = tpu.memref_slice %arg8[%dma_wait3A_185, %dma_wait3A_186] : memref<10240x128xf32, #tpu.memory_space<vmem_shared>> -> memref<10240x128xf32, #tpu.memory_space<vmem_shared>>
        tpu.wait_indirect_dma semaphore(%run_scoped3A_167 : memref<!tpu.dma_semaphore, #tpu.memory_space<semaphore_mem>>) src(%dma_wait3A_181 : memref<128x128xf32, #tpu.memory_space<vmem>>) dst(%dma_wait3A_187 : memref<10240x128xf32, #tpu.memory_space<vmem_shared>>)
        tpu.yield
      }) : () -> ()
      %while3A_166 = arith.constant 0 : i32
      scf.yield %while3A_166 : i32
    }
    %barrier3A_112 = arith.constant 0 : index
    tpu.barrier barrier_id(%barrier3A_112)
    %mul3A_113 = arith.constant 640 : i32
    %mul3A_114 = arith.muli %arg1, %mul3A_113 : i32
    %mul3A_115 = arith.constant 640 : i32
    %mul3A_116 = arith.muli %arg1, %mul3A_115 : i32
    "tpu.region"() ({
      %run_scoped3A = tpu.sem_alloc : memref<!tpu.dma_semaphore, #tpu.memory_space<semaphore_mem>>
      %dma_start3A = arith.constant 0 : i32
      %dma_start3A_117 = tpu.memref_slice %arg4[%arg0, %mul3A_116, %dma_start3A] : memref<2x10240x128xf32, #tpu.memory_space<hbm>> -> memref<1x640x128xf32, #tpu.memory_space<hbm>>
      %dma_start3A_118 = tpu.memref_squeeze %dma_start3A_117 : memref<1x640x128xf32, #tpu.memory_space<hbm>> -> memref<640x128xf32, #tpu.memory_space<hbm>>
      %dma_start3A_119 = arith.constant 0 : i32
      %dma_start3A_120 = tpu.memref_slice %arg8[%mul3A_114, %dma_start3A_119] : memref<10240x128xf32, #tpu.memory_space<vmem_shared>> -> memref<640x128xf32, #tpu.memory_space<vmem_shared>>
      tpu.enqueue_dma source(%dma_start3A_120 : memref<640x128xf32, #tpu.memory_space<vmem_shared>>) target(%dma_start3A_118 : memref<640x128xf32, #tpu.memory_space<hbm>>) target_semaphore(%run_scoped3A : memref<!tpu.dma_semaphore, #tpu.memory_space<semaphore_mem>>)
      %dma_wait3A = arith.constant 0 : i32
      %dma_wait3A_121 = tpu.memref_slice %arg4[%arg0, %mul3A_116, %dma_wait3A] : memref<2x10240x128xf32, #tpu.memory_space<hbm>> -> memref<1x640x128xf32, #tpu.memory_space<hbm>>
      %dma_wait3A_122 = tpu.memref_squeeze %dma_wait3A_121 : memref<1x640x128xf32, #tpu.memory_space<hbm>> -> memref<640x128xf32, #tpu.memory_space<hbm>>
      %dma_wait3A_123 = arith.constant 0 : i32
      %dma_wait3A_124 = tpu.memref_slice %arg8[%mul3A_114, %dma_wait3A_123] : memref<10240x128xf32, #tpu.memory_space<vmem_shared>> -> memref<640x128xf32, #tpu.memory_space<vmem_shared>>
      tpu.wait_dma2 semaphore(%run_scoped3A : memref<!tpu.dma_semaphore, #tpu.memory_space<semaphore_mem>>) src(%dma_wait3A_124 : memref<640x128xf32, #tpu.memory_space<vmem_shared>>) dst(%dma_wait3A_122 : memref<640x128xf32, #tpu.memory_space<hbm>>)
      tpu.yield
    }) : () -> ()
    return
  }
}

#map = affine_map<(d0, d1) -> (0, 0)>
#map1 = affine_map<(d0, d1) -> (0, 0, 0)>
module attributes {stable_mosaic.version = 14 : i64} {
  func.func @_agg_body(%arg0: i32, %arg1: i32, %arg2: memref<10000x128xf32, #tpu.memory_space<hbm>>, %arg3: memref<2516x2x128xi32, #tpu.memory_space<hbm>>, %arg4: memref<2x10240x128xf32, #tpu.memory_space<hbm>>, %arg5: memref<40x2x128xi32, #tpu.memory_space<vmem>>, %arg6: memref<2x128x128xf32, #tpu.memory_space<vmem>>, %arg7: memref<32x128xf32, #tpu.memory_space<vmem>>, %arg8: memref<10240x128xf32, #tpu.memory_space<vmem_shared>>, %arg9: memref<!tpu.dma_semaphore, #tpu.memory_space<semaphore_mem>>, %arg10: memref<!tpu.dma_semaphore, #tpu.memory_space<semaphore_mem>>) attributes {dimension_semantics = [#tpu.dimension_semantics<core_parallel>, #tpu.dimension_semantics<subcore_parallel>], iteration_bounds = array<i64: 2, 16>, scalar_prefetch = 0 : i64, scratch_operands = 6 : i64, tpu.core_type = #tpu.core_type<sc_vector_subcore>, window_params = [{transform_indices = #map}, {transform_indices = #map1}, {transform_indices = #map1}]} {
    %mul3A = arith.constant 16 : i32
    %mul3A_0 = arith.muli %arg0, %mul3A : i32
    %add3A = arith.addi %mul3A_0, %arg1 : i32
    %mul3A_1 = arith.constant 78 : i32
    %mul3A_2 = arith.muli %add3A, %mul3A_1 : i32
    %min3A = arith.constant 4 : i32
    %min3A_3 = arith.minsi %add3A, %min3A : i32
    %add3A_4 = arith.addi %mul3A_2, %min3A_3 : i32
    %lt3A = arith.constant 4 : i32
    %lt3A_5 = arith.cmpi slt, %add3A, %lt3A : i32
    %jit3A = arith.constant 1 : i32
    %jit3A_6 = arith.constant 0 : i32
    %select_n3A = arith.select %lt3A_5, %jit3A, %jit3A_6 : i32
    %broadcast_in_dim3A = arith.constant 0.000000e+00 : f32
    %broadcast_in_dim3A_7 = vector.broadcast %broadcast_in_dim3A : f32 to vector<16xf32>
    %scan3A = arith.constant 0 : i32
    %scan3A_8 = arith.constant 0 : i32
    %scan3A_9 = arith.constant 32 : i32
    %scan3A_10 = arith.addi %scan3A_8, %scan3A_9 : i32
    %scan3A_11 = arith.constant 1 : i32
    %scan3A_12 = scf.for %scan3A_117 = %scan3A_8 to %scan3A_10 step %scan3A_11 iter_args(%scan3A_118 = %scan3A) -> (i32)  : i32 {
      %swap3A = arith.index_cast %scan3A_117 : i32 to index
      %swap3A_119 = arith.constant 0 : index
      %swap3A_120 = tpu.vector_load %arg7[%swap3A, %swap3A_119] {strides = array<i32>} : memref<32x128xf32, #tpu.memory_space<vmem>>, vector<1x16xf32>,
      %swap3A_121 = vector.shape_cast %swap3A_120 : vector<1x16xf32> to vector<16xf32>
      %swap3A_122 = vector.shape_cast %broadcast_in_dim3A_7 : vector<16xf32> to vector<1x16xf32>
      tpu.vector_store %arg7[%swap3A, %swap3A_119], %swap3A_122 {strides = array<i32>} : memref<32x128xf32, #tpu.memory_space<vmem>>, vector<1x16xf32>,
      %swap3A_123 = arith.index_cast %scan3A_117 : i32 to index
      %swap3A_124 = arith.constant 16 : index
      %swap3A_125 = tpu.vector_load %arg7[%swap3A_123, %swap3A_124] {strides = array<i32>} : memref<32x128xf32, #tpu.memory_space<vmem>>, vector<1x16xf32>,
      %swap3A_126 = vector.shape_cast %swap3A_125 : vector<1x16xf32> to vector<16xf32>
      %swap3A_127 = vector.shape_cast %broadcast_in_dim3A_7 : vector<16xf32> to vector<1x16xf32>
      tpu.vector_store %arg7[%swap3A_123, %swap3A_124], %swap3A_127 {strides = array<i32>} : memref<32x128xf32, #tpu.memory_space<vmem>>, vector<1x16xf32>,
      %swap3A_128 = arith.index_cast %scan3A_117 : i32 to index
      %swap3A_129 = arith.constant 32 : index
      %swap3A_130 = tpu.vector_load %arg7[%swap3A_128, %swap3A_129] {strides = array<i32>} : memref<32x128xf32, #tpu.memory_space<vmem>>, vector<1x16xf32>,
      %swap3A_131 = vector.shape_cast %swap3A_130 : vector<1x16xf32> to vector<16xf32>
      %swap3A_132 = vector.shape_cast %broadcast_in_dim3A_7 : vector<16xf32> to vector<1x16xf32>
      tpu.vector_store %arg7[%swap3A_128, %swap3A_129], %swap3A_132 {strides = array<i32>} : memref<32x128xf32, #tpu.memory_space<vmem>>, vector<1x16xf32>,
      %swap3A_133 = arith.index_cast %scan3A_117 : i32 to index
      %swap3A_134 = arith.constant 48 : index
      %swap3A_135 = tpu.vector_load %arg7[%swap3A_133, %swap3A_134] {strides = array<i32>} : memref<32x128xf32, #tpu.memory_space<vmem>>, vector<1x16xf32>,
      %swap3A_136 = vector.shape_cast %swap3A_135 : vector<1x16xf32> to vector<16xf32>
      %swap3A_137 = vector.shape_cast %broadcast_in_dim3A_7 : vector<16xf32> to vector<1x16xf32>
      tpu.vector_store %arg7[%swap3A_133, %swap3A_134], %swap3A_137 {strides = array<i32>} : memref<32x128xf32, #tpu.memory_space<vmem>>, vector<1x16xf32>,
      %swap3A_138 = arith.index_cast %scan3A_117 : i32 to index
      %swap3A_139 = arith.constant 64 : index
      %swap3A_140 = tpu.vector_load %arg7[%swap3A_138, %swap3A_139] {strides = array<i32>} : memref<32x128xf32, #tpu.memory_space<vmem>>, vector<1x16xf32>,
      %swap3A_141 = vector.shape_cast %swap3A_140 : vector<1x16xf32> to vector<16xf32>
      %swap3A_142 = vector.shape_cast %broadcast_in_dim3A_7 : vector<16xf32> to vector<1x16xf32>
      tpu.vector_store %arg7[%swap3A_138, %swap3A_139], %swap3A_142 {strides = array<i32>} : memref<32x128xf32, #tpu.memory_space<vmem>>, vector<1x16xf32>,
      %swap3A_143 = arith.index_cast %scan3A_117 : i32 to index
      %swap3A_144 = arith.constant 80 : index
      %swap3A_145 = tpu.vector_load %arg7[%swap3A_143, %swap3A_144] {strides = array<i32>} : memref<32x128xf32, #tpu.memory_space<vmem>>, vector<1x16xf32>,
      %swap3A_146 = vector.shape_cast %swap3A_145 : vector<1x16xf32> to vector<16xf32>
      %swap3A_147 = vector.shape_cast %broadcast_in_dim3A_7 : vector<16xf32> to vector<1x16xf32>
      tpu.vector_store %arg7[%swap3A_143, %swap3A_144], %swap3A_147 {strides = array<i32>} : memref<32x128xf32, #tpu.memory_space<vmem>>, vector<1x16xf32>,
      %swap3A_148 = arith.index_cast %scan3A_117 : i32 to index
      %swap3A_149 = arith.constant 96 : index
      %swap3A_150 = tpu.vector_load %arg7[%swap3A_148, %swap3A_149] {strides = array<i32>} : memref<32x128xf32, #tpu.memory_space<vmem>>, vector<1x16xf32>,
      %swap3A_151 = vector.shape_cast %swap3A_150 : vector<1x16xf32> to vector<16xf32>
      %swap3A_152 = vector.shape_cast %broadcast_in_dim3A_7 : vector<16xf32> to vector<1x16xf32>
      tpu.vector_store %arg7[%swap3A_148, %swap3A_149], %swap3A_152 {strides = array<i32>} : memref<32x128xf32, #tpu.memory_space<vmem>>, vector<1x16xf32>,
      %swap3A_153 = arith.index_cast %scan3A_117 : i32 to index
      %swap3A_154 = arith.constant 112 : index
      %swap3A_155 = tpu.vector_load %arg7[%swap3A_153, %swap3A_154] {strides = array<i32>} : memref<32x128xf32, #tpu.memory_space<vmem>>, vector<1x16xf32>,
      %swap3A_156 = vector.shape_cast %swap3A_155 : vector<1x16xf32> to vector<16xf32>
      %swap3A_157 = vector.shape_cast %broadcast_in_dim3A_7 : vector<16xf32> to vector<1x16xf32>
      tpu.vector_store %arg7[%swap3A_153, %swap3A_154], %swap3A_157 {strides = array<i32>} : memref<32x128xf32, #tpu.memory_space<vmem>>, vector<1x16xf32>,
      %scan3A_158 = arith.constant 0 : i32
      scf.yield %scan3A_158 : i32
    }
    %scan3A_13 = arith.constant 32 : i32
    %mul3A_14 = arith.constant 640 : i32
    %mul3A_15 = arith.muli %arg1, %mul3A_14 : i32
    %add3A_16 = arith.constant 0 : i32
    %add3A_17 = arith.addi %mul3A_15, %add3A_16 : i32
    "tpu.region"() ({
      %run_scoped3A = tpu.sem_alloc : memref<!tpu.dma_semaphore, #tpu.memory_space<semaphore_mem>>
      %dma_start3A = arith.constant 0 : i32
      %dma_start3A_117 = tpu.memref_slice %arg8[%add3A_17, %dma_start3A] : memref<10240x128xf32, #tpu.memory_space<vmem_shared>> -> memref<32x128xf32, #tpu.memory_space<vmem_shared>>
      %dma_start3A_118 = arith.constant 0 : i32
      %dma_start3A_119 = tpu.memref_slice %arg8[%add3A_17, %dma_start3A_118] : memref<10240x128xf32, #tpu.memory_space<vmem_shared>> -> memref<32x128xf32, #tpu.memory_space<vmem_shared>>
      tpu.enqueue_dma source(%arg7 : memref<32x128xf32, #tpu.memory_space<vmem>>) target(%dma_start3A_119 : memref<32x128xf32, #tpu.memory_space<vmem_shared>>) target_semaphore(%run_scoped3A : memref<!tpu.dma_semaphore, #tpu.memory_space<semaphore_mem>>)
      %dma_wait3A = arith.constant 0 : i32
      %dma_wait3A_120 = tpu.memref_slice %arg8[%add3A_17, %dma_wait3A] : memref<10240x128xf32, #tpu.memory_space<vmem_shared>> -> memref<32x128xf32, #tpu.memory_space<vmem_shared>>
      %dma_wait3A_121 = arith.constant 0 : i32
      %dma_wait3A_122 = tpu.memref_slice %arg8[%add3A_17, %dma_wait3A_121] : memref<10240x128xf32, #tpu.memory_space<vmem_shared>> -> memref<32x128xf32, #tpu.memory_space<vmem_shared>>
      tpu.wait_dma2 semaphore(%run_scoped3A : memref<!tpu.dma_semaphore, #tpu.memory_space<semaphore_mem>>) src(%arg7 : memref<32x128xf32, #tpu.memory_space<vmem>>) dst(%dma_wait3A_122 : memref<32x128xf32, #tpu.memory_space<vmem_shared>>)
      tpu.yield
    }) : () -> ()
    %mul3A_18 = arith.constant 640 : i32
    %mul3A_19 = arith.muli %arg1, %mul3A_18 : i32
    %add3A_20 = arith.constant 32 : i32
    %add3A_21 = arith.addi %mul3A_19, %add3A_20 : i32
    "tpu.region"() ({
      %run_scoped3A = tpu.sem_alloc : memref<!tpu.dma_semaphore, #tpu.memory_space<semaphore_mem>>
      %dma_start3A = arith.constant 0 : i32
      %dma_start3A_117 = tpu.memref_slice %arg8[%add3A_21, %dma_start3A] : memref<10240x128xf32, #tpu.memory_space<vmem_shared>> -> memref<32x128xf32, #tpu.memory_space<vmem_shared>>
      %dma_start3A_118 = arith.constant 0 : i32
      %dma_start3A_119 = tpu.memref_slice %arg8[%add3A_21, %dma_start3A_118] : memref<10240x128xf32, #tpu.memory_space<vmem_shared>> -> memref<32x128xf32, #tpu.memory_space<vmem_shared>>
      tpu.enqueue_dma source(%arg7 : memref<32x128xf32, #tpu.memory_space<vmem>>) target(%dma_start3A_119 : memref<32x128xf32, #tpu.memory_space<vmem_shared>>) target_semaphore(%run_scoped3A : memref<!tpu.dma_semaphore, #tpu.memory_space<semaphore_mem>>)
      %dma_wait3A = arith.constant 0 : i32
      %dma_wait3A_120 = tpu.memref_slice %arg8[%add3A_21, %dma_wait3A] : memref<10240x128xf32, #tpu.memory_space<vmem_shared>> -> memref<32x128xf32, #tpu.memory_space<vmem_shared>>
      %dma_wait3A_121 = arith.constant 0 : i32
      %dma_wait3A_122 = tpu.memref_slice %arg8[%add3A_21, %dma_wait3A_121] : memref<10240x128xf32, #tpu.memory_space<vmem_shared>> -> memref<32x128xf32, #tpu.memory_space<vmem_shared>>
      tpu.wait_dma2 semaphore(%run_scoped3A : memref<!tpu.dma_semaphore, #tpu.memory_space<semaphore_mem>>) src(%arg7 : memref<32x128xf32, #tpu.memory_space<vmem>>) dst(%dma_wait3A_122 : memref<32x128xf32, #tpu.memory_space<vmem_shared>>)
      tpu.yield
    }) : () -> ()
    %mul3A_22 = arith.constant 640 : i32
    %mul3A_23 = arith.muli %arg1, %mul3A_22 : i32
    %add3A_24 = arith.constant 64 : i32
    %add3A_25 = arith.addi %mul3A_23, %add3A_24 : i32
    "tpu.region"() ({
      %run_scoped3A = tpu.sem_alloc : memref<!tpu.dma_semaphore, #tpu.memory_space<semaphore_mem>>
      %dma_start3A = arith.constant 0 : i32
      %dma_start3A_117 = tpu.memref_slice %arg8[%add3A_25, %dma_start3A] : memref<10240x128xf32, #tpu.memory_space<vmem_shared>> -> memref<32x128xf32, #tpu.memory_space<vmem_shared>>
      %dma_start3A_118 = arith.constant 0 : i32
      %dma_start3A_119 = tpu.memref_slice %arg8[%add3A_25, %dma_start3A_118] : memref<10240x128xf32, #tpu.memory_space<vmem_shared>> -> memref<32x128xf32, #tpu.memory_space<vmem_shared>>
      tpu.enqueue_dma source(%arg7 : memref<32x128xf32, #tpu.memory_space<vmem>>) target(%dma_start3A_119 : memref<32x128xf32, #tpu.memory_space<vmem_shared>>) target_semaphore(%run_scoped3A : memref<!tpu.dma_semaphore, #tpu.memory_space<semaphore_mem>>)
      %dma_wait3A = arith.constant 0 : i32
      %dma_wait3A_120 = tpu.memref_slice %arg8[%add3A_25, %dma_wait3A] : memref<10240x128xf32, #tpu.memory_space<vmem_shared>> -> memref<32x128xf32, #tpu.memory_space<vmem_shared>>
      %dma_wait3A_121 = arith.constant 0 : i32
      %dma_wait3A_122 = tpu.memref_slice %arg8[%add3A_25, %dma_wait3A_121] : memref<10240x128xf32, #tpu.memory_space<vmem_shared>> -> memref<32x128xf32, #tpu.memory_space<vmem_shared>>
      tpu.wait_dma2 semaphore(%run_scoped3A : memref<!tpu.dma_semaphore, #tpu.memory_space<semaphore_mem>>) src(%arg7 : memref<32x128xf32, #tpu.memory_space<vmem>>) dst(%dma_wait3A_122 : memref<32x128xf32, #tpu.memory_space<vmem_shared>>)
      tpu.yield
    }) : () -> ()
    %mul3A_26 = arith.constant 640 : i32
    %mul3A_27 = arith.muli %arg1, %mul3A_26 : i32
    %add3A_28 = arith.constant 96 : i32
    %add3A_29 = arith.addi %mul3A_27, %add3A_28 : i32
    "tpu.region"() ({
      %run_scoped3A = tpu.sem_alloc : memref<!tpu.dma_semaphore, #tpu.memory_space<semaphore_mem>>
      %dma_start3A = arith.constant 0 : i32
      %dma_start3A_117 = tpu.memref_slice %arg8[%add3A_29, %dma_start3A] : memref<10240x128xf32, #tpu.memory_space<vmem_shared>> -> memref<32x128xf32, #tpu.memory_space<vmem_shared>>
      %dma_start3A_118 = arith.constant 0 : i32
      %dma_start3A_119 = tpu.memref_slice %arg8[%add3A_29, %dma_start3A_118] : memref<10240x128xf32, #tpu.memory_space<vmem_shared>> -> memref<32x128xf32, #tpu.memory_space<vmem_shared>>
      tpu.enqueue_dma source(%arg7 : memref<32x128xf32, #tpu.memory_space<vmem>>) target(%dma_start3A_119 : memref<32x128xf32, #tpu.memory_space<vmem_shared>>) target_semaphore(%run_scoped3A : memref<!tpu.dma_semaphore, #tpu.memory_space<semaphore_mem>>)
      %dma_wait3A = arith.constant 0 : i32
      %dma_wait3A_120 = tpu.memref_slice %arg8[%add3A_29, %dma_wait3A] : memref<10240x128xf32, #tpu.memory_space<vmem_shared>> -> memref<32x128xf32, #tpu.memory_space<vmem_shared>>
      %dma_wait3A_121 = arith.constant 0 : i32
      %dma_wait3A_122 = tpu.memref_slice %arg8[%add3A_29, %dma_wait3A_121] : memref<10240x128xf32, #tpu.memory_space<vmem_shared>> -> memref<32x128xf32, #tpu.memory_space<vmem_shared>>
      tpu.wait_dma2 semaphore(%run_scoped3A : memref<!tpu.dma_semaphore, #tpu.memory_space<semaphore_mem>>) src(%arg7 : memref<32x128xf32, #tpu.memory_space<vmem>>) dst(%dma_wait3A_122 : memref<32x128xf32, #tpu.memory_space<vmem_shared>>)
      tpu.yield
    }) : () -> ()
    %mul3A_30 = arith.constant 640 : i32
    %mul3A_31 = arith.muli %arg1, %mul3A_30 : i32
    %add3A_32 = arith.constant 128 : i32
    %add3A_33 = arith.addi %mul3A_31, %add3A_32 : i32
    "tpu.region"() ({
      %run_scoped3A = tpu.sem_alloc : memref<!tpu.dma_semaphore, #tpu.memory_space<semaphore_mem>>
      %dma_start3A = arith.constant 0 : i32
      %dma_start3A_117 = tpu.memref_slice %arg8[%add3A_33, %dma_start3A] : memref<10240x128xf32, #tpu.memory_space<vmem_shared>> -> memref<32x128xf32, #tpu.memory_space<vmem_shared>>
      %dma_start3A_118 = arith.constant 0 : i32
      %dma_start3A_119 = tpu.memref_slice %arg8[%add3A_33, %dma_start3A_118] : memref<10240x128xf32, #tpu.memory_space<vmem_shared>> -> memref<32x128xf32, #tpu.memory_space<vmem_shared>>
      tpu.enqueue_dma source(%arg7 : memref<32x128xf32, #tpu.memory_space<vmem>>) target(%dma_start3A_119 : memref<32x128xf32, #tpu.memory_space<vmem_shared>>) target_semaphore(%run_scoped3A : memref<!tpu.dma_semaphore, #tpu.memory_space<semaphore_mem>>)
      %dma_wait3A = arith.constant 0 : i32
      %dma_wait3A_120 = tpu.memref_slice %arg8[%add3A_33, %dma_wait3A] : memref<10240x128xf32, #tpu.memory_space<vmem_shared>> -> memref<32x128xf32, #tpu.memory_space<vmem_shared>>
      %dma_wait3A_121 = arith.constant 0 : i32
      %dma_wait3A_122 = tpu.memref_slice %arg8[%add3A_33, %dma_wait3A_121] : memref<10240x128xf32, #tpu.memory_space<vmem_shared>> -> memref<32x128xf32, #tpu.memory_space<vmem_shared>>
      tpu.wait_dma2 semaphore(%run_scoped3A : memref<!tpu.dma_semaphore, #tpu.memory_space<semaphore_mem>>) src(%arg7 : memref<32x128xf32, #tpu.memory_space<vmem>>) dst(%dma_wait3A_122 : memref<32x128xf32, #tpu.memory_space<vmem_shared>>)
      tpu.yield
    }) : () -> ()
    %mul3A_34 = arith.constant 640 : i32
    %mul3A_35 = arith.muli %arg1, %mul3A_34 : i32
    %add3A_36 = arith.constant 160 : i32
    %add3A_37 = arith.addi %mul3A_35, %add3A_36 : i32
    "tpu.region"() ({
      %run_scoped3A = tpu.sem_alloc : memref<!tpu.dma_semaphore, #tpu.memory_space<semaphore_mem>>
      %dma_start3A = arith.constant 0 : i32
      %dma_start3A_117 = tpu.memref_slice %arg8[%add3A_37, %dma_start3A] : memref<10240x128xf32, #tpu.memory_space<vmem_shared>> -> memref<32x128xf32, #tpu.memory_space<vmem_shared>>
      %dma_start3A_118 = arith.constant 0 : i32
      %dma_start3A_119 = tpu.memref_slice %arg8[%add3A_37, %dma_start3A_118] : memref<10240x128xf32, #tpu.memory_space<vmem_shared>> -> memref<32x128xf32, #tpu.memory_space<vmem_shared>>
      tpu.enqueue_dma source(%arg7 : memref<32x128xf32, #tpu.memory_space<vmem>>) target(%dma_start3A_119 : memref<32x128xf32, #tpu.memory_space<vmem_shared>>) target_semaphore(%run_scoped3A : memref<!tpu.dma_semaphore, #tpu.memory_space<semaphore_mem>>)
      %dma_wait3A = arith.constant 0 : i32
      %dma_wait3A_120 = tpu.memref_slice %arg8[%add3A_37, %dma_wait3A] : memref<10240x128xf32, #tpu.memory_space<vmem_shared>> -> memref<32x128xf32, #tpu.memory_space<vmem_shared>>
      %dma_wait3A_121 = arith.constant 0 : i32
      %dma_wait3A_122 = tpu.memref_slice %arg8[%add3A_37, %dma_wait3A_121] : memref<10240x128xf32, #tpu.memory_space<vmem_shared>> -> memref<32x128xf32, #tpu.memory_space<vmem_shared>>
      tpu.wait_dma2 semaphore(%run_scoped3A : memref<!tpu.dma_semaphore, #tpu.memory_space<semaphore_mem>>) src(%arg7 : memref<32x128xf32, #tpu.memory_space<vmem>>) dst(%dma_wait3A_122 : memref<32x128xf32, #tpu.memory_space<vmem_shared>>)
      tpu.yield
    }) : () -> ()
    %mul3A_38 = arith.constant 640 : i32
    %mul3A_39 = arith.muli %arg1, %mul3A_38 : i32
    %add3A_40 = arith.constant 192 : i32
    %add3A_41 = arith.addi %mul3A_39, %add3A_40 : i32
    "tpu.region"() ({
      %run_scoped3A = tpu.sem_alloc : memref<!tpu.dma_semaphore, #tpu.memory_space<semaphore_mem>>
      %dma_start3A = arith.constant 0 : i32
      %dma_start3A_117 = tpu.memref_slice %arg8[%add3A_41, %dma_start3A] : memref<10240x128xf32, #tpu.memory_space<vmem_shared>> -> memref<32x128xf32, #tpu.memory_space<vmem_shared>>
      %dma_start3A_118 = arith.constant 0 : i32
      %dma_start3A_119 = tpu.memref_slice %arg8[%add3A_41, %dma_start3A_118] : memref<10240x128xf32, #tpu.memory_space<vmem_shared>> -> memref<32x128xf32, #tpu.memory_space<vmem_shared>>
      tpu.enqueue_dma source(%arg7 : memref<32x128xf32, #tpu.memory_space<vmem>>) target(%dma_start3A_119 : memref<32x128xf32, #tpu.memory_space<vmem_shared>>) target_semaphore(%run_scoped3A : memref<!tpu.dma_semaphore, #tpu.memory_space<semaphore_mem>>)
      %dma_wait3A = arith.constant 0 : i32
      %dma_wait3A_120 = tpu.memref_slice %arg8[%add3A_41, %dma_wait3A] : memref<10240x128xf32, #tpu.memory_space<vmem_shared>> -> memref<32x128xf32, #tpu.memory_space<vmem_shared>>
      %dma_wait3A_121 = arith.constant 0 : i32
      %dma_wait3A_122 = tpu.memref_slice %arg8[%add3A_41, %dma_wait3A_121] : memref<10240x128xf32, #tpu.memory_space<vmem_shared>> -> memref<32x128xf32, #tpu.memory_space<vmem_shared>>
      tpu.wait_dma2 semaphore(%run_scoped3A : memref<!tpu.dma_semaphore, #tpu.memory_space<semaphore_mem>>) src(%arg7 : memref<32x128xf32, #tpu.memory_space<vmem>>) dst(%dma_wait3A_122 : memref<32x128xf32, #tpu.memory_space<vmem_shared>>)
      tpu.yield
    }) : () -> ()
    %mul3A_42 = arith.constant 640 : i32
    %mul3A_43 = arith.muli %arg1, %mul3A_42 : i32
    %add3A_44 = arith.constant 224 : i32
    %add3A_45 = arith.addi %mul3A_43, %add3A_44 : i32
    "tpu.region"() ({
      %run_scoped3A = tpu.sem_alloc : memref<!tpu.dma_semaphore, #tpu.memory_space<semaphore_mem>>
      %dma_start3A = arith.constant 0 : i32
      %dma_start3A_117 = tpu.memref_slice %arg8[%add3A_45, %dma_start3A] : memref<10240x128xf32, #tpu.memory_space<vmem_shared>> -> memref<32x128xf32, #tpu.memory_space<vmem_shared>>
      %dma_start3A_118 = arith.constant 0 : i32
      %dma_start3A_119 = tpu.memref_slice %arg8[%add3A_45, %dma_start3A_118] : memref<10240x128xf32, #tpu.memory_space<vmem_shared>> -> memref<32x128xf32, #tpu.memory_space<vmem_shared>>
      tpu.enqueue_dma source(%arg7 : memref<32x128xf32, #tpu.memory_space<vmem>>) target(%dma_start3A_119 : memref<32x128xf32, #tpu.memory_space<vmem_shared>>) target_semaphore(%run_scoped3A : memref<!tpu.dma_semaphore, #tpu.memory_space<semaphore_mem>>)
      %dma_wait3A = arith.constant 0 : i32
      %dma_wait3A_120 = tpu.memref_slice %arg8[%add3A_45, %dma_wait3A] : memref<10240x128xf32, #tpu.memory_space<vmem_shared>> -> memref<32x128xf32, #tpu.memory_space<vmem_shared>>
      %dma_wait3A_121 = arith.constant 0 : i32
      %dma_wait3A_122 = tpu.memref_slice %arg8[%add3A_45, %dma_wait3A_121] : memref<10240x128xf32, #tpu.memory_space<vmem_shared>> -> memref<32x128xf32, #tpu.memory_space<vmem_shared>>
      tpu.wait_dma2 semaphore(%run_scoped3A : memref<!tpu.dma_semaphore, #tpu.memory_space<semaphore_mem>>) src(%arg7 : memref<32x128xf32, #tpu.memory_space<vmem>>) dst(%dma_wait3A_122 : memref<32x128xf32, #tpu.memory_space<vmem_shared>>)
      tpu.yield
    }) : () -> ()
    %mul3A_46 = arith.constant 640 : i32
    %mul3A_47 = arith.muli %arg1, %mul3A_46 : i32
    %add3A_48 = arith.constant 256 : i32
    %add3A_49 = arith.addi %mul3A_47, %add3A_48 : i32
    "tpu.region"() ({
      %run_scoped3A = tpu.sem_alloc : memref<!tpu.dma_semaphore, #tpu.memory_space<semaphore_mem>>
      %dma_start3A = arith.constant 0 : i32
      %dma_start3A_117 = tpu.memref_slice %arg8[%add3A_49, %dma_start3A] : memref<10240x128xf32, #tpu.memory_space<vmem_shared>> -> memref<32x128xf32, #tpu.memory_space<vmem_shared>>
      %dma_start3A_118 = arith.constant 0 : i32
      %dma_start3A_119 = tpu.memref_slice %arg8[%add3A_49, %dma_start3A_118] : memref<10240x128xf32, #tpu.memory_space<vmem_shared>> -> memref<32x128xf32, #tpu.memory_space<vmem_shared>>
      tpu.enqueue_dma source(%arg7 : memref<32x128xf32, #tpu.memory_space<vmem>>) target(%dma_start3A_119 : memref<32x128xf32, #tpu.memory_space<vmem_shared>>) target_semaphore(%run_scoped3A : memref<!tpu.dma_semaphore, #tpu.memory_space<semaphore_mem>>)
      %dma_wait3A = arith.constant 0 : i32
      %dma_wait3A_120 = tpu.memref_slice %arg8[%add3A_49, %dma_wait3A] : memref<10240x128xf32, #tpu.memory_space<vmem_shared>> -> memref<32x128xf32, #tpu.memory_space<vmem_shared>>
      %dma_wait3A_121 = arith.constant 0 : i32
      %dma_wait3A_122 = tpu.memref_slice %arg8[%add3A_49, %dma_wait3A_121] : memref<10240x128xf32, #tpu.memory_space<vmem_shared>> -> memref<32x128xf32, #tpu.memory_space<vmem_shared>>
      tpu.wait_dma2 semaphore(%run_scoped3A : memref<!tpu.dma_semaphore, #tpu.memory_space<semaphore_mem>>) src(%arg7 : memref<32x128xf32, #tpu.memory_space<vmem>>) dst(%dma_wait3A_122 : memref<32x128xf32, #tpu.memory_space<vmem_shared>>)
      tpu.yield
    }) : () -> ()
    %mul3A_50 = arith.constant 640 : i32
    %mul3A_51 = arith.muli %arg1, %mul3A_50 : i32
    %add3A_52 = arith.constant 288 : i32
    %add3A_53 = arith.addi %mul3A_51, %add3A_52 : i32
    "tpu.region"() ({
      %run_scoped3A = tpu.sem_alloc : memref<!tpu.dma_semaphore, #tpu.memory_space<semaphore_mem>>
      %dma_start3A = arith.constant 0 : i32
      %dma_start3A_117 = tpu.memref_slice %arg8[%add3A_53, %dma_start3A] : memref<10240x128xf32, #tpu.memory_space<vmem_shared>> -> memref<32x128xf32, #tpu.memory_space<vmem_shared>>
      %dma_start3A_118 = arith.constant 0 : i32
      %dma_start3A_119 = tpu.memref_slice %arg8[%add3A_53, %dma_start3A_118] : memref<10240x128xf32, #tpu.memory_space<vmem_shared>> -> memref<32x128xf32, #tpu.memory_space<vmem_shared>>
      tpu.enqueue_dma source(%arg7 : memref<32x128xf32, #tpu.memory_space<vmem>>) target(%dma_start3A_119 : memref<32x128xf32, #tpu.memory_space<vmem_shared>>) target_semaphore(%run_scoped3A : memref<!tpu.dma_semaphore, #tpu.memory_space<semaphore_mem>>)
      %dma_wait3A = arith.constant 0 : i32
      %dma_wait3A_120 = tpu.memref_slice %arg8[%add3A_53, %dma_wait3A] : memref<10240x128xf32, #tpu.memory_space<vmem_shared>> -> memref<32x128xf32, #tpu.memory_space<vmem_shared>>
      %dma_wait3A_121 = arith.constant 0 : i32
      %dma_wait3A_122 = tpu.memref_slice %arg8[%add3A_53, %dma_wait3A_121] : memref<10240x128xf32, #tpu.memory_space<vmem_shared>> -> memref<32x128xf32, #tpu.memory_space<vmem_shared>>
      tpu.wait_dma2 semaphore(%run_scoped3A : memref<!tpu.dma_semaphore, #tpu.memory_space<semaphore_mem>>) src(%arg7 : memref<32x128xf32, #tpu.memory_space<vmem>>) dst(%dma_wait3A_122 : memref<32x128xf32, #tpu.memory_space<vmem_shared>>)
      tpu.yield
    }) : () -> ()
    %mul3A_54 = arith.constant 640 : i32
    %mul3A_55 = arith.muli %arg1, %mul3A_54 : i32
    %add3A_56 = arith.constant 320 : i32
    %add3A_57 = arith.addi %mul3A_55, %add3A_56 : i32
    "tpu.region"() ({
      %run_scoped3A = tpu.sem_alloc : memref<!tpu.dma_semaphore, #tpu.memory_space<semaphore_mem>>
      %dma_start3A = arith.constant 0 : i32
      %dma_start3A_117 = tpu.memref_slice %arg8[%add3A_57, %dma_start3A] : memref<10240x128xf32, #tpu.memory_space<vmem_shared>> -> memref<32x128xf32, #tpu.memory_space<vmem_shared>>
      %dma_start3A_118 = arith.constant 0 : i32
      %dma_start3A_119 = tpu.memref_slice %arg8[%add3A_57, %dma_start3A_118] : memref<10240x128xf32, #tpu.memory_space<vmem_shared>> -> memref<32x128xf32, #tpu.memory_space<vmem_shared>>
      tpu.enqueue_dma source(%arg7 : memref<32x128xf32, #tpu.memory_space<vmem>>) target(%dma_start3A_119 : memref<32x128xf32, #tpu.memory_space<vmem_shared>>) target_semaphore(%run_scoped3A : memref<!tpu.dma_semaphore, #tpu.memory_space<semaphore_mem>>)
      %dma_wait3A = arith.constant 0 : i32
      %dma_wait3A_120 = tpu.memref_slice %arg8[%add3A_57, %dma_wait3A] : memref<10240x128xf32, #tpu.memory_space<vmem_shared>> -> memref<32x128xf32, #tpu.memory_space<vmem_shared>>
      %dma_wait3A_121 = arith.constant 0 : i32
      %dma_wait3A_122 = tpu.memref_slice %arg8[%add3A_57, %dma_wait3A_121] : memref<10240x128xf32, #tpu.memory_space<vmem_shared>> -> memref<32x128xf32, #tpu.memory_space<vmem_shared>>
      tpu.wait_dma2 semaphore(%run_scoped3A : memref<!tpu.dma_semaphore, #tpu.memory_space<semaphore_mem>>) src(%arg7 : memref<32x128xf32, #tpu.memory_space<vmem>>) dst(%dma_wait3A_122 : memref<32x128xf32, #tpu.memory_space<vmem_shared>>)
      tpu.yield
    }) : () -> ()
    %mul3A_58 = arith.constant 640 : i32
    %mul3A_59 = arith.muli %arg1, %mul3A_58 : i32
    %add3A_60 = arith.constant 352 : i32
    %add3A_61 = arith.addi %mul3A_59, %add3A_60 : i32
    "tpu.region"() ({
      %run_scoped3A = tpu.sem_alloc : memref<!tpu.dma_semaphore, #tpu.memory_space<semaphore_mem>>
      %dma_start3A = arith.constant 0 : i32
      %dma_start3A_117 = tpu.memref_slice %arg8[%add3A_61, %dma_start3A] : memref<10240x128xf32, #tpu.memory_space<vmem_shared>> -> memref<32x128xf32, #tpu.memory_space<vmem_shared>>
      %dma_start3A_118 = arith.constant 0 : i32
      %dma_start3A_119 = tpu.memref_slice %arg8[%add3A_61, %dma_start3A_118] : memref<10240x128xf32, #tpu.memory_space<vmem_shared>> -> memref<32x128xf32, #tpu.memory_space<vmem_shared>>
      tpu.enqueue_dma source(%arg7 : memref<32x128xf32, #tpu.memory_space<vmem>>) target(%dma_start3A_119 : memref<32x128xf32, #tpu.memory_space<vmem_shared>>) target_semaphore(%run_scoped3A : memref<!tpu.dma_semaphore, #tpu.memory_space<semaphore_mem>>)
      %dma_wait3A = arith.constant 0 : i32
      %dma_wait3A_120 = tpu.memref_slice %arg8[%add3A_61, %dma_wait3A] : memref<10240x128xf32, #tpu.memory_space<vmem_shared>> -> memref<32x128xf32, #tpu.memory_space<vmem_shared>>
      %dma_wait3A_121 = arith.constant 0 : i32
      %dma_wait3A_122 = tpu.memref_slice %arg8[%add3A_61, %dma_wait3A_121] : memref<10240x128xf32, #tpu.memory_space<vmem_shared>> -> memref<32x128xf32, #tpu.memory_space<vmem_shared>>
      tpu.wait_dma2 semaphore(%run_scoped3A : memref<!tpu.dma_semaphore, #tpu.memory_space<semaphore_mem>>) src(%arg7 : memref<32x128xf32, #tpu.memory_space<vmem>>) dst(%dma_wait3A_122 : memref<32x128xf32, #tpu.memory_space<vmem_shared>>)
      tpu.yield
    }) : () -> ()
    %mul3A_62 = arith.constant 640 : i32
    %mul3A_63 = arith.muli %arg1, %mul3A_62 : i32
    %add3A_64 = arith.constant 384 : i32
    %add3A_65 = arith.addi %mul3A_63, %add3A_64 : i32
    "tpu.region"() ({
      %run_scoped3A = tpu.sem_alloc : memref<!tpu.dma_semaphore, #tpu.memory_space<semaphore_mem>>
      %dma_start3A = arith.constant 0 : i32
      %dma_start3A_117 = tpu.memref_slice %arg8[%add3A_65, %dma_start3A] : memref<10240x128xf32, #tpu.memory_space<vmem_shared>> -> memref<32x128xf32, #tpu.memory_space<vmem_shared>>
      %dma_start3A_118 = arith.constant 0 : i32
      %dma_start3A_119 = tpu.memref_slice %arg8[%add3A_65, %dma_start3A_118] : memref<10240x128xf32, #tpu.memory_space<vmem_shared>> -> memref<32x128xf32, #tpu.memory_space<vmem_shared>>
      tpu.enqueue_dma source(%arg7 : memref<32x128xf32, #tpu.memory_space<vmem>>) target(%dma_start3A_119 : memref<32x128xf32, #tpu.memory_space<vmem_shared>>) target_semaphore(%run_scoped3A : memref<!tpu.dma_semaphore, #tpu.memory_space<semaphore_mem>>)
      %dma_wait3A = arith.constant 0 : i32
      %dma_wait3A_120 = tpu.memref_slice %arg8[%add3A_65, %dma_wait3A] : memref<10240x128xf32, #tpu.memory_space<vmem_shared>> -> memref<32x128xf32, #tpu.memory_space<vmem_shared>>
      %dma_wait3A_121 = arith.constant 0 : i32
      %dma_wait3A_122 = tpu.memref_slice %arg8[%add3A_65, %dma_wait3A_121] : memref<10240x128xf32, #tpu.memory_space<vmem_shared>> -> memref<32x128xf32, #tpu.memory_space<vmem_shared>>
      tpu.wait_dma2 semaphore(%run_scoped3A : memref<!tpu.dma_semaphore, #tpu.memory_space<semaphore_mem>>) src(%arg7 : memref<32x128xf32, #tpu.memory_space<vmem>>) dst(%dma_wait3A_122 : memref<32x128xf32, #tpu.memory_space<vmem_shared>>)
      tpu.yield
    }) : () -> ()
    %mul3A_66 = arith.constant 640 : i32
    %mul3A_67 = arith.muli %arg1, %mul3A_66 : i32
    %add3A_68 = arith.constant 416 : i32
    %add3A_69 = arith.addi %mul3A_67, %add3A_68 : i32
    "tpu.region"() ({
      %run_scoped3A = tpu.sem_alloc : memref<!tpu.dma_semaphore, #tpu.memory_space<semaphore_mem>>
      %dma_start3A = arith.constant 0 : i32
      %dma_start3A_117 = tpu.memref_slice %arg8[%add3A_69, %dma_start3A] : memref<10240x128xf32, #tpu.memory_space<vmem_shared>> -> memref<32x128xf32, #tpu.memory_space<vmem_shared>>
      %dma_start3A_118 = arith.constant 0 : i32
      %dma_start3A_119 = tpu.memref_slice %arg8[%add3A_69, %dma_start3A_118] : memref<10240x128xf32, #tpu.memory_space<vmem_shared>> -> memref<32x128xf32, #tpu.memory_space<vmem_shared>>
      tpu.enqueue_dma source(%arg7 : memref<32x128xf32, #tpu.memory_space<vmem>>) target(%dma_start3A_119 : memref<32x128xf32, #tpu.memory_space<vmem_shared>>) target_semaphore(%run_scoped3A : memref<!tpu.dma_semaphore, #tpu.memory_space<semaphore_mem>>)
      %dma_wait3A = arith.constant 0 : i32
      %dma_wait3A_120 = tpu.memref_slice %arg8[%add3A_69, %dma_wait3A] : memref<10240x128xf32, #tpu.memory_space<vmem_shared>> -> memref<32x128xf32, #tpu.memory_space<vmem_shared>>
      %dma_wait3A_121 = arith.constant 0 : i32
      %dma_wait3A_122 = tpu.memref_slice %arg8[%add3A_69, %dma_wait3A_121] : memref<10240x128xf32, #tpu.memory_space<vmem_shared>> -> memref<32x128xf32, #tpu.memory_space<vmem_shared>>
      tpu.wait_dma2 semaphore(%run_scoped3A : memref<!tpu.dma_semaphore, #tpu.memory_space<semaphore_mem>>) src(%arg7 : memref<32x128xf32, #tpu.memory_space<vmem>>) dst(%dma_wait3A_122 : memref<32x128xf32, #tpu.memory_space<vmem_shared>>)
      tpu.yield
    }) : () -> ()
    %mul3A_70 = arith.constant 640 : i32
    %mul3A_71 = arith.muli %arg1, %mul3A_70 : i32
    %add3A_72 = arith.constant 448 : i32
    %add3A_73 = arith.addi %mul3A_71, %add3A_72 : i32
    "tpu.region"() ({
      %run_scoped3A = tpu.sem_alloc : memref<!tpu.dma_semaphore, #tpu.memory_space<semaphore_mem>>
      %dma_start3A = arith.constant 0 : i32
      %dma_start3A_117 = tpu.memref_slice %arg8[%add3A_73, %dma_start3A] : memref<10240x128xf32, #tpu.memory_space<vmem_shared>> -> memref<32x128xf32, #tpu.memory_space<vmem_shared>>
      %dma_start3A_118 = arith.constant 0 : i32
      %dma_start3A_119 = tpu.memref_slice %arg8[%add3A_73, %dma_start3A_118] : memref<10240x128xf32, #tpu.memory_space<vmem_shared>> -> memref<32x128xf32, #tpu.memory_space<vmem_shared>>
      tpu.enqueue_dma source(%arg7 : memref<32x128xf32, #tpu.memory_space<vmem>>) target(%dma_start3A_119 : memref<32x128xf32, #tpu.memory_space<vmem_shared>>) target_semaphore(%run_scoped3A : memref<!tpu.dma_semaphore, #tpu.memory_space<semaphore_mem>>)
      %dma_wait3A = arith.constant 0 : i32
      %dma_wait3A_120 = tpu.memref_slice %arg8[%add3A_73, %dma_wait3A] : memref<10240x128xf32, #tpu.memory_space<vmem_shared>> -> memref<32x128xf32, #tpu.memory_space<vmem_shared>>
      %dma_wait3A_121 = arith.constant 0 : i32
      %dma_wait3A_122 = tpu.memref_slice %arg8[%add3A_73, %dma_wait3A_121] : memref<10240x128xf32, #tpu.memory_space<vmem_shared>> -> memref<32x128xf32, #tpu.memory_space<vmem_shared>>
      tpu.wait_dma2 semaphore(%run_scoped3A : memref<!tpu.dma_semaphore, #tpu.memory_space<semaphore_mem>>) src(%arg7 : memref<32x128xf32, #tpu.memory_space<vmem>>) dst(%dma_wait3A_122 : memref<32x128xf32, #tpu.memory_space<vmem_shared>>)
      tpu.yield
    }) : () -> ()
    %mul3A_74 = arith.constant 640 : i32
    %mul3A_75 = arith.muli %arg1, %mul3A_74 : i32
    %add3A_76 = arith.constant 480 : i32
    %add3A_77 = arith.addi %mul3A_75, %add3A_76 : i32
    "tpu.region"() ({
      %run_scoped3A = tpu.sem_alloc : memref<!tpu.dma_semaphore, #tpu.memory_space<semaphore_mem>>
      %dma_start3A = arith.constant 0 : i32
      %dma_start3A_117 = tpu.memref_slice %arg8[%add3A_77, %dma_start3A] : memref<10240x128xf32, #tpu.memory_space<vmem_shared>> -> memref<32x128xf32, #tpu.memory_space<vmem_shared>>
      %dma_start3A_118 = arith.constant 0 : i32
      %dma_start3A_119 = tpu.memref_slice %arg8[%add3A_77, %dma_start3A_118] : memref<10240x128xf32, #tpu.memory_space<vmem_shared>> -> memref<32x128xf32, #tpu.memory_space<vmem_shared>>
      tpu.enqueue_dma source(%arg7 : memref<32x128xf32, #tpu.memory_space<vmem>>) target(%dma_start3A_119 : memref<32x128xf32, #tpu.memory_space<vmem_shared>>) target_semaphore(%run_scoped3A : memref<!tpu.dma_semaphore, #tpu.memory_space<semaphore_mem>>)
      %dma_wait3A = arith.constant 0 : i32
      %dma_wait3A_120 = tpu.memref_slice %arg8[%add3A_77, %dma_wait3A] : memref<10240x128xf32, #tpu.memory_space<vmem_shared>> -> memref<32x128xf32, #tpu.memory_space<vmem_shared>>
      %dma_wait3A_121 = arith.constant 0 : i32
      %dma_wait3A_122 = tpu.memref_slice %arg8[%add3A_77, %dma_wait3A_121] : memref<10240x128xf32, #tpu.memory_space<vmem_shared>> -> memref<32x128xf32, #tpu.memory_space<vmem_shared>>
      tpu.wait_dma2 semaphore(%run_scoped3A : memref<!tpu.dma_semaphore, #tpu.memory_space<semaphore_mem>>) src(%arg7 : memref<32x128xf32, #tpu.memory_space<vmem>>) dst(%dma_wait3A_122 : memref<32x128xf32, #tpu.memory_space<vmem_shared>>)
      tpu.yield
    }) : () -> ()
    %mul3A_78 = arith.constant 640 : i32
    %mul3A_79 = arith.muli %arg1, %mul3A_78 : i32
    %add3A_80 = arith.constant 512 : i32
    %add3A_81 = arith.addi %mul3A_79, %add3A_80 : i32
    "tpu.region"() ({
      %run_scoped3A = tpu.sem_alloc : memref<!tpu.dma_semaphore, #tpu.memory_space<semaphore_mem>>
      %dma_start3A = arith.constant 0 : i32
      %dma_start3A_117 = tpu.memref_slice %arg8[%add3A_81, %dma_start3A] : memref<10240x128xf32, #tpu.memory_space<vmem_shared>> -> memref<32x128xf32, #tpu.memory_space<vmem_shared>>
      %dma_start3A_118 = arith.constant 0 : i32
      %dma_start3A_119 = tpu.memref_slice %arg8[%add3A_81, %dma_start3A_118] : memref<10240x128xf32, #tpu.memory_space<vmem_shared>> -> memref<32x128xf32, #tpu.memory_space<vmem_shared>>
      tpu.enqueue_dma source(%arg7 : memref<32x128xf32, #tpu.memory_space<vmem>>) target(%dma_start3A_119 : memref<32x128xf32, #tpu.memory_space<vmem_shared>>) target_semaphore(%run_scoped3A : memref<!tpu.dma_semaphore, #tpu.memory_space<semaphore_mem>>)
      %dma_wait3A = arith.constant 0 : i32
      %dma_wait3A_120 = tpu.memref_slice %arg8[%add3A_81, %dma_wait3A] : memref<10240x128xf32, #tpu.memory_space<vmem_shared>> -> memref<32x128xf32, #tpu.memory_space<vmem_shared>>
      %dma_wait3A_121 = arith.constant 0 : i32
      %dma_wait3A_122 = tpu.memref_slice %arg8[%add3A_81, %dma_wait3A_121] : memref<10240x128xf32, #tpu.memory_space<vmem_shared>> -> memref<32x128xf32, #tpu.memory_space<vmem_shared>>
      tpu.wait_dma2 semaphore(%run_scoped3A : memref<!tpu.dma_semaphore, #tpu.memory_space<semaphore_mem>>) src(%arg7 : memref<32x128xf32, #tpu.memory_space<vmem>>) dst(%dma_wait3A_122 : memref<32x128xf32, #tpu.memory_space<vmem_shared>>)
      tpu.yield
    }) : () -> ()
    %mul3A_82 = arith.constant 640 : i32
    %mul3A_83 = arith.muli %arg1, %mul3A_82 : i32
    %add3A_84 = arith.constant 544 : i32
    %add3A_85 = arith.addi %mul3A_83, %add3A_84 : i32
    "tpu.region"() ({
      %run_scoped3A = tpu.sem_alloc : memref<!tpu.dma_semaphore, #tpu.memory_space<semaphore_mem>>
      %dma_start3A = arith.constant 0 : i32
      %dma_start3A_117 = tpu.memref_slice %arg8[%add3A_85, %dma_start3A] : memref<10240x128xf32, #tpu.memory_space<vmem_shared>> -> memref<32x128xf32, #tpu.memory_space<vmem_shared>>
      %dma_start3A_118 = arith.constant 0 : i32
      %dma_start3A_119 = tpu.memref_slice %arg8[%add3A_85, %dma_start3A_118] : memref<10240x128xf32, #tpu.memory_space<vmem_shared>> -> memref<32x128xf32, #tpu.memory_space<vmem_shared>>
      tpu.enqueue_dma source(%arg7 : memref<32x128xf32, #tpu.memory_space<vmem>>) target(%dma_start3A_119 : memref<32x128xf32, #tpu.memory_space<vmem_shared>>) target_semaphore(%run_scoped3A : memref<!tpu.dma_semaphore, #tpu.memory_space<semaphore_mem>>)
      %dma_wait3A = arith.constant 0 : i32
      %dma_wait3A_120 = tpu.memref_slice %arg8[%add3A_85, %dma_wait3A] : memref<10240x128xf32, #tpu.memory_space<vmem_shared>> -> memref<32x128xf32, #tpu.memory_space<vmem_shared>>
      %dma_wait3A_121 = arith.constant 0 : i32
      %dma_wait3A_122 = tpu.memref_slice %arg8[%add3A_85, %dma_wait3A_121] : memref<10240x128xf32, #tpu.memory_space<vmem_shared>> -> memref<32x128xf32, #tpu.memory_space<vmem_shared>>
      tpu.wait_dma2 semaphore(%run_scoped3A : memref<!tpu.dma_semaphore, #tpu.memory_space<semaphore_mem>>) src(%arg7 : memref<32x128xf32, #tpu.memory_space<vmem>>) dst(%dma_wait3A_122 : memref<32x128xf32, #tpu.memory_space<vmem_shared>>)
      tpu.yield
    }) : () -> ()
    %mul3A_86 = arith.constant 640 : i32
    %mul3A_87 = arith.muli %arg1, %mul3A_86 : i32
    %add3A_88 = arith.constant 576 : i32
    %add3A_89 = arith.addi %mul3A_87, %add3A_88 : i32
    "tpu.region"() ({
      %run_scoped3A = tpu.sem_alloc : memref<!tpu.dma_semaphore, #tpu.memory_space<semaphore_mem>>
      %dma_start3A = arith.constant 0 : i32
      %dma_start3A_117 = tpu.memref_slice %arg8[%add3A_89, %dma_start3A] : memref<10240x128xf32, #tpu.memory_space<vmem_shared>> -> memref<32x128xf32, #tpu.memory_space<vmem_shared>>
      %dma_start3A_118 = arith.constant 0 : i32
      %dma_start3A_119 = tpu.memref_slice %arg8[%add3A_89, %dma_start3A_118] : memref<10240x128xf32, #tpu.memory_space<vmem_shared>> -> memref<32x128xf32, #tpu.memory_space<vmem_shared>>
      tpu.enqueue_dma source(%arg7 : memref<32x128xf32, #tpu.memory_space<vmem>>) target(%dma_start3A_119 : memref<32x128xf32, #tpu.memory_space<vmem_shared>>) target_semaphore(%run_scoped3A : memref<!tpu.dma_semaphore, #tpu.memory_space<semaphore_mem>>)
      %dma_wait3A = arith.constant 0 : i32
      %dma_wait3A_120 = tpu.memref_slice %arg8[%add3A_89, %dma_wait3A] : memref<10240x128xf32, #tpu.memory_space<vmem_shared>> -> memref<32x128xf32, #tpu.memory_space<vmem_shared>>
      %dma_wait3A_121 = arith.constant 0 : i32
      %dma_wait3A_122 = tpu.memref_slice %arg8[%add3A_89, %dma_wait3A_121] : memref<10240x128xf32, #tpu.memory_space<vmem_shared>> -> memref<32x128xf32, #tpu.memory_space<vmem_shared>>
      tpu.wait_dma2 semaphore(%run_scoped3A : memref<!tpu.dma_semaphore, #tpu.memory_space<semaphore_mem>>) src(%arg7 : memref<32x128xf32, #tpu.memory_space<vmem>>) dst(%dma_wait3A_122 : memref<32x128xf32, #tpu.memory_space<vmem_shared>>)
      tpu.yield
    }) : () -> ()
    %mul3A_90 = arith.constant 640 : i32
    %mul3A_91 = arith.muli %arg1, %mul3A_90 : i32
    %add3A_92 = arith.constant 608 : i32
    %add3A_93 = arith.addi %mul3A_91, %add3A_92 : i32
    "tpu.region"() ({
      %run_scoped3A = tpu.sem_alloc : memref<!tpu.dma_semaphore, #tpu.memory_space<semaphore_mem>>
      %dma_start3A = arith.constant 0 : i32
      %dma_start3A_117 = tpu.memref_slice %arg8[%add3A_93, %dma_start3A] : memref<10240x128xf32, #tpu.memory_space<vmem_shared>> -> memref<32x128xf32, #tpu.memory_space<vmem_shared>>
      %dma_start3A_118 = arith.constant 0 : i32
      %dma_start3A_119 = tpu.memref_slice %arg8[%add3A_93, %dma_start3A_118] : memref<10240x128xf32, #tpu.memory_space<vmem_shared>> -> memref<32x128xf32, #tpu.memory_space<vmem_shared>>
      tpu.enqueue_dma source(%arg7 : memref<32x128xf32, #tpu.memory_space<vmem>>) target(%dma_start3A_119 : memref<32x128xf32, #tpu.memory_space<vmem_shared>>) target_semaphore(%run_scoped3A : memref<!tpu.dma_semaphore, #tpu.memory_space<semaphore_mem>>)
      %dma_wait3A = arith.constant 0 : i32
      %dma_wait3A_120 = tpu.memref_slice %arg8[%add3A_93, %dma_wait3A] : memref<10240x128xf32, #tpu.memory_space<vmem_shared>> -> memref<32x128xf32, #tpu.memory_space<vmem_shared>>
      %dma_wait3A_121 = arith.constant 0 : i32
      %dma_wait3A_122 = tpu.memref_slice %arg8[%add3A_93, %dma_wait3A_121] : memref<10240x128xf32, #tpu.memory_space<vmem_shared>> -> memref<32x128xf32, #tpu.memory_space<vmem_shared>>
      tpu.wait_dma2 semaphore(%run_scoped3A : memref<!tpu.dma_semaphore, #tpu.memory_space<semaphore_mem>>) src(%arg7 : memref<32x128xf32, #tpu.memory_space<vmem>>) dst(%dma_wait3A_122 : memref<32x128xf32, #tpu.memory_space<vmem_shared>>)
      tpu.yield
    }) : () -> ()
    %barrier3A = arith.constant 0 : index
    tpu.barrier barrier_id(%barrier3A)
    %scan3A_94 = arith.constant 0 : i32
    %scan3A_95 = arith.constant 0 : i32
    %scan3A_96 = arith.constant 3 : i32
    %scan3A_97 = arith.addi %scan3A_95, %scan3A_96 : i32
    %scan3A_98 = arith.constant 1 : i32
    %scan3A_99 = scf.for %scan3A_117 = %scan3A_95 to %scan3A_97 step %scan3A_98 iter_args(%scan3A_118 = %scan3A_94) -> (i32)  : i32 {
      %mul3A_119 = arith.constant 26 : i32
      %mul3A_120 = arith.muli %scan3A_117, %mul3A_119 : i32
      %add3A_121 = arith.addi %add3A_4, %mul3A_120 : i32
      %jit3A_122 = arith.constant 8 : i32
      %div3A = arith.divsi %add3A_121, %jit3A_122 : i32
      %sign3A = arith.constant 0 : i32
      %sign3A_123 = arith.cmpi sgt, %add3A_121, %sign3A : i32
      %sign3A_124 = arith.extui %sign3A_123 : i1 to i32
      %sign3A_125 = arith.constant 0 : i32
      %sign3A_126 = arith.cmpi slt, %add3A_121, %sign3A_125 : i32
      %sign3A_127 = arith.extui %sign3A_126 : i1 to i32
      %sign3A_128 = arith.subi %sign3A_124, %sign3A_127 : i32
      %sign3A_129 = arith.constant 0 : i32
      %sign3A_130 = arith.cmpi sgt, %jit3A_122, %sign3A_129 : i32
      %sign3A_131 = arith.extui %sign3A_130 : i1 to i32
      %sign3A_132 = arith.constant 0 : i32
      %sign3A_133 = arith.cmpi slt, %jit3A_122, %sign3A_132 : i32
      %sign3A_134 = arith.extui %sign3A_133 : i1 to i32
      %sign3A_135 = arith.subi %sign3A_131, %sign3A_134 : i32
      %ne3A = arith.cmpi ne, %sign3A_128, %sign3A_135 : i32
      %rem3A = arith.remsi %add3A_121, %jit3A_122 : i32
      %ne3A_136 = arith.constant 0 : i32
      %ne3A_137 = arith.cmpi ne, %rem3A, %ne3A_136 : i32
      %and3A = arith.andi %ne3A, %ne3A_137 : i1
      %sub3A = arith.constant 1 : i32
      %sub3A_138 = arith.subi %div3A, %sub3A : i32
      %select_n3A_139 = arith.select %and3A, %sub3A_138, %div3A : i32
      %mul3A_140 = arith.constant 8 : i32
      %mul3A_141 = arith.muli %select_n3A_139, %mul3A_140 : i32
      %sub3A_142 = arith.subi %add3A_121, %mul3A_141 : i32
      "tpu.region"() ({
        %run_scoped3A_212 = tpu.sem_alloc : memref<!tpu.dma_semaphore, #tpu.memory_space<semaphore_mem>>
        %dma_start3A_213 = arith.constant 0 : i32
        %dma_start3A_214 = arith.constant 0 : i32
        %dma_start3A_215 = tpu.memref_slice %arg3[%mul3A_141, %dma_start3A_213, %dma_start3A_214] : memref<2516x2x128xi32, #tpu.memory_space<hbm>> -> memref<40x2x128xi32, #tpu.memory_space<hbm>>
        %dma_start3A_216 = arith.constant 0 : i32
        %dma_start3A_217 = arith.constant 0 : i32
        %dma_start3A_218 = tpu.memref_slice %arg3[%mul3A_141, %dma_start3A_216, %dma_start3A_217] : memref<2516x2x128xi32, #tpu.memory_space<hbm>> -> memref<40x2x128xi32, #tpu.memory_space<hbm>>
        tpu.enqueue_dma source(%dma_start3A_218 : memref<40x2x128xi32, #tpu.memory_space<hbm>>) target(%arg5 : memref<40x2x128xi32, #tpu.memory_space<vmem>>) target_semaphore(%run_scoped3A_212 : memref<!tpu.dma_semaphore, #tpu.memory_space<semaphore_mem>>)
        %dma_wait3A_219 = arith.constant 0 : i32
        %dma_wait3A_220 = arith.constant 0 : i32
        %dma_wait3A_221 = tpu.memref_slice %arg3[%mul3A_141, %dma_wait3A_219, %dma_wait3A_220] : memref<2516x2x128xi32, #tpu.memory_space<hbm>> -> memref<40x2x128xi32, #tpu.memory_space<hbm>>
        %dma_wait3A_222 = arith.constant 0 : i32
        %dma_wait3A_223 = arith.constant 0 : i32
        %dma_wait3A_224 = tpu.memref_slice %arg3[%mul3A_141, %dma_wait3A_222, %dma_wait3A_223] : memref<2516x2x128xi32, #tpu.memory_space<hbm>> -> memref<40x2x128xi32, #tpu.memory_space<hbm>>
        tpu.wait_dma2 semaphore(%run_scoped3A_212 : memref<!tpu.dma_semaphore, #tpu.memory_space<semaphore_mem>>) src(%dma_wait3A_224 : memref<40x2x128xi32, #tpu.memory_space<hbm>>) dst(%arg5 : memref<40x2x128xi32, #tpu.memory_space<vmem>>)
        tpu.yield
      }) : () -> ()
      %dma_start3A = arith.constant 0 : i32
      %dma_start3A_143 = arith.constant 0 : i32
      %dma_start3A_144 = arith.constant 0 : i32
      %dma_start3A_145 = arith.constant 0 : i32
      %dma_start3A_146 = tpu.memref_slice %arg6[%dma_start3A_143, %dma_start3A_144, %dma_start3A_145] : memref<2x128x128xf32, #tpu.memory_space<vmem>> -> memref<1x128x128xf32, #tpu.memory_space<vmem>>
      %dma_start3A_147 = tpu.memref_squeeze %dma_start3A_146 : memref<1x128x128xf32, #tpu.memory_space<vmem>> -> memref<128x128xf32, #tpu.memory_space<vmem>>
      %dma_start3A_148 = arith.constant 0 : i32
      %dma_start3A_149 = tpu.memref_slice %arg5[%sub3A_142, %dma_start3A, %dma_start3A_148] : memref<40x2x128xi32, #tpu.memory_space<vmem>> -> memref<1x1x128xi32, #tpu.memory_space<vmem>>
      %dma_start3A_150 = tpu.memref_squeeze %dma_start3A_149 : memref<1x1x128xi32, #tpu.memory_space<vmem>> -> memref<128xi32, #tpu.memory_space<vmem>>
      %dma_start3A_151 = arith.constant 0 : i32
      %dma_start3A_152 = arith.constant 0 : i32
      %dma_start3A_153 = tpu.memref_slice %arg2[%dma_start3A_151, %dma_start3A_152] : memref<10000x128xf32, #tpu.memory_space<hbm>> -> memref<10000x128xf32, #tpu.memory_space<hbm>>
      tpu.enqueue_indirect_dma source(%dma_start3A_153 : memref<10000x128xf32, #tpu.memory_space<hbm>>) target(%dma_start3A_147 : memref<128x128xf32, #tpu.memory_space<vmem>>) offsets(%dma_start3A_150 : memref<128xi32, #tpu.memory_space<vmem>>) semaphore(%arg9 : memref<!tpu.dma_semaphore, #tpu.memory_space<semaphore_mem>>)
      %add3A_154 = arith.constant 1 : i32
      %add3A_155 = arith.addi %sub3A_142, %add3A_154 : i32
      %dma_start3A_156 = arith.constant 0 : i32
      %dma_start3A_157 = arith.constant 1 : i32
      %dma_start3A_158 = arith.constant 0 : i32
      %dma_start3A_159 = arith.constant 0 : i32
      %dma_start3A_160 = tpu.memref_slice %arg6[%dma_start3A_157, %dma_start3A_158, %dma_start3A_159] : memref<2x128x128xf32, #tpu.memory_space<vmem>> -> memref<1x128x128xf32, #tpu.memory_space<vmem>>
      %dma_start3A_161 = tpu.memref_squeeze %dma_start3A_160 : memref<1x128x128xf32, #tpu.memory_space<vmem>> -> memref<128x128xf32, #tpu.memory_space<vmem>>
      %dma_start3A_162 = arith.constant 0 : i32
      %dma_start3A_163 = tpu.memref_slice %arg5[%add3A_155, %dma_start3A_156, %dma_start3A_162] : memref<40x2x128xi32, #tpu.memory_space<vmem>> -> memref<1x1x128xi32, #tpu.memory_space<vmem>>
      %dma_start3A_164 = tpu.memref_squeeze %dma_start3A_163 : memref<1x1x128xi32, #tpu.memory_space<vmem>> -> memref<128xi32, #tpu.memory_space<vmem>>
      %dma_start3A_165 = arith.constant 0 : i32
      %dma_start3A_166 = arith.constant 0 : i32
      %dma_start3A_167 = tpu.memref_slice %arg2[%dma_start3A_165, %dma_start3A_166] : memref<10000x128xf32, #tpu.memory_space<hbm>> -> memref<10000x128xf32, #tpu.memory_space<hbm>>
      tpu.enqueue_indirect_dma source(%dma_start3A_167 : memref<10000x128xf32, #tpu.memory_space<hbm>>) target(%dma_start3A_161 : memref<128x128xf32, #tpu.memory_space<vmem>>) offsets(%dma_start3A_164 : memref<128xi32, #tpu.memory_space<vmem>>) semaphore(%arg10 : memref<!tpu.dma_semaphore, #tpu.memory_space<semaphore_mem>>)
      %scan3A_168 = arith.constant 0 : i32
      %scan3A_169 = arith.constant 0 : i32
      %scan3A_170 = arith.constant 12 : i32
      %scan3A_171 = arith.addi %scan3A_169, %scan3A_170 : i32
      %scan3A_172 = arith.constant 1 : i32
      %scan3A_173 = scf.for %scan3A_212 = %scan3A_169 to %scan3A_171 step %scan3A_172 iter_args(%scan3A_213 = %scan3A_168) -> (i32)  : i32 {
        %dma_wait3A_214 = arith.constant 0 : i32
        %dma_wait3A_215 = arith.constant 0 : i32
        %dma_wait3A_216 = arith.constant 0 : i32
        %dma_wait3A_217 = arith.constant 0 : i32
        %dma_wait3A_218 = arith.constant 0 : i32
        %dma_wait3A_219 = tpu.memref_slice %arg6[%dma_wait3A_216, %dma_wait3A_217, %dma_wait3A_218] : memref<2x128x128xf32, #tpu.memory_space<vmem>> -> memref<1x128x128xf32, #tpu.memory_space<vmem>>
        %dma_wait3A_220 = tpu.memref_squeeze %dma_wait3A_219 : memref<1x128x128xf32, #tpu.memory_space<vmem>> -> memref<128x128xf32, #tpu.memory_space<vmem>>
        %dma_wait3A_221 = arith.constant 0 : i32
        %dma_wait3A_222 = tpu.memref_slice %arg5[%dma_wait3A_214, %dma_wait3A_215, %dma_wait3A_221] : memref<40x2x128xi32, #tpu.memory_space<vmem>> -> memref<1x1x128xi32, #tpu.memory_space<vmem>>
        %dma_wait3A_223 = tpu.memref_squeeze %dma_wait3A_222 : memref<1x1x128xi32, #tpu.memory_space<vmem>> -> memref<128xi32, #tpu.memory_space<vmem>>
        %dma_wait3A_224 = arith.constant 0 : i32
        %dma_wait3A_225 = arith.constant 0 : i32
        %dma_wait3A_226 = tpu.memref_slice %arg2[%dma_wait3A_224, %dma_wait3A_225] : memref<10000x128xf32, #tpu.memory_space<hbm>> -> memref<10000x128xf32, #tpu.memory_space<hbm>>
        tpu.wait_indirect_dma semaphore(%arg9 : memref<!tpu.dma_semaphore, #tpu.memory_space<semaphore_mem>>) src(%dma_wait3A_226 : memref<10000x128xf32, #tpu.memory_space<hbm>>) dst(%dma_wait3A_220 : memref<128x128xf32, #tpu.memory_space<vmem>>)
        %mul3A_227 = arith.constant 2 : i32
        %mul3A_228 = arith.muli %mul3A_227, %scan3A_212 : i32
        %add3A_229 = arith.addi %sub3A_142, %mul3A_228 : i32
        %run_scoped3A_230 = arith.constant 0 : i32
        %run_scoped3A_231 = arith.constant 1 : i32
        "tpu.region"() ({
          %run_scoped3A_287 = tpu.sem_alloc : memref<!tpu.dma_semaphore, #tpu.memory_space<semaphore_mem>>
          %dma_start3A_288 = arith.constant 0 : i32
          %dma_start3A_289 = arith.constant 0 : i32
          %dma_start3A_290 = tpu.memref_slice %arg6[%run_scoped3A_230, %dma_start3A_288, %dma_start3A_289] : memref<2x128x128xf32, #tpu.memory_space<vmem>> -> memref<1x128x128xf32, #tpu.memory_space<vmem>>
          %dma_start3A_291 = tpu.memref_squeeze %dma_start3A_290 : memref<1x128x128xf32, #tpu.memory_space<vmem>> -> memref<128x128xf32, #tpu.memory_space<vmem>>
          %dma_start3A_292 = arith.constant 0 : i32
          %dma_start3A_293 = tpu.memref_slice %arg5[%add3A_229, %run_scoped3A_231, %dma_start3A_292] : memref<40x2x128xi32, #tpu.memory_space<vmem>> -> memref<1x1x128xi32, #tpu.memory_space<vmem>>
          %dma_start3A_294 = tpu.memref_squeeze %dma_start3A_293 : memref<1x1x128xi32, #tpu.memory_space<vmem>> -> memref<128xi32, #tpu.memory_space<vmem>>
          %dma_start3A_295 = arith.constant 0 : i32
          %dma_start3A_296 = arith.constant 0 : i32
          %dma_start3A_297 = tpu.memref_slice %arg8[%dma_start3A_295, %dma_start3A_296] : memref<10240x128xf32, #tpu.memory_space<vmem_shared>> -> memref<10240x128xf32, #tpu.memory_space<vmem_shared>>
          tpu.enqueue_indirect_dma source(%dma_start3A_291 : memref<128x128xf32, #tpu.memory_space<vmem>>) target(%dma_start3A_297 : memref<10240x128xf32, #tpu.memory_space<vmem_shared>>) offsets(%dma_start3A_294 : memref<128xi32, #tpu.memory_space<vmem>>) semaphore(%run_scoped3A_287 : memref<!tpu.dma_semaphore, #tpu.memory_space<semaphore_mem>>) {add = true}
          %dma_wait3A_298 = arith.constant 0 : i32
          %dma_wait3A_299 = arith.constant 0 : i32
          %dma_wait3A_300 = tpu.memref_slice %arg6[%run_scoped3A_230, %dma_wait3A_298, %dma_wait3A_299] : memref<2x128x128xf32, #tpu.memory_space<vmem>> -> memref<1x128x128xf32, #tpu.memory_space<vmem>>
          %dma_wait3A_301 = tpu.memref_squeeze %dma_wait3A_300 : memref<1x128x128xf32, #tpu.memory_space<vmem>> -> memref<128x128xf32, #tpu.memory_space<vmem>>
          %dma_wait3A_302 = arith.constant 0 : i32
          %dma_wait3A_303 = tpu.memref_slice %arg5[%add3A_229, %run_scoped3A_231, %dma_wait3A_302] : memref<40x2x128xi32, #tpu.memory_space<vmem>> -> memref<1x1x128xi32, #tpu.memory_space<vmem>>
          %dma_wait3A_304 = tpu.memref_squeeze %dma_wait3A_303 : memref<1x1x128xi32, #tpu.memory_space<vmem>> -> memref<128xi32, #tpu.memory_space<vmem>>
          %dma_wait3A_305 = arith.constant 0 : i32
          %dma_wait3A_306 = arith.constant 0 : i32
          %dma_wait3A_307 = tpu.memref_slice %arg8[%dma_wait3A_305, %dma_wait3A_306] : memref<10240x128xf32, #tpu.memory_space<vmem_shared>> -> memref<10240x128xf32, #tpu.memory_space<vmem_shared>>
          tpu.wait_indirect_dma semaphore(%run_scoped3A_287 : memref<!tpu.dma_semaphore, #tpu.memory_space<semaphore_mem>>) src(%dma_wait3A_301 : memref<128x128xf32, #tpu.memory_space<vmem>>) dst(%dma_wait3A_307 : memref<10240x128xf32, #tpu.memory_space<vmem_shared>>)
          tpu.yield
        }) : () -> ()
        %mul3A_232 = arith.constant 2 : i32
        %mul3A_233 = arith.muli %mul3A_232, %scan3A_212 : i32
        %add3A_234 = arith.addi %sub3A_142, %mul3A_233 : i32
        %add3A_235 = arith.constant 2 : i32
        %add3A_236 = arith.addi %add3A_234, %add3A_235 : i32
        %dma_start3A_237 = arith.constant 0 : i32
        %dma_start3A_238 = arith.constant 0 : i32
        %dma_start3A_239 = arith.constant 0 : i32
        %dma_start3A_240 = arith.constant 0 : i32
        %dma_start3A_241 = tpu.memref_slice %arg6[%dma_start3A_238, %dma_start3A_239, %dma_start3A_240] : memref<2x128x128xf32, #tpu.memory_space<vmem>> -> memref<1x128x128xf32, #tpu.memory_space<vmem>>
        %dma_start3A_242 = tpu.memref_squeeze %dma_start3A_241 : memref<1x128x128xf32, #tpu.memory_space<vmem>> -> memref<128x128xf32, #tpu.memory_space<vmem>>
        %dma_start3A_243 = arith.constant 0 : i32
        %dma_start3A_244 = tpu.memref_slice %arg5[%add3A_236, %dma_start3A_237, %dma_start3A_243] : memref<40x2x128xi32, #tpu.memory_space<vmem>> -> memref<1x1x128xi32, #tpu.memory_space<vmem>>
        %dma_start3A_245 = tpu.memref_squeeze %dma_start3A_244 : memref<1x1x128xi32, #tpu.memory_space<vmem>> -> memref<128xi32, #tpu.memory_space<vmem>>
        %dma_start3A_246 = arith.constant 0 : i32
        %dma_start3A_247 = arith.constant 0 : i32
        %dma_start3A_248 = tpu.memref_slice %arg2[%dma_start3A_246, %dma_start3A_247] : memref<10000x128xf32, #tpu.memory_space<hbm>> -> memref<10000x128xf32, #tpu.memory_space<hbm>>
        tpu.enqueue_indirect_dma source(%dma_start3A_248 : memref<10000x128xf32, #tpu.memory_space<hbm>>) target(%dma_start3A_242 : memref<128x128xf32, #tpu.memory_space<vmem>>) offsets(%dma_start3A_245 : memref<128xi32, #tpu.memory_space<vmem>>) semaphore(%arg9 : memref<!tpu.dma_semaphore, #tpu.memory_space<semaphore_mem>>)
        %dma_wait3A_249 = arith.constant 0 : i32
        %dma_wait3A_250 = arith.constant 0 : i32
        %dma_wait3A_251 = arith.constant 1 : i32
        %dma_wait3A_252 = arith.constant 0 : i32
        %dma_wait3A_253 = arith.constant 0 : i32
        %dma_wait3A_254 = tpu.memref_slice %arg6[%dma_wait3A_251, %dma_wait3A_252, %dma_wait3A_253] : memref<2x128x128xf32, #tpu.memory_space<vmem>> -> memref<1x128x128xf32, #tpu.memory_space<vmem>>
        %dma_wait3A_255 = tpu.memref_squeeze %dma_wait3A_254 : memref<1x128x128xf32, #tpu.memory_space<vmem>> -> memref<128x128xf32, #tpu.memory_space<vmem>>
        %dma_wait3A_256 = arith.constant 0 : i32
        %dma_wait3A_257 = tpu.memref_slice %arg5[%dma_wait3A_249, %dma_wait3A_250, %dma_wait3A_256] : memref<40x2x128xi32, #tpu.memory_space<vmem>> -> memref<1x1x128xi32, #tpu.memory_space<vmem>>
        %dma_wait3A_258 = tpu.memref_squeeze %dma_wait3A_257 : memref<1x1x128xi32, #tpu.memory_space<vmem>> -> memref<128xi32, #tpu.memory_space<vmem>>
        %dma_wait3A_259 = arith.constant 0 : i32
        %dma_wait3A_260 = arith.constant 0 : i32
        %dma_wait3A_261 = tpu.memref_slice %arg2[%dma_wait3A_259, %dma_wait3A_260] : memref<10000x128xf32, #tpu.memory_space<hbm>> -> memref<10000x128xf32, #tpu.memory_space<hbm>>
        tpu.wait_indirect_dma semaphore(%arg10 : memref<!tpu.dma_semaphore, #tpu.memory_space<semaphore_mem>>) src(%dma_wait3A_261 : memref<10000x128xf32, #tpu.memory_space<hbm>>) dst(%dma_wait3A_255 : memref<128x128xf32, #tpu.memory_space<vmem>>)
        %mul3A_262 = arith.constant 2 : i32
        %mul3A_263 = arith.muli %mul3A_262, %scan3A_212 : i32
        %add3A_264 = arith.addi %sub3A_142, %mul3A_263 : i32
        %add3A_265 = arith.constant 1 : i32
        %add3A_266 = arith.addi %add3A_264, %add3A_265 : i32
        %run_scoped3A_267 = arith.constant 1 : i32
        %run_scoped3A_268 = arith.constant 1 : i32
        "tpu.region"() ({
          %run_scoped3A_287 = tpu.sem_alloc : memref<!tpu.dma_semaphore, #tpu.memory_space<semaphore_mem>>
          %dma_start3A_288 = arith.constant 0 : i32
          %dma_start3A_289 = arith.constant 0 : i32
          %dma_start3A_290 = tpu.memref_slice %arg6[%run_scoped3A_267, %dma_start3A_288, %dma_start3A_289] : memref<2x128x128xf32, #tpu.memory_space<vmem>> -> memref<1x128x128xf32, #tpu.memory_space<vmem>>
          %dma_start3A_291 = tpu.memref_squeeze %dma_start3A_290 : memref<1x128x128xf32, #tpu.memory_space<vmem>> -> memref<128x128xf32, #tpu.memory_space<vmem>>
          %dma_start3A_292 = arith.constant 0 : i32
          %dma_start3A_293 = tpu.memref_slice %arg5[%add3A_266, %run_scoped3A_268, %dma_start3A_292] : memref<40x2x128xi32, #tpu.memory_space<vmem>> -> memref<1x1x128xi32, #tpu.memory_space<vmem>>
          %dma_start3A_294 = tpu.memref_squeeze %dma_start3A_293 : memref<1x1x128xi32, #tpu.memory_space<vmem>> -> memref<128xi32, #tpu.memory_space<vmem>>
          %dma_start3A_295 = arith.constant 0 : i32
          %dma_start3A_296 = arith.constant 0 : i32
          %dma_start3A_297 = tpu.memref_slice %arg8[%dma_start3A_295, %dma_start3A_296] : memref<10240x128xf32, #tpu.memory_space<vmem_shared>> -> memref<10240x128xf32, #tpu.memory_space<vmem_shared>>
          tpu.enqueue_indirect_dma source(%dma_start3A_291 : memref<128x128xf32, #tpu.memory_space<vmem>>) target(%dma_start3A_297 : memref<10240x128xf32, #tpu.memory_space<vmem_shared>>) offsets(%dma_start3A_294 : memref<128xi32, #tpu.memory_space<vmem>>) semaphore(%run_scoped3A_287 : memref<!tpu.dma_semaphore, #tpu.memory_space<semaphore_mem>>) {add = true}
          %dma_wait3A_298 = arith.constant 0 : i32
          %dma_wait3A_299 = arith.constant 0 : i32
          %dma_wait3A_300 = tpu.memref_slice %arg6[%run_scoped3A_267, %dma_wait3A_298, %dma_wait3A_299] : memref<2x128x128xf32, #tpu.memory_space<vmem>> -> memref<1x128x128xf32, #tpu.memory_space<vmem>>
          %dma_wait3A_301 = tpu.memref_squeeze %dma_wait3A_300 : memref<1x128x128xf32, #tpu.memory_space<vmem>> -> memref<128x128xf32, #tpu.memory_space<vmem>>
          %dma_wait3A_302 = arith.constant 0 : i32
          %dma_wait3A_303 = tpu.memref_slice %arg5[%add3A_266, %run_scoped3A_268, %dma_wait3A_302] : memref<40x2x128xi32, #tpu.memory_space<vmem>> -> memref<1x1x128xi32, #tpu.memory_space<vmem>>
          %dma_wait3A_304 = tpu.memref_squeeze %dma_wait3A_303 : memref<1x1x128xi32, #tpu.memory_space<vmem>> -> memref<128xi32, #tpu.memory_space<vmem>>
          %dma_wait3A_305 = arith.constant 0 : i32
          %dma_wait3A_306 = arith.constant 0 : i32
          %dma_wait3A_307 = tpu.memref_slice %arg8[%dma_wait3A_305, %dma_wait3A_306] : memref<10240x128xf32, #tpu.memory_space<vmem_shared>> -> memref<10240x128xf32, #tpu.memory_space<vmem_shared>>
          tpu.wait_indirect_dma semaphore(%run_scoped3A_287 : memref<!tpu.dma_semaphore, #tpu.memory_space<semaphore_mem>>) src(%dma_wait3A_301 : memref<128x128xf32, #tpu.memory_space<vmem>>) dst(%dma_wait3A_307 : memref<10240x128xf32, #tpu.memory_space<vmem_shared>>)
          tpu.yield
        }) : () -> ()
        %mul3A_269 = arith.constant 2 : i32
        %mul3A_270 = arith.muli %mul3A_269, %scan3A_212 : i32
        %add3A_271 = arith.addi %sub3A_142, %mul3A_270 : i32
        %add3A_272 = arith.constant 3 : i32
        %add3A_273 = arith.addi %add3A_271, %add3A_272 : i32
        %dma_start3A_274 = arith.constant 0 : i32
        %dma_start3A_275 = arith.constant 1 : i32
        %dma_start3A_276 = arith.constant 0 : i32
        %dma_start3A_277 = arith.constant 0 : i32
        %dma_start3A_278 = tpu.memref_slice %arg6[%dma_start3A_275, %dma_start3A_276, %dma_start3A_277] : memref<2x128x128xf32, #tpu.memory_space<vmem>> -> memref<1x128x128xf32, #tpu.memory_space<vmem>>
        %dma_start3A_279 = tpu.memref_squeeze %dma_start3A_278 : memref<1x128x128xf32, #tpu.memory_space<vmem>> -> memref<128x128xf32, #tpu.memory_space<vmem>>
        %dma_start3A_280 = arith.constant 0 : i32
        %dma_start3A_281 = tpu.memref_slice %arg5[%add3A_273, %dma_start3A_274, %dma_start3A_280] : memref<40x2x128xi32, #tpu.memory_space<vmem>> -> memref<1x1x128xi32, #tpu.memory_space<vmem>>
        %dma_start3A_282 = tpu.memref_squeeze %dma_start3A_281 : memref<1x1x128xi32, #tpu.memory_space<vmem>> -> memref<128xi32, #tpu.memory_space<vmem>>
        %dma_start3A_283 = arith.constant 0 : i32
        %dma_start3A_284 = arith.constant 0 : i32
        %dma_start3A_285 = tpu.memref_slice %arg2[%dma_start3A_283, %dma_start3A_284] : memref<10000x128xf32, #tpu.memory_space<hbm>> -> memref<10000x128xf32, #tpu.memory_space<hbm>>
        tpu.enqueue_indirect_dma source(%dma_start3A_285 : memref<10000x128xf32, #tpu.memory_space<hbm>>) target(%dma_start3A_279 : memref<128x128xf32, #tpu.memory_space<vmem>>) offsets(%dma_start3A_282 : memref<128xi32, #tpu.memory_space<vmem>>) semaphore(%arg10 : memref<!tpu.dma_semaphore, #tpu.memory_space<semaphore_mem>>)
        %scan3A_286 = arith.constant 0 : i32
        scf.yield %scan3A_286 : i32
      }
      %scan3A_174 = arith.constant 12 : i32
      %dma_wait3A = arith.constant 0 : i32
      %dma_wait3A_175 = arith.constant 0 : i32
      %dma_wait3A_176 = arith.constant 0 : i32
      %dma_wait3A_177 = arith.constant 0 : i32
      %dma_wait3A_178 = arith.constant 0 : i32
      %dma_wait3A_179 = tpu.memref_slice %arg6[%dma_wait3A_176, %dma_wait3A_177, %dma_wait3A_178] : memref<2x128x128xf32, #tpu.memory_space<vmem>> -> memref<1x128x128xf32, #tpu.memory_space<vmem>>
      %dma_wait3A_180 = tpu.memref_squeeze %dma_wait3A_179 : memref<1x128x128xf32, #tpu.memory_space<vmem>> -> memref<128x128xf32, #tpu.memory_space<vmem>>
      %dma_wait3A_181 = arith.constant 0 : i32
      %dma_wait3A_182 = tpu.memref_slice %arg5[%dma_wait3A, %dma_wait3A_175, %dma_wait3A_181] : memref<40x2x128xi32, #tpu.memory_space<vmem>> -> memref<1x1x128xi32, #tpu.memory_space<vmem>>
      %dma_wait3A_183 = tpu.memref_squeeze %dma_wait3A_182 : memref<1x1x128xi32, #tpu.memory_space<vmem>> -> memref<128xi32, #tpu.memory_space<vmem>>
      %dma_wait3A_184 = arith.constant 0 : i32
      %dma_wait3A_185 = arith.constant 0 : i32
      %dma_wait3A_186 = tpu.memref_slice %arg2[%dma_wait3A_184, %dma_wait3A_185] : memref<10000x128xf32, #tpu.memory_space<hbm>> -> memref<10000x128xf32, #tpu.memory_space<hbm>>
      tpu.wait_indirect_dma semaphore(%arg9 : memref<!tpu.dma_semaphore, #tpu.memory_space<semaphore_mem>>) src(%dma_wait3A_186 : memref<10000x128xf32, #tpu.memory_space<hbm>>) dst(%dma_wait3A_180 : memref<128x128xf32, #tpu.memory_space<vmem>>)
      %add3A_187 = arith.constant 26 : i32
      %add3A_188 = arith.addi %sub3A_142, %add3A_187 : i32
      %sub3A_189 = arith.constant 2 : i32
      %sub3A_190 = arith.subi %add3A_188, %sub3A_189 : i32
      %run_scoped3A = arith.constant 0 : i32
      %run_scoped3A_191 = arith.constant 1 : i32
      "tpu.region"() ({
        %run_scoped3A_212 = tpu.sem_alloc : memref<!tpu.dma_semaphore, #tpu.memory_space<semaphore_mem>>
        %dma_start3A_213 = arith.constant 0 : i32
        %dma_start3A_214 = arith.constant 0 : i32
        %dma_start3A_215 = tpu.memref_slice %arg6[%run_scoped3A, %dma_start3A_213, %dma_start3A_214] : memref<2x128x128xf32, #tpu.memory_space<vmem>> -> memref<1x128x128xf32, #tpu.memory_space<vmem>>
        %dma_start3A_216 = tpu.memref_squeeze %dma_start3A_215 : memref<1x128x128xf32, #tpu.memory_space<vmem>> -> memref<128x128xf32, #tpu.memory_space<vmem>>
        %dma_start3A_217 = arith.constant 0 : i32
        %dma_start3A_218 = tpu.memref_slice %arg5[%sub3A_190, %run_scoped3A_191, %dma_start3A_217] : memref<40x2x128xi32, #tpu.memory_space<vmem>> -> memref<1x1x128xi32, #tpu.memory_space<vmem>>
        %dma_start3A_219 = tpu.memref_squeeze %dma_start3A_218 : memref<1x1x128xi32, #tpu.memory_space<vmem>> -> memref<128xi32, #tpu.memory_space<vmem>>
        %dma_start3A_220 = arith.constant 0 : i32
        %dma_start3A_221 = arith.constant 0 : i32
        %dma_start3A_222 = tpu.memref_slice %arg8[%dma_start3A_220, %dma_start3A_221] : memref<10240x128xf32, #tpu.memory_space<vmem_shared>> -> memref<10240x128xf32, #tpu.memory_space<vmem_shared>>
        tpu.enqueue_indirect_dma source(%dma_start3A_216 : memref<128x128xf32, #tpu.memory_space<vmem>>) target(%dma_start3A_222 : memref<10240x128xf32, #tpu.memory_space<vmem_shared>>) offsets(%dma_start3A_219 : memref<128xi32, #tpu.memory_space<vmem>>) semaphore(%run_scoped3A_212 : memref<!tpu.dma_semaphore, #tpu.memory_space<semaphore_mem>>) {add = true}
        %dma_wait3A_223 = arith.constant 0 : i32
        %dma_wait3A_224 = arith.constant 0 : i32
        %dma_wait3A_225 = tpu.memref_slice %arg6[%run_scoped3A, %dma_wait3A_223, %dma_wait3A_224] : memref<2x128x128xf32, #tpu.memory_space<vmem>> -> memref<1x128x128xf32, #tpu.memory_space<vmem>>
        %dma_wait3A_226 = tpu.memref_squeeze %dma_wait3A_225 : memref<1x128x128xf32, #tpu.memory_space<vmem>> -> memref<128x128xf32, #tpu.memory_space<vmem>>
        %dma_wait3A_227 = arith.constant 0 : i32
        %dma_wait3A_228 = tpu.memref_slice %arg5[%sub3A_190, %run_scoped3A_191, %dma_wait3A_227] : memref<40x2x128xi32, #tpu.memory_space<vmem>> -> memref<1x1x128xi32, #tpu.memory_space<vmem>>
        %dma_wait3A_229 = tpu.memref_squeeze %dma_wait3A_228 : memref<1x1x128xi32, #tpu.memory_space<vmem>> -> memref<128xi32, #tpu.memory_space<vmem>>
        %dma_wait3A_230 = arith.constant 0 : i32
        %dma_wait3A_231 = arith.constant 0 : i32
        %dma_wait3A_232 = tpu.memref_slice %arg8[%dma_wait3A_230, %dma_wait3A_231] : memref<10240x128xf32, #tpu.memory_space<vmem_shared>> -> memref<10240x128xf32, #tpu.memory_space<vmem_shared>>
        tpu.wait_indirect_dma semaphore(%run_scoped3A_212 : memref<!tpu.dma_semaphore, #tpu.memory_space<semaphore_mem>>) src(%dma_wait3A_226 : memref<128x128xf32, #tpu.memory_space<vmem>>) dst(%dma_wait3A_232 : memref<10240x128xf32, #tpu.memory_space<vmem_shared>>)
        tpu.yield
      }) : () -> ()
      %dma_wait3A_192 = arith.constant 0 : i32
      %dma_wait3A_193 = arith.constant 0 : i32
      %dma_wait3A_194 = arith.constant 1 : i32
      %dma_wait3A_195 = arith.constant 0 : i32
      %dma_wait3A_196 = arith.constant 0 : i32
      %dma_wait3A_197 = tpu.memref_slice %arg6[%dma_wait3A_194, %dma_wait3A_195, %dma_wait3A_196] : memref<2x128x128xf32, #tpu.memory_space<vmem>> -> memref<1x128x128xf32, #tpu.memory_space<vmem>>
      %dma_wait3A_198 = tpu.memref_squeeze %dma_wait3A_197 : memref<1x128x128xf32, #tpu.memory_space<vmem>> -> memref<128x128xf32, #tpu.memory_space<vmem>>
      %dma_wait3A_199 = arith.constant 0 : i32
      %dma_wait3A_200 = tpu.memref_slice %arg5[%dma_wait3A_192, %dma_wait3A_193, %dma_wait3A_199] : memref<40x2x128xi32, #tpu.memory_space<vmem>> -> memref<1x1x128xi32, #tpu.memory_space<vmem>>
      %dma_wait3A_201 = tpu.memref_squeeze %dma_wait3A_200 : memref<1x1x128xi32, #tpu.memory_space<vmem>> -> memref<128xi32, #tpu.memory_space<vmem>>
      %dma_wait3A_202 = arith.constant 0 : i32
      %dma_wait3A_203 = arith.constant 0 : i32
      %dma_wait3A_204 = tpu.memref_slice %arg2[%dma_wait3A_202, %dma_wait3A_203] : memref<10000x128xf32, #tpu.memory_space<hbm>> -> memref<10000x128xf32, #tpu.memory_space<hbm>>
      tpu.wait_indirect_dma semaphore(%arg10 : memref<!tpu.dma_semaphore, #tpu.memory_space<semaphore_mem>>) src(%dma_wait3A_204 : memref<10000x128xf32, #tpu.memory_space<hbm>>) dst(%dma_wait3A_198 : memref<128x128xf32, #tpu.memory_space<vmem>>)
      %add3A_205 = arith.constant 26 : i32
      %add3A_206 = arith.addi %sub3A_142, %add3A_205 : i32
      %sub3A_207 = arith.constant 1 : i32
      %sub3A_208 = arith.subi %add3A_206, %sub3A_207 : i32
      %run_scoped3A_209 = arith.constant 1 : i32
      %run_scoped3A_210 = arith.constant 1 : i32
      "tpu.region"() ({
        %run_scoped3A_212 = tpu.sem_alloc : memref<!tpu.dma_semaphore, #tpu.memory_space<semaphore_mem>>
        %dma_start3A_213 = arith.constant 0 : i32
        %dma_start3A_214 = arith.constant 0 : i32
        %dma_start3A_215 = tpu.memref_slice %arg6[%run_scoped3A_209, %dma_start3A_213, %dma_start3A_214] : memref<2x128x128xf32, #tpu.memory_space<vmem>> -> memref<1x128x128xf32, #tpu.memory_space<vmem>>
        %dma_start3A_216 = tpu.memref_squeeze %dma_start3A_215 : memref<1x128x128xf32, #tpu.memory_space<vmem>> -> memref<128x128xf32, #tpu.memory_space<vmem>>
        %dma_start3A_217 = arith.constant 0 : i32
        %dma_start3A_218 = tpu.memref_slice %arg5[%sub3A_208, %run_scoped3A_210, %dma_start3A_217] : memref<40x2x128xi32, #tpu.memory_space<vmem>> -> memref<1x1x128xi32, #tpu.memory_space<vmem>>
        %dma_start3A_219 = tpu.memref_squeeze %dma_start3A_218 : memref<1x1x128xi32, #tpu.memory_space<vmem>> -> memref<128xi32, #tpu.memory_space<vmem>>
        %dma_start3A_220 = arith.constant 0 : i32
        %dma_start3A_221 = arith.constant 0 : i32
        %dma_start3A_222 = tpu.memref_slice %arg8[%dma_start3A_220, %dma_start3A_221] : memref<10240x128xf32, #tpu.memory_space<vmem_shared>> -> memref<10240x128xf32, #tpu.memory_space<vmem_shared>>
        tpu.enqueue_indirect_dma source(%dma_start3A_216 : memref<128x128xf32, #tpu.memory_space<vmem>>) target(%dma_start3A_222 : memref<10240x128xf32, #tpu.memory_space<vmem_shared>>) offsets(%dma_start3A_219 : memref<128xi32, #tpu.memory_space<vmem>>) semaphore(%run_scoped3A_212 : memref<!tpu.dma_semaphore, #tpu.memory_space<semaphore_mem>>) {add = true}
        %dma_wait3A_223 = arith.constant 0 : i32
        %dma_wait3A_224 = arith.constant 0 : i32
        %dma_wait3A_225 = tpu.memref_slice %arg6[%run_scoped3A_209, %dma_wait3A_223, %dma_wait3A_224] : memref<2x128x128xf32, #tpu.memory_space<vmem>> -> memref<1x128x128xf32, #tpu.memory_space<vmem>>
        %dma_wait3A_226 = tpu.memref_squeeze %dma_wait3A_225 : memref<1x128x128xf32, #tpu.memory_space<vmem>> -> memref<128x128xf32, #tpu.memory_space<vmem>>
        %dma_wait3A_227 = arith.constant 0 : i32
        %dma_wait3A_228 = tpu.memref_slice %arg5[%sub3A_208, %run_scoped3A_210, %dma_wait3A_227] : memref<40x2x128xi32, #tpu.memory_space<vmem>> -> memref<1x1x128xi32, #tpu.memory_space<vmem>>
        %dma_wait3A_229 = tpu.memref_squeeze %dma_wait3A_228 : memref<1x1x128xi32, #tpu.memory_space<vmem>> -> memref<128xi32, #tpu.memory_space<vmem>>
        %dma_wait3A_230 = arith.constant 0 : i32
        %dma_wait3A_231 = arith.constant 0 : i32
        %dma_wait3A_232 = tpu.memref_slice %arg8[%dma_wait3A_230, %dma_wait3A_231] : memref<10240x128xf32, #tpu.memory_space<vmem_shared>> -> memref<10240x128xf32, #tpu.memory_space<vmem_shared>>
        tpu.wait_indirect_dma semaphore(%run_scoped3A_212 : memref<!tpu.dma_semaphore, #tpu.memory_space<semaphore_mem>>) src(%dma_wait3A_226 : memref<128x128xf32, #tpu.memory_space<vmem>>) dst(%dma_wait3A_232 : memref<10240x128xf32, #tpu.memory_space<vmem_shared>>)
        tpu.yield
      }) : () -> ()
      %scan3A_211 = arith.constant 0 : i32
      scf.yield %scan3A_211 : i32
    }
    %scan3A_100 = arith.constant 3 : i32
    %while3A = arith.constant 0 : i32
    %while3A_101 = arith.constant 0 : i32
    %while3A_102 = arith.subi %select_n3A, %while3A : i32
    %while3A_103 = arith.addi %while3A, %while3A_102 : i32
    %while3A_104 = arith.constant 1 : i32
    %while3A_105 = arith.divsi %while3A_102, %while3A_104 : i32
    %while3A_106 = arith.muli %while3A_105, %while3A_104 : i32
    %while3A_107 = arith.addi %while3A, %while3A_106 : i32
    %while3A_108 = arith.constant 1 : i32
    %while3A_109 = scf.for %while3A_117 = %while3A to %while3A_107 step %while3A_108 iter_args(%while3A_118 = %while3A_101) -> (i32)  : i32 {
      %add3A_119 = arith.constant 78 : i32
      %add3A_120 = arith.addi %add3A_4, %add3A_119 : i32
      %add3A_121 = arith.addi %add3A_120, %while3A_117 : i32
      %jit3A_122 = arith.constant 8 : i32
      %div3A = arith.divsi %add3A_121, %jit3A_122 : i32
      %sign3A = arith.constant 0 : i32
      %sign3A_123 = arith.cmpi sgt, %add3A_121, %sign3A : i32
      %sign3A_124 = arith.extui %sign3A_123 : i1 to i32
      %sign3A_125 = arith.constant 0 : i32
      %sign3A_126 = arith.cmpi slt, %add3A_121, %sign3A_125 : i32
      %sign3A_127 = arith.extui %sign3A_126 : i1 to i32
      %sign3A_128 = arith.subi %sign3A_124, %sign3A_127 : i32
      %sign3A_129 = arith.constant 0 : i32
      %sign3A_130 = arith.cmpi sgt, %jit3A_122, %sign3A_129 : i32
      %sign3A_131 = arith.extui %sign3A_130 : i1 to i32
      %sign3A_132 = arith.constant 0 : i32
      %sign3A_133 = arith.cmpi slt, %jit3A_122, %sign3A_132 : i32
      %sign3A_134 = arith.extui %sign3A_133 : i1 to i32
      %sign3A_135 = arith.subi %sign3A_131, %sign3A_134 : i32
      %ne3A = arith.cmpi ne, %sign3A_128, %sign3A_135 : i32
      %rem3A = arith.remsi %add3A_121, %jit3A_122 : i32
      %ne3A_136 = arith.constant 0 : i32
      %ne3A_137 = arith.cmpi ne, %rem3A, %ne3A_136 : i32
      %and3A = arith.andi %ne3A, %ne3A_137 : i1
      %sub3A = arith.constant 1 : i32
      %sub3A_138 = arith.subi %div3A, %sub3A : i32
      %select_n3A_139 = arith.select %and3A, %sub3A_138, %div3A : i32
      %mul3A_140 = arith.constant 8 : i32
      %mul3A_141 = arith.muli %select_n3A_139, %mul3A_140 : i32
      %sub3A_142 = arith.subi %add3A_121, %mul3A_141 : i32
      "tpu.region"() ({
        %run_scoped3A_167 = tpu.sem_alloc : memref<!tpu.dma_semaphore, #tpu.memory_space<semaphore_mem>>
        %dma_start3A_168 = arith.constant 0 : i32
        %dma_start3A_169 = arith.constant 0 : i32
        %dma_start3A_170 = arith.constant 0 : i32
        %dma_start3A_171 = tpu.memref_slice %arg5[%dma_start3A_168, %dma_start3A_169, %dma_start3A_170] : memref<40x2x128xi32, #tpu.memory_space<vmem>> -> memref<8x2x128xi32, #tpu.memory_space<vmem>>
        %dma_start3A_172 = arith.constant 0 : i32
        %dma_start3A_173 = arith.constant 0 : i32
        %dma_start3A_174 = tpu.memref_slice %arg3[%mul3A_141, %dma_start3A_172, %dma_start3A_173] : memref<2516x2x128xi32, #tpu.memory_space<hbm>> -> memref<8x2x128xi32, #tpu.memory_space<hbm>>
        %dma_start3A_175 = arith.constant 0 : i32
        %dma_start3A_176 = arith.constant 0 : i32
        %dma_start3A_177 = arith.constant 0 : i32
        %dma_start3A_178 = tpu.memref_slice %arg5[%dma_start3A_175, %dma_start3A_176, %dma_start3A_177] : memref<40x2x128xi32, #tpu.memory_space<vmem>> -> memref<8x2x128xi32, #tpu.memory_space<vmem>>
        %dma_start3A_179 = arith.constant 0 : i32
        %dma_start3A_180 = arith.constant 0 : i32
        %dma_start3A_181 = tpu.memref_slice %arg3[%mul3A_141, %dma_start3A_179, %dma_start3A_180] : memref<2516x2x128xi32, #tpu.memory_space<hbm>> -> memref<8x2x128xi32, #tpu.memory_space<hbm>>
        tpu.enqueue_dma source(%dma_start3A_181 : memref<8x2x128xi32, #tpu.memory_space<hbm>>) target(%dma_start3A_178 : memref<8x2x128xi32, #tpu.memory_space<vmem>>) target_semaphore(%run_scoped3A_167 : memref<!tpu.dma_semaphore, #tpu.memory_space<semaphore_mem>>)
        %dma_wait3A_182 = arith.constant 0 : i32
        %dma_wait3A_183 = arith.constant 0 : i32
        %dma_wait3A_184 = arith.constant 0 : i32
        %dma_wait3A_185 = tpu.memref_slice %arg5[%dma_wait3A_182, %dma_wait3A_183, %dma_wait3A_184] : memref<40x2x128xi32, #tpu.memory_space<vmem>> -> memref<8x2x128xi32, #tpu.memory_space<vmem>>
        %dma_wait3A_186 = arith.constant 0 : i32
        %dma_wait3A_187 = arith.constant 0 : i32
        %dma_wait3A_188 = tpu.memref_slice %arg3[%mul3A_141, %dma_wait3A_186, %dma_wait3A_187] : memref<2516x2x128xi32, #tpu.memory_space<hbm>> -> memref<8x2x128xi32, #tpu.memory_space<hbm>>
        %dma_wait3A_189 = arith.constant 0 : i32
        %dma_wait3A_190 = arith.constant 0 : i32
        %dma_wait3A_191 = arith.constant 0 : i32
        %dma_wait3A_192 = tpu.memref_slice %arg5[%dma_wait3A_189, %dma_wait3A_190, %dma_wait3A_191] : memref<40x2x128xi32, #tpu.memory_space<vmem>> -> memref<8x2x128xi32, #tpu.memory_space<vmem>>
        %dma_wait3A_193 = arith.constant 0 : i32
        %dma_wait3A_194 = arith.constant 0 : i32
        %dma_wait3A_195 = tpu.memref_slice %arg3[%mul3A_141, %dma_wait3A_193, %dma_wait3A_194] : memref<2516x2x128xi32, #tpu.memory_space<hbm>> -> memref<8x2x128xi32, #tpu.memory_space<hbm>>
        tpu.wait_dma2 semaphore(%run_scoped3A_167 : memref<!tpu.dma_semaphore, #tpu.memory_space<semaphore_mem>>) src(%dma_wait3A_195 : memref<8x2x128xi32, #tpu.memory_space<hbm>>) dst(%dma_wait3A_192 : memref<8x2x128xi32, #tpu.memory_space<vmem>>)
        tpu.yield
      }) : () -> ()
      %dma_start3A = arith.constant 0 : i32
      %dma_start3A_143 = arith.constant 0 : i32
      %dma_start3A_144 = arith.constant 0 : i32
      %dma_start3A_145 = arith.constant 0 : i32
      %dma_start3A_146 = tpu.memref_slice %arg6[%dma_start3A_143, %dma_start3A_144, %dma_start3A_145] : memref<2x128x128xf32, #tpu.memory_space<vmem>> -> memref<1x128x128xf32, #tpu.memory_space<vmem>>
      %dma_start3A_147 = tpu.memref_squeeze %dma_start3A_146 : memref<1x128x128xf32, #tpu.memory_space<vmem>> -> memref<128x128xf32, #tpu.memory_space<vmem>>
      %dma_start3A_148 = arith.constant 0 : i32
      %dma_start3A_149 = tpu.memref_slice %arg5[%sub3A_142, %dma_start3A, %dma_start3A_148] : memref<40x2x128xi32, #tpu.memory_space<vmem>> -> memref<1x1x128xi32, #tpu.memory_space<vmem>>
      %dma_start3A_150 = tpu.memref_squeeze %dma_start3A_149 : memref<1x1x128xi32, #tpu.memory_space<vmem>> -> memref<128xi32, #tpu.memory_space<vmem>>
      %dma_start3A_151 = arith.constant 0 : i32
      %dma_start3A_152 = arith.constant 0 : i32
      %dma_start3A_153 = tpu.memref_slice %arg2[%dma_start3A_151, %dma_start3A_152] : memref<10000x128xf32, #tpu.memory_space<hbm>> -> memref<10000x128xf32, #tpu.memory_space<hbm>>
      tpu.enqueue_indirect_dma source(%dma_start3A_153 : memref<10000x128xf32, #tpu.memory_space<hbm>>) target(%dma_start3A_147 : memref<128x128xf32, #tpu.memory_space<vmem>>) offsets(%dma_start3A_150 : memref<128xi32, #tpu.memory_space<vmem>>) semaphore(%arg9 : memref<!tpu.dma_semaphore, #tpu.memory_space<semaphore_mem>>)
      %dma_wait3A = arith.constant 0 : i32
      %dma_wait3A_154 = arith.constant 0 : i32
      %dma_wait3A_155 = arith.constant 0 : i32
      %dma_wait3A_156 = arith.constant 0 : i32
      %dma_wait3A_157 = tpu.memref_slice %arg6[%dma_wait3A_154, %dma_wait3A_155, %dma_wait3A_156] : memref<2x128x128xf32, #tpu.memory_space<vmem>> -> memref<1x128x128xf32, #tpu.memory_space<vmem>>
      %dma_wait3A_158 = tpu.memref_squeeze %dma_wait3A_157 : memref<1x128x128xf32, #tpu.memory_space<vmem>> -> memref<128x128xf32, #tpu.memory_space<vmem>>
      %dma_wait3A_159 = arith.constant 0 : i32
      %dma_wait3A_160 = tpu.memref_slice %arg5[%sub3A_142, %dma_wait3A, %dma_wait3A_159] : memref<40x2x128xi32, #tpu.memory_space<vmem>> -> memref<1x1x128xi32, #tpu.memory_space<vmem>>
      %dma_wait3A_161 = tpu.memref_squeeze %dma_wait3A_160 : memref<1x1x128xi32, #tpu.memory_space<vmem>> -> memref<128xi32, #tpu.memory_space<vmem>>
      %dma_wait3A_162 = arith.constant 0 : i32
      %dma_wait3A_163 = arith.constant 0 : i32
      %dma_wait3A_164 = tpu.memref_slice %arg2[%dma_wait3A_162, %dma_wait3A_163] : memref<10000x128xf32, #tpu.memory_space<hbm>> -> memref<10000x128xf32, #tpu.memory_space<hbm>>
      tpu.wait_indirect_dma semaphore(%arg9 : memref<!tpu.dma_semaphore, #tpu.memory_space<semaphore_mem>>) src(%dma_wait3A_164 : memref<10000x128xf32, #tpu.memory_space<hbm>>) dst(%dma_wait3A_158 : memref<128x128xf32, #tpu.memory_space<vmem>>)
      %run_scoped3A = arith.constant 0 : i32
      %run_scoped3A_165 = arith.constant 1 : i32
      "tpu.region"() ({
        %run_scoped3A_167 = tpu.sem_alloc : memref<!tpu.dma_semaphore, #tpu.memory_space<semaphore_mem>>
        %dma_start3A_168 = arith.constant 0 : i32
        %dma_start3A_169 = arith.constant 0 : i32
        %dma_start3A_170 = tpu.memref_slice %arg6[%run_scoped3A, %dma_start3A_168, %dma_start3A_169] : memref<2x128x128xf32, #tpu.memory_space<vmem>> -> memref<1x128x128xf32, #tpu.memory_space<vmem>>
        %dma_start3A_171 = tpu.memref_squeeze %dma_start3A_170 : memref<1x128x128xf32, #tpu.memory_space<vmem>> -> memref<128x128xf32, #tpu.memory_space<vmem>>
        %dma_start3A_172 = arith.constant 0 : i32
        %dma_start3A_173 = tpu.memref_slice %arg5[%sub3A_142, %run_scoped3A_165, %dma_start3A_172] : memref<40x2x128xi32, #tpu.memory_space<vmem>> -> memref<1x1x128xi32, #tpu.memory_space<vmem>>
        %dma_start3A_174 = tpu.memref_squeeze %dma_start3A_173 : memref<1x1x128xi32, #tpu.memory_space<vmem>> -> memref<128xi32, #tpu.memory_space<vmem>>
        %dma_start3A_175 = arith.constant 0 : i32
        %dma_start3A_176 = arith.constant 0 : i32
        %dma_start3A_177 = tpu.memref_slice %arg8[%dma_start3A_175, %dma_start3A_176] : memref<10240x128xf32, #tpu.memory_space<vmem_shared>> -> memref<10240x128xf32, #tpu.memory_space<vmem_shared>>
        tpu.enqueue_indirect_dma source(%dma_start3A_171 : memref<128x128xf32, #tpu.memory_space<vmem>>) target(%dma_start3A_177 : memref<10240x128xf32, #tpu.memory_space<vmem_shared>>) offsets(%dma_start3A_174 : memref<128xi32, #tpu.memory_space<vmem>>) semaphore(%run_scoped3A_167 : memref<!tpu.dma_semaphore, #tpu.memory_space<semaphore_mem>>) {add = true}
        %dma_wait3A_178 = arith.constant 0 : i32
        %dma_wait3A_179 = arith.constant 0 : i32
        %dma_wait3A_180 = tpu.memref_slice %arg6[%run_scoped3A, %dma_wait3A_178, %dma_wait3A_179] : memref<2x128x128xf32, #tpu.memory_space<vmem>> -> memref<1x128x128xf32, #tpu.memory_space<vmem>>
        %dma_wait3A_181 = tpu.memref_squeeze %dma_wait3A_180 : memref<1x128x128xf32, #tpu.memory_space<vmem>> -> memref<128x128xf32, #tpu.memory_space<vmem>>
        %dma_wait3A_182 = arith.constant 0 : i32
        %dma_wait3A_183 = tpu.memref_slice %arg5[%sub3A_142, %run_scoped3A_165, %dma_wait3A_182] : memref<40x2x128xi32, #tpu.memory_space<vmem>> -> memref<1x1x128xi32, #tpu.memory_space<vmem>>
        %dma_wait3A_184 = tpu.memref_squeeze %dma_wait3A_183 : memref<1x1x128xi32, #tpu.memory_space<vmem>> -> memref<128xi32, #tpu.memory_space<vmem>>
        %dma_wait3A_185 = arith.constant 0 : i32
        %dma_wait3A_186 = arith.constant 0 : i32
        %dma_wait3A_187 = tpu.memref_slice %arg8[%dma_wait3A_185, %dma_wait3A_186] : memref<10240x128xf32, #tpu.memory_space<vmem_shared>> -> memref<10240x128xf32, #tpu.memory_space<vmem_shared>>
        tpu.wait_indirect_dma semaphore(%run_scoped3A_167 : memref<!tpu.dma_semaphore, #tpu.memory_space<semaphore_mem>>) src(%dma_wait3A_181 : memref<128x128xf32, #tpu.memory_space<vmem>>) dst(%dma_wait3A_187 : memref<10240x128xf32, #tpu.memory_space<vmem_shared>>)
        tpu.yield
      }) : () -> ()
      %while3A_166 = arith.constant 0 : i32
      scf.yield %while3A_166 : i32
    }
    %while3A_110 = arith.constant 1 : i32
    %while3A_111 = scf.for %while3A_117 = %while3A_107 to %while3A_103 step %while3A_110 iter_args(%while3A_118 = %while3A_109) -> (i32)  : i32 {
      %add3A_119 = arith.constant 78 : i32
      %add3A_120 = arith.addi %add3A_4, %add3A_119 : i32
      %add3A_121 = arith.addi %add3A_120, %while3A_117 : i32
      %jit3A_122 = arith.constant 8 : i32
      %div3A = arith.divsi %add3A_121, %jit3A_122 : i32
      %sign3A = arith.constant 0 : i32
      %sign3A_123 = arith.cmpi sgt, %add3A_121, %sign3A : i32
      %sign3A_124 = arith.extui %sign3A_123 : i1 to i32
      %sign3A_125 = arith.constant 0 : i32
      %sign3A_126 = arith.cmpi slt, %add3A_121, %sign3A_125 : i32
      %sign3A_127 = arith.extui %sign3A_126 : i1 to i32
      %sign3A_128 = arith.subi %sign3A_124, %sign3A_127 : i32
      %sign3A_129 = arith.constant 0 : i32
      %sign3A_130 = arith.cmpi sgt, %jit3A_122, %sign3A_129 : i32
      %sign3A_131 = arith.extui %sign3A_130 : i1 to i32
      %sign3A_132 = arith.constant 0 : i32
      %sign3A_133 = arith.cmpi slt, %jit3A_122, %sign3A_132 : i32
      %sign3A_134 = arith.extui %sign3A_133 : i1 to i32
      %sign3A_135 = arith.subi %sign3A_131, %sign3A_134 : i32
      %ne3A = arith.cmpi ne, %sign3A_128, %sign3A_135 : i32
      %rem3A = arith.remsi %add3A_121, %jit3A_122 : i32
      %ne3A_136 = arith.constant 0 : i32
      %ne3A_137 = arith.cmpi ne, %rem3A, %ne3A_136 : i32
      %and3A = arith.andi %ne3A, %ne3A_137 : i1
      %sub3A = arith.constant 1 : i32
      %sub3A_138 = arith.subi %div3A, %sub3A : i32
      %select_n3A_139 = arith.select %and3A, %sub3A_138, %div3A : i32
      %mul3A_140 = arith.constant 8 : i32
      %mul3A_141 = arith.muli %select_n3A_139, %mul3A_140 : i32
      %sub3A_142 = arith.subi %add3A_121, %mul3A_141 : i32
      "tpu.region"() ({
        %run_scoped3A_167 = tpu.sem_alloc : memref<!tpu.dma_semaphore, #tpu.memory_space<semaphore_mem>>
        %dma_start3A_168 = arith.constant 0 : i32
        %dma_start3A_169 = arith.constant 0 : i32
        %dma_start3A_170 = arith.constant 0 : i32
        %dma_start3A_171 = tpu.memref_slice %arg5[%dma_start3A_168, %dma_start3A_169, %dma_start3A_170] : memref<40x2x128xi32, #tpu.memory_space<vmem>> -> memref<8x2x128xi32, #tpu.memory_space<vmem>>
        %dma_start3A_172 = arith.constant 0 : i32
        %dma_start3A_173 = arith.constant 0 : i32
        %dma_start3A_174 = tpu.memref_slice %arg3[%mul3A_141, %dma_start3A_172, %dma_start3A_173] : memref<2516x2x128xi32, #tpu.memory_space<hbm>> -> memref<8x2x128xi32, #tpu.memory_space<hbm>>
        %dma_start3A_175 = arith.constant 0 : i32
        %dma_start3A_176 = arith.constant 0 : i32
        %dma_start3A_177 = arith.constant 0 : i32
        %dma_start3A_178 = tpu.memref_slice %arg5[%dma_start3A_175, %dma_start3A_176, %dma_start3A_177] : memref<40x2x128xi32, #tpu.memory_space<vmem>> -> memref<8x2x128xi32, #tpu.memory_space<vmem>>
        %dma_start3A_179 = arith.constant 0 : i32
        %dma_start3A_180 = arith.constant 0 : i32
        %dma_start3A_181 = tpu.memref_slice %arg3[%mul3A_141, %dma_start3A_179, %dma_start3A_180] : memref<2516x2x128xi32, #tpu.memory_space<hbm>> -> memref<8x2x128xi32, #tpu.memory_space<hbm>>
        tpu.enqueue_dma source(%dma_start3A_181 : memref<8x2x128xi32, #tpu.memory_space<hbm>>) target(%dma_start3A_178 : memref<8x2x128xi32, #tpu.memory_space<vmem>>) target_semaphore(%run_scoped3A_167 : memref<!tpu.dma_semaphore, #tpu.memory_space<semaphore_mem>>)
        %dma_wait3A_182 = arith.constant 0 : i32
        %dma_wait3A_183 = arith.constant 0 : i32
        %dma_wait3A_184 = arith.constant 0 : i32
        %dma_wait3A_185 = tpu.memref_slice %arg5[%dma_wait3A_182, %dma_wait3A_183, %dma_wait3A_184] : memref<40x2x128xi32, #tpu.memory_space<vmem>> -> memref<8x2x128xi32, #tpu.memory_space<vmem>>
        %dma_wait3A_186 = arith.constant 0 : i32
        %dma_wait3A_187 = arith.constant 0 : i32
        %dma_wait3A_188 = tpu.memref_slice %arg3[%mul3A_141, %dma_wait3A_186, %dma_wait3A_187] : memref<2516x2x128xi32, #tpu.memory_space<hbm>> -> memref<8x2x128xi32, #tpu.memory_space<hbm>>
        %dma_wait3A_189 = arith.constant 0 : i32
        %dma_wait3A_190 = arith.constant 0 : i32
        %dma_wait3A_191 = arith.constant 0 : i32
        %dma_wait3A_192 = tpu.memref_slice %arg5[%dma_wait3A_189, %dma_wait3A_190, %dma_wait3A_191] : memref<40x2x128xi32, #tpu.memory_space<vmem>> -> memref<8x2x128xi32, #tpu.memory_space<vmem>>
        %dma_wait3A_193 = arith.constant 0 : i32
        %dma_wait3A_194 = arith.constant 0 : i32
        %dma_wait3A_195 = tpu.memref_slice %arg3[%mul3A_141, %dma_wait3A_193, %dma_wait3A_194] : memref<2516x2x128xi32, #tpu.memory_space<hbm>> -> memref<8x2x128xi32, #tpu.memory_space<hbm>>
        tpu.wait_dma2 semaphore(%run_scoped3A_167 : memref<!tpu.dma_semaphore, #tpu.memory_space<semaphore_mem>>) src(%dma_wait3A_195 : memref<8x2x128xi32, #tpu.memory_space<hbm>>) dst(%dma_wait3A_192 : memref<8x2x128xi32, #tpu.memory_space<vmem>>)
        tpu.yield
      }) : () -> ()
      %dma_start3A = arith.constant 0 : i32
      %dma_start3A_143 = arith.constant 0 : i32
      %dma_start3A_144 = arith.constant 0 : i32
      %dma_start3A_145 = arith.constant 0 : i32
      %dma_start3A_146 = tpu.memref_slice %arg6[%dma_start3A_143, %dma_start3A_144, %dma_start3A_145] : memref<2x128x128xf32, #tpu.memory_space<vmem>> -> memref<1x128x128xf32, #tpu.memory_space<vmem>>
      %dma_start3A_147 = tpu.memref_squeeze %dma_start3A_146 : memref<1x128x128xf32, #tpu.memory_space<vmem>> -> memref<128x128xf32, #tpu.memory_space<vmem>>
      %dma_start3A_148 = arith.constant 0 : i32
      %dma_start3A_149 = tpu.memref_slice %arg5[%sub3A_142, %dma_start3A, %dma_start3A_148] : memref<40x2x128xi32, #tpu.memory_space<vmem>> -> memref<1x1x128xi32, #tpu.memory_space<vmem>>
      %dma_start3A_150 = tpu.memref_squeeze %dma_start3A_149 : memref<1x1x128xi32, #tpu.memory_space<vmem>> -> memref<128xi32, #tpu.memory_space<vmem>>
      %dma_start3A_151 = arith.constant 0 : i32
      %dma_start3A_152 = arith.constant 0 : i32
      %dma_start3A_153 = tpu.memref_slice %arg2[%dma_start3A_151, %dma_start3A_152] : memref<10000x128xf32, #tpu.memory_space<hbm>> -> memref<10000x128xf32, #tpu.memory_space<hbm>>
      tpu.enqueue_indirect_dma source(%dma_start3A_153 : memref<10000x128xf32, #tpu.memory_space<hbm>>) target(%dma_start3A_147 : memref<128x128xf32, #tpu.memory_space<vmem>>) offsets(%dma_start3A_150 : memref<128xi32, #tpu.memory_space<vmem>>) semaphore(%arg9 : memref<!tpu.dma_semaphore, #tpu.memory_space<semaphore_mem>>)
      %dma_wait3A = arith.constant 0 : i32
      %dma_wait3A_154 = arith.constant 0 : i32
      %dma_wait3A_155 = arith.constant 0 : i32
      %dma_wait3A_156 = arith.constant 0 : i32
      %dma_wait3A_157 = tpu.memref_slice %arg6[%dma_wait3A_154, %dma_wait3A_155, %dma_wait3A_156] : memref<2x128x128xf32, #tpu.memory_space<vmem>> -> memref<1x128x128xf32, #tpu.memory_space<vmem>>
      %dma_wait3A_158 = tpu.memref_squeeze %dma_wait3A_157 : memref<1x128x128xf32, #tpu.memory_space<vmem>> -> memref<128x128xf32, #tpu.memory_space<vmem>>
      %dma_wait3A_159 = arith.constant 0 : i32
      %dma_wait3A_160 = tpu.memref_slice %arg5[%sub3A_142, %dma_wait3A, %dma_wait3A_159] : memref<40x2x128xi32, #tpu.memory_space<vmem>> -> memref<1x1x128xi32, #tpu.memory_space<vmem>>
      %dma_wait3A_161 = tpu.memref_squeeze %dma_wait3A_160 : memref<1x1x128xi32, #tpu.memory_space<vmem>> -> memref<128xi32, #tpu.memory_space<vmem>>
      %dma_wait3A_162 = arith.constant 0 : i32
      %dma_wait3A_163 = arith.constant 0 : i32
      %dma_wait3A_164 = tpu.memref_slice %arg2[%dma_wait3A_162, %dma_wait3A_163] : memref<10000x128xf32, #tpu.memory_space<hbm>> -> memref<10000x128xf32, #tpu.memory_space<hbm>>
      tpu.wait_indirect_dma semaphore(%arg9 : memref<!tpu.dma_semaphore, #tpu.memory_space<semaphore_mem>>) src(%dma_wait3A_164 : memref<10000x128xf32, #tpu.memory_space<hbm>>) dst(%dma_wait3A_158 : memref<128x128xf32, #tpu.memory_space<vmem>>)
      %run_scoped3A = arith.constant 0 : i32
      %run_scoped3A_165 = arith.constant 1 : i32
      "tpu.region"() ({
        %run_scoped3A_167 = tpu.sem_alloc : memref<!tpu.dma_semaphore, #tpu.memory_space<semaphore_mem>>
        %dma_start3A_168 = arith.constant 0 : i32
        %dma_start3A_169 = arith.constant 0 : i32
        %dma_start3A_170 = tpu.memref_slice %arg6[%run_scoped3A, %dma_start3A_168, %dma_start3A_169] : memref<2x128x128xf32, #tpu.memory_space<vmem>> -> memref<1x128x128xf32, #tpu.memory_space<vmem>>
        %dma_start3A_171 = tpu.memref_squeeze %dma_start3A_170 : memref<1x128x128xf32, #tpu.memory_space<vmem>> -> memref<128x128xf32, #tpu.memory_space<vmem>>
        %dma_start3A_172 = arith.constant 0 : i32
        %dma_start3A_173 = tpu.memref_slice %arg5[%sub3A_142, %run_scoped3A_165, %dma_start3A_172] : memref<40x2x128xi32, #tpu.memory_space<vmem>> -> memref<1x1x128xi32, #tpu.memory_space<vmem>>
        %dma_start3A_174 = tpu.memref_squeeze %dma_start3A_173 : memref<1x1x128xi32, #tpu.memory_space<vmem>> -> memref<128xi32, #tpu.memory_space<vmem>>
        %dma_start3A_175 = arith.constant 0 : i32
        %dma_start3A_176 = arith.constant 0 : i32
        %dma_start3A_177 = tpu.memref_slice %arg8[%dma_start3A_175, %dma_start3A_176] : memref<10240x128xf32, #tpu.memory_space<vmem_shared>> -> memref<10240x128xf32, #tpu.memory_space<vmem_shared>>
        tpu.enqueue_indirect_dma source(%dma_start3A_171 : memref<128x128xf32, #tpu.memory_space<vmem>>) target(%dma_start3A_177 : memref<10240x128xf32, #tpu.memory_space<vmem_shared>>) offsets(%dma_start3A_174 : memref<128xi32, #tpu.memory_space<vmem>>) semaphore(%run_scoped3A_167 : memref<!tpu.dma_semaphore, #tpu.memory_space<semaphore_mem>>) {add = true}
        %dma_wait3A_178 = arith.constant 0 : i32
        %dma_wait3A_179 = arith.constant 0 : i32
        %dma_wait3A_180 = tpu.memref_slice %arg6[%run_scoped3A, %dma_wait3A_178, %dma_wait3A_179] : memref<2x128x128xf32, #tpu.memory_space<vmem>> -> memref<1x128x128xf32, #tpu.memory_space<vmem>>
        %dma_wait3A_181 = tpu.memref_squeeze %dma_wait3A_180 : memref<1x128x128xf32, #tpu.memory_space<vmem>> -> memref<128x128xf32, #tpu.memory_space<vmem>>
        %dma_wait3A_182 = arith.constant 0 : i32
        %dma_wait3A_183 = tpu.memref_slice %arg5[%sub3A_142, %run_scoped3A_165, %dma_wait3A_182] : memref<40x2x128xi32, #tpu.memory_space<vmem>> -> memref<1x1x128xi32, #tpu.memory_space<vmem>>
        %dma_wait3A_184 = tpu.memref_squeeze %dma_wait3A_183 : memref<1x1x128xi32, #tpu.memory_space<vmem>> -> memref<128xi32, #tpu.memory_space<vmem>>
        %dma_wait3A_185 = arith.constant 0 : i32
        %dma_wait3A_186 = arith.constant 0 : i32
        %dma_wait3A_187 = tpu.memref_slice %arg8[%dma_wait3A_185, %dma_wait3A_186] : memref<10240x128xf32, #tpu.memory_space<vmem_shared>> -> memref<10240x128xf32, #tpu.memory_space<vmem_shared>>
        tpu.wait_indirect_dma semaphore(%run_scoped3A_167 : memref<!tpu.dma_semaphore, #tpu.memory_space<semaphore_mem>>) src(%dma_wait3A_181 : memref<128x128xf32, #tpu.memory_space<vmem>>) dst(%dma_wait3A_187 : memref<10240x128xf32, #tpu.memory_space<vmem_shared>>)
        tpu.yield
      }) : () -> ()
      %while3A_166 = arith.constant 0 : i32
      scf.yield %while3A_166 : i32
    }
    %barrier3A_112 = arith.constant 0 : index
    tpu.barrier barrier_id(%barrier3A_112)
    %mul3A_113 = arith.constant 640 : i32
    %mul3A_114 = arith.muli %arg1, %mul3A_113 : i32
    %mul3A_115 = arith.constant 640 : i32
    %mul3A_116 = arith.muli %arg1, %mul3A_115 : i32
    "tpu.region"() ({
      %run_scoped3A = tpu.sem_alloc : memref<!tpu.dma_semaphore, #tpu.memory_space<semaphore_mem>>
      %dma_start3A = arith.constant 0 : i32
      %dma_start3A_117 = tpu.memref_slice %arg4[%arg0, %mul3A_116, %dma_start3A] : memref<2x10240x128xf32, #tpu.memory_space<hbm>> -> memref<1x640x128xf32, #tpu.memory_space<hbm>>
      %dma_start3A_118 = tpu.memref_squeeze %dma_start3A_117 : memref<1x640x128xf32, #tpu.memory_space<hbm>> -> memref<640x128xf32, #tpu.memory_space<hbm>>
      %dma_start3A_119 = arith.constant 0 : i32
      %dma_start3A_120 = tpu.memref_slice %arg8[%mul3A_114, %dma_start3A_119] : memref<10240x128xf32, #tpu.memory_space<vmem_shared>> -> memref<640x128xf32, #tpu.memory_space<vmem_shared>>
      tpu.enqueue_dma source(%dma_start3A_120 : memref<640x128xf32, #tpu.memory_space<vmem_shared>>) target(%dma_start3A_118 : memref<640x128xf32, #tpu.memory_space<hbm>>) target_semaphore(%run_scoped3A : memref<!tpu.dma_semaphore, #tpu.memory_space<semaphore_mem>>)
      %dma_wait3A = arith.constant 0 : i32
      %dma_wait3A_121 = tpu.memref_slice %arg4[%arg0, %mul3A_116, %dma_wait3A] : memref<2x10240x128xf32, #tpu.memory_space<hbm>> -> memref<1x640x128xf32, #tpu.memory_space<hbm>>
      %dma_wait3A_122 = tpu.memref_squeeze %dma_wait3A_121 : memref<1x640x128xf32, #tpu.memory_space<hbm>> -> memref<640x128xf32, #tpu.memory_space<hbm>>
      %dma_wait3A_123 = arith.constant 0 : i32
      %dma_wait3A_124 = tpu.memref_slice %arg8[%mul3A_114, %dma_wait3A_123] : memref<10240x128xf32, #tpu.memory_space<vmem_shared>> -> memref<640x128xf32, #tpu.memory_space<vmem_shared>>
      tpu.wait_dma2 semaphore(%run_scoped3A : memref<!tpu.dma_semaphore, #tpu.memory_space<semaphore_mem>>) src(%dma_wait3A_124 : memref<640x128xf32, #tpu.memory_space<vmem_shared>>) dst(%dma_wait3A_122 : memref<640x128xf32, #tpu.memory_space<hbm>>)
      tpu.yield
    }) : () -> ()
    return
  }
}

module attributes {stable_mosaic.version = 14 : i64} {
  func.func @_dense2_body(%arg0: memref<2x10240x128xf32, #tpu.memory_space<vmem>>, %arg1: memref<128x128xf32, #tpu.memory_space<vmem>>, %arg2: memref<1x128xf32, #tpu.memory_space<vmem>>, %arg3: memref<10000x128xf32, #tpu.memory_space<vmem>>) attributes {dimension_semantics = [], scalar_prefetch = 0 : i64, scratch_operands = 0 : i64, tpu.core_type = #tpu.core_type<tc>} {
    %get3A = arith.constant 0 : index
    %get3A_0 = arith.constant 0 : index
    %get3A_1 = arith.constant 0 : index
    %get3A_2 = vector.load %arg0[%get3A, %get3A_0, %get3A_1] : memref<2x10240x128xf32, #tpu.memory_space<vmem>>, vector<1x10000x128xf32>
    %get3A_3 = vector.shape_cast %get3A_2 : vector<1x10000x128xf32> to vector<10000x128xf32>
    %get3A_4 = arith.constant 1 : index
    %get3A_5 = arith.constant 0 : index
    %get3A_6 = arith.constant 0 : index
    %get3A_7 = vector.load %arg0[%get3A_4, %get3A_5, %get3A_6] : memref<2x10240x128xf32, #tpu.memory_space<vmem>>, vector<1x10000x128xf32>
    %get3A_8 = vector.shape_cast %get3A_7 : vector<1x10000x128xf32> to vector<10000x128xf32>
    %add3A = arith.addf %get3A_3, %get3A_8 : vector<10000x128xf32>
    %get3A_9 = arith.constant 0 : index
    %get3A_10 = arith.constant 0 : index
    %get3A_11 = vector.load %arg1[%get3A_9, %get3A_10] : memref<128x128xf32, #tpu.memory_space<vmem>>, vector<128x128xf32>
    %dot_general3A = arith.constant dense<0.000000e+00> : vector<10000x128xf32>
    %dot_general3A_12 = tpu.matmul %add3A, %get3A_11, %dot_general3A {dimension_numbers = #tpu.dot_dimension_numbers<[1], [0], [0], [1], [0, 0, 1, 1], [], []>, transpose_lhs_hint = false} : vector<10000x128xf32>, vector<128x128xf32>, vector<10000x128xf32> -> vector<10000x128xf32>
    %get3A_13 = arith.constant 0 : index
    %get3A_14 = arith.constant 0 : index
    %get3A_15 = vector.load %arg2[%get3A_13, %get3A_14] : memref<1x128xf32, #tpu.memory_space<vmem>>, vector<1x128xf32>
    %add3A_16 = vector.broadcast %get3A_15 : vector<1x128xf32> to vector<10000x128xf32>
    %add3A_17 = arith.addf %dot_general3A_12, %add3A_16 : vector<10000x128xf32>
    %tanh3A = math.tanh %add3A_17 : vector<10000x128xf32>
    %swap3A = arith.constant 0 : index
    %swap3A_18 = arith.constant 0 : index
    %swap3A_19 = vector.load %arg3[%swap3A, %swap3A_18] : memref<10000x128xf32, #tpu.memory_space<vmem>>, vector<10000x128xf32>
    tpu.vector_store %arg3[%swap3A, %swap3A_18], %tanh3A {strides = array<i32>} : memref<10000x128xf32, #tpu.memory_space<vmem>>, vector<10000x128xf32>,
    return
  }
}

module attributes {stable_mosaic.version = 14 : i64} {
  func.func @_dense1_body(%arg0: memref<2x10240x128xf32, #tpu.memory_space<vmem>>, %arg1: memref<128x128xf32, #tpu.memory_space<vmem>>, %arg2: memref<1x128xf32, #tpu.memory_space<vmem>>, %arg3: memref<1x128xf32, #tpu.memory_space<vmem>>, %arg4: memref<1x128xf32, #tpu.memory_space<vmem>>, %arg5: memref<1x128xf32, #tpu.memory_space<vmem>>, %arg6: memref<10000x128xf32, #tpu.memory_space<vmem>>) attributes {dimension_semantics = [], scalar_prefetch = 0 : i64, scratch_operands = 0 : i64, tpu.core_type = #tpu.core_type<tc>} {
    %get3A = arith.constant 0 : index
    %get3A_0 = arith.constant 0 : index
    %get3A_1 = arith.constant 0 : index
    %get3A_2 = vector.load %arg0[%get3A, %get3A_0, %get3A_1] : memref<2x10240x128xf32, #tpu.memory_space<vmem>>, vector<1x10000x128xf32>
    %get3A_3 = vector.shape_cast %get3A_2 : vector<1x10000x128xf32> to vector<10000x128xf32>
    %get3A_4 = arith.constant 1 : index
    %get3A_5 = arith.constant 0 : index
    %get3A_6 = arith.constant 0 : index
    %get3A_7 = vector.load %arg0[%get3A_4, %get3A_5, %get3A_6] : memref<2x10240x128xf32, #tpu.memory_space<vmem>>, vector<1x10000x128xf32>
    %get3A_8 = vector.shape_cast %get3A_7 : vector<1x10000x128xf32> to vector<10000x128xf32>
    %add3A = arith.addf %get3A_3, %get3A_8 : vector<10000x128xf32>
    %get3A_9 = arith.constant 0 : index
    %get3A_10 = arith.constant 0 : index
    %get3A_11 = vector.load %arg1[%get3A_9, %get3A_10] : memref<128x128xf32, #tpu.memory_space<vmem>>, vector<128x128xf32>
    %dot_general3A = arith.constant dense<0.000000e+00> : vector<10000x128xf32>
    %dot_general3A_12 = tpu.matmul %add3A, %get3A_11, %dot_general3A {dimension_numbers = #tpu.dot_dimension_numbers<[1], [0], [0], [1], [0, 0, 1, 1], [], []>, transpose_lhs_hint = false} : vector<10000x128xf32>, vector<128x128xf32>, vector<10000x128xf32> -> vector<10000x128xf32>
    %get3A_13 = arith.constant 0 : index
    %get3A_14 = arith.constant 0 : index
    %get3A_15 = vector.load %arg2[%get3A_13, %get3A_14] : memref<1x128xf32, #tpu.memory_space<vmem>>, vector<1x128xf32>
    %add3A_16 = vector.broadcast %get3A_15 : vector<1x128xf32> to vector<10000x128xf32>
    %add3A_17 = arith.addf %dot_general3A_12, %add3A_16 : vector<10000x128xf32>
    %reduce_sum3A = arith.constant dense<0.000000e+00> : vector<128xf32>
    %reduce_sum3A_18 = vector.multi_reduction <add>, %add3A_17, %reduce_sum3A [0] : vector<10000x128xf32> to vector<128xf32>
    %broadcast_in_dim3A = vector.shape_cast %reduce_sum3A_18 : vector<128xf32> to vector<1x128xf32>
    %div3A = arith.constant 1.000000e+04 : f32
    %div3A_19 = vector.broadcast %div3A : f32 to vector<1x128xf32>
    %div3A_20 = arith.divf %broadcast_in_dim3A, %div3A_19 : vector<1x128xf32>
    %get3A_21 = arith.constant 0 : index
    %get3A_22 = arith.constant 0 : index
    %get3A_23 = vector.load %arg5[%get3A_21, %get3A_22] : memref<1x128xf32, #tpu.memory_space<vmem>>, vector<1x128xf32>
    %mul3A = arith.mulf %div3A_20, %get3A_23 : vector<1x128xf32>
    %sub3A = vector.broadcast %mul3A : vector<1x128xf32> to vector<10000x128xf32>
    %sub3A_24 = arith.subf %add3A_17, %sub3A : vector<10000x128xf32>
    %mul3A_25 = arith.mulf %sub3A_24, %sub3A_24 : vector<10000x128xf32>
    %reduce_sum3A_26 = arith.constant dense<0.000000e+00> : vector<128xf32>
    %reduce_sum3A_27 = vector.multi_reduction <add>, %mul3A_25, %reduce_sum3A_26 [0] : vector<10000x128xf32> to vector<128xf32>
    %broadcast_in_dim3A_28 = vector.shape_cast %reduce_sum3A_27 : vector<128xf32> to vector<1x128xf32>
    %div3A_29 = arith.constant 1.000000e+04 : f32
    %div3A_30 = vector.broadcast %div3A_29 : f32 to vector<1x128xf32>
    %div3A_31 = arith.divf %broadcast_in_dim3A_28, %div3A_30 : vector<1x128xf32>
    %get3A_32 = arith.constant 0 : index
    %get3A_33 = arith.constant 0 : index
    %get3A_34 = vector.load %arg3[%get3A_32, %get3A_33] : memref<1x128xf32, #tpu.memory_space<vmem>>, vector<1x128xf32>
    %mul3A_35 = vector.broadcast %get3A_34 : vector<1x128xf32> to vector<10000x128xf32>
    %mul3A_36 = arith.mulf %mul3A_35, %sub3A_24 : vector<10000x128xf32>
    %add3A_37 = arith.constant 9.99999974E-6 : f32
    %add3A_38 = vector.broadcast %add3A_37 : f32 to vector<1x128xf32>
    %add3A_39 = arith.addf %div3A_31, %add3A_38 : vector<1x128xf32>
    %rsqrt3A = math.rsqrt %add3A_39 : vector<1x128xf32>
    %mul3A_40 = vector.broadcast %rsqrt3A : vector<1x128xf32> to vector<10000x128xf32>
    %mul3A_41 = arith.mulf %mul3A_36, %mul3A_40 : vector<10000x128xf32>
    %get3A_42 = arith.constant 0 : index
    %get3A_43 = arith.constant 0 : index
    %get3A_44 = vector.load %arg4[%get3A_42, %get3A_43] : memref<1x128xf32, #tpu.memory_space<vmem>>, vector<1x128xf32>
    %add3A_45 = vector.broadcast %get3A_44 : vector<1x128xf32> to vector<10000x128xf32>
    %add3A_46 = arith.addf %mul3A_41, %add3A_45 : vector<10000x128xf32>
    %tanh3A = math.tanh %add3A_46 : vector<10000x128xf32>
    %swap3A = arith.constant 0 : index
    %swap3A_47 = arith.constant 0 : index
    %swap3A_48 = vector.load %arg6[%swap3A, %swap3A_47] : memref<10000x128xf32, #tpu.memory_space<vmem>>, vector<10000x128xf32>
    tpu.vector_store %arg6[%swap3A, %swap3A_47], %tanh3A {strides = array<i32>} : memref<10000x128xf32, #tpu.memory_space<vmem>>, vector<10000x128xf32>,
    return
  }
}

</mosaic_0001>

<sc_bundles>
// kernel: kernel.6.cloned.1.call-start
scs
__scs_entry_jumppad:
0x0: {  	(pc) =	sbr.rel $0x88, $3  }
0x1: {  	(tag) =	ssettag $0x0;
	lr =	simm.s32 $0x1  }
0x2: {  	[smem:$0x3F98] =	sst lr;
	_ =	strace $0xD0000000  }
0x3: {  	_ = 	snop  }
0x4: {  	_ = 	snop  }
0x5: {  	_ = 	snop  }
0x6: {  	_ = 	snop  }
0x7: {  	_ = 	snop  }
__scs_overlays_trampoline_lowered:
0x8: {  	[smem:$0x3FA7] =	sst s0  }
0x9: {  	[smem:$0x3FA8] =	sst s1  }
0xa: {  	[smem:$0x3FA9] =	sst s2  }
0xb: {  	[smem:$0x3FAA] =	sst s3  }
0xc: {  	[smem:$0x3FAB] =	sst s4  }
0xd: {  	[smem:$0x3FAC] =	sst s5  }
0xe: {  	[smem:$0x3FAD] =	sst s6  }
0xf: {  	[smem:$0x3FAE] =	sst s7  }
0x10: {  	[smem:$0x3FAF] =	sst s8  }
0x11: {  	[smem:$0x3FB0] =	sst s9;
	s0 =	simm.s32 @!p0 $0x0  }
0x12: {  	s1 =	sld [smem:$0x3F96];
	s0 =	simm.s32 @p0 $0x1  }
0x13: {  	[smem:$0x3FB1] =	sst s0;
	s0 =	simm.s32 @!p1 $0x0  }
0x14: {  	s2 =	sld [smem:$0x3F95];
	s0 =	simm.s32 @p1 $0x1  }
0x15: {  	[smem:$0x3FB2] =	sst s0;
	s0 =	simm.s32 @!p2 $0x0  }
0x16: {  	s3 =	sld [smem:$0x3FDB];
	s0 =	simm.s32 @p2 $0x1  }
0x17: {  	s4 =	simm.s32 $0x1BF5;
	[smem:$0x3FB4] =	sst s0  }
0x18: {  	s0 =	sld [smem:$0x3F97];
	_ =	swait.ge [sflag:s4], $0x0  }
0x19: {  	s7 =	sld [smem:$0x3F98]  }
0x1a: {  	s8 =	sadd.s32 $0xFFFFE003, lr  }
0x1b: {  	s9 =	sadd.s32 $0xFFFFFEF7, lr;
	s5 =	simm.s32 $0xFFFFFFFF;
	p2 =	slt.u32 s8, $0xFFFFF086  }
0x1c: {  	p1 =	slt.u32 s9, $0xF7A;
	s5 =	simm.s32 @!p2 $0x0  }
0x1d: {  	s5 =	simm.s32 @p1 $0x1;
	p0 =	seq.s32 s7, s2  }
0x1e: {  	s7 =	smul.u32 @!p0 $0xF7A, s2;
	p2 =	seq.s32 @!p0 s5, $0x0  }
0x1f: {  	s9 =	smul.u32 $0xF7A, s1;
	s8 =	simm.s32 @!p0 $0x1BF5;
	p2 =	por !p2, p0  }
0x20: {  	[sflag:s8] =	ssyncset.s32 @!p0 $0xFFFFF086;
	s6 =	sadd.s32 @!p0 s3, s7;
	s7 =	simm.s32 @!p0 $0x108  }
0x21: {  	s3 =	sadd.s32 s3, s9;
	s6 =	sadd.s32 @!p0 $0x88, s6;
	s7 =	simm.s32 @p2 $0x1082  }
0x22: {  	[simem:s7], [sflag:s8] =	dma.local @!p0 [hbm:s6], $0xF7A  }
0x23: {  	s9 =	sor.u32 $0xD0000000, s2;
	s6 =	simm.s32 $0x108;
	_ =	swait.ge @!p0 [sflag:s8], $0x0  }
0x24: {  	s3 =	sadd.s32 $0x88, s3;
	s6 =	simm.s32 @!p1 $0x1082;
	[sflag:s4] =	ssyncset.s32 $0xFFFFF086  }
0x25: {  	[simem:s6], [sflag:s4] =	dma.local [hbm:s3], $0xF7A  }
0x26: {  	[smem:$0x3F98] =	sst s1;
	(tag) =	ssettag s2;
	_ =	strace s9  }
0x27: {  	s1 =	sld [smem:$0x3FA8]  }
0x28: {  	s2 =	sld [smem:$0x3FA9]  }
0x29: {  	s4 =	sld [smem:$0x3FAB]  }
0x2a: {  	p0 =	seq.s32 s5, $0x0;
	s5 =	sld [smem:$0x3FAC]  }
0x2b: {  	s6 =	sld [smem:$0x3FAD]  }
0x2c: {  	s7 =	sld [smem:$0x3FAE]  }
0x2d: {  	s3 =	simm.s32 $0x108;
	s8 =	sld [smem:$0x3FAF]  }
0x2e: {  	s3 =	simm.s32 @!p0 $0x1082;
	s9 =	sld [smem:$0x3FB0]  }
0x2f: {  	lr =	sadd.s32 s0, s3;
	s0 =	sld [smem:$0x3FA7]  }
0x30: {  	s3 =	sld [smem:$0x3FAA]  }
0x31: {  	[smem:$0x3FB3] =	sst s10  }
0x32: {  	s10 =	sld [smem:$0x3FB1];
	_ =	sdelay $0x3  }
0x33: {  	p0 =	seq.s32 s10, $0x1;
	s10 =	sld [smem:$0x3FB3];
	_ =	sdelay $0x3  }
0x34: {  	[smem:$0x3FB3] =	sst s10  }
0x35: {  	s10 =	sld [smem:$0x3FB2];
	_ =	sdelay $0x3  }
0x36: {  	p1 =	seq.s32 s10, $0x1;
	s10 =	sld [smem:$0x3FB3];
	_ =	sdelay $0x3  }
0x37: {  	[smem:$0x3FB3] =	sst s10  }
0x38: {  	s10 =	sld [smem:$0x3FB4]  }
0x39: {  	_ = 	snop;
	(pc) =	sbr.ind lr, $3  }
0x3a: {  	_ = 	snop  }
0x3b: {  	_ = 	snop  }
0x3c: {  	p2 =	seq.s32 s10, $0x1;
	s10 =	sld [smem:$0x3FB3]  }
0x3d: {  	_ =	shalt  }
0x3e: {  	_ =	shalt  }
0x3f: {  	_ =	shalt  }
0x40: {  	_ =	shalt  }
0x41: {  	_ =	shalt  }
0x42: {  	_ =	shalt  }
0x43: {  	_ =	shalt  }
0x44: {  	_ =	shalt  }
0x45: {  	_ =	shalt  }
0x46: {  	_ =	shalt  }
0x47: {  	_ =	shalt  }
0x48: {  	_ =	shalt  }
0x49: {  	_ =	shalt  }
0x4a: {  	_ =	shalt  }
0x4b: {  	_ =	shalt  }
0x4c: {  	_ =	shalt  }
0x4d: {  	_ =	shalt  }
0x4e: {  	_ =	shalt  }
0x4f: {  	_ =	shalt  }
0x50: {  	_ =	shalt  }
0x51: {  	_ =	shalt  }
0x52: {  	_ =	shalt  }
0x53: {  	_ =	shalt  }
0x54: {  	_ =	shalt  }
0x55: {  	_ =	shalt  }
0x56: {  	_ =	shalt  }
0x57: {  	_ =	shalt  }
0x58: {  	_ =	shalt  }
0x59: {  	_ =	shalt  }
0x5a: {  	_ =	shalt  }
0x5b: {  	_ =	shalt  }
0x5c: {  	_ =	shalt  }
0x5d: {  	_ =	shalt  }
0x5e: {  	_ =	shalt  }
0x5f: {  	_ =	shalt  }
0x60: {  	_ =	shalt  }
0x61: {  	_ =	shalt  }
0x62: {  	_ =	shalt  }
0x63: {  	_ =	shalt  }
0x64: {  	_ =	shalt  }
0x65: {  	_ =	shalt  }
0x66: {  	_ =	shalt  }
0x67: {  	_ =	shalt  }
0x68: {  	_ =	shalt  }
0x69: {  	_ =	shalt  }
0x6a: {  	_ =	shalt  }
0x6b: {  	_ =	shalt  }
0x6c: {  	_ =	shalt  }
0x6d: {  	_ =	shalt  }
0x6e: {  	_ =	shalt  }
0x6f: {  	_ =	shalt  }
0x70: {  	_ =	shalt  }
0x71: {  	_ =	shalt  }
0x72: {  	_ =	shalt  }
0x73: {  	_ =	shalt  }
0x74: {  	_ =	shalt  }
0x75: {  	_ =	shalt  }
0x76: {  	_ =	shalt  }
0x77: {  	_ =	shalt  }
0x78: {  	_ =	shalt  }
0x79: {  	_ =	shalt  }
0x7a: {  	_ =	shalt  }
0x7b: {  	_ =	shalt  }
0x7c: {  	_ =	shalt  }
0x7d: {  	_ =	shalt  }
0x7e: {  	_ =	shalt  }
0x7f: {  	_ =	shalt  }
0x80: {  	_ =	shalt  }
0x81: {  	_ =	shalt  }
0x82: {  	_ =	shalt  }
0x83: {  	_ =	shalt  }
0x84: {  	_ =	shalt  }
0x85: {  	_ =	shalt  }
0x86: {  	_ =	shalt  }
0x87: {  	_ =	shalt  }
.Lfunc_end0:
.L_simem_size_0:
called_computation_lowered:
.L_overlay_start_0:
0x88: {  	s2 =	sld [smem:$0x3FD9]  }
0x89: {  	s3 =	sld [smem:$0x3FFE];
	_ =	sdelay $0x1  }
0x8a: {  	s1 =	srdreg.scid  }
0x8b: {  	s0 =	sand.u32 $0x1, s1  }
0x8c: {  	s17 =	sshll.u32 s0, $0xA;
	s2 =	sadd.s32 s3, s2  }
0x8d: {  	s2 =	sadd.s32 s2, s17  }
0x8e: {  	[smem:$0x3FBF] =	sst s2  }
0x8f: {  	_ = 	snop  }
0x90: {  	s2 =	sld [smem:$0x3FC9];
	(tm) =	ssettm $0x1  }
0x91: {  	s18 =	sld [smem:$0x3FFB];
	_ =	sdelay $0x3  }
0x92: {  	_ =	strace s18  }
0x93: {  	s3 =	sld [smem:$0x3FFC];
	_ =	sdelay $0x3  }
0x94: {  	_ =	strace s3  }
0x95: {  	s3 =	sld [smem:$0x3FFD];
	_ =	sdelay $0x3  }
0x96: {  	_ =	strace s3  }
0x97: {  	_ =	strace $0x8FFFFFFF  }
0x98: {  	s19 =	sld [smem:$0x3FDB];
	_ =	sdelay $0x1  }
0x99: {  	s4 =	simm.s32 $_scs_section_size  }
0x9a: {  	s5 =	simm.s32 $_size__tile_overlayer_lowered;
	s6 =	simm.s32 $_tile_overlayer_lowered  }
0x9b: {  	s22 =	simm.s32 $0x1BFF;
	s21 =	sshll.u32 s6, $0x1;
	s3 =	sadd.s32 s4, s19  }
0x9c: {  	s7 =	simm.s32 $0x0;
	s20 =	sshll.u32 s5, $0x1;
	s5 =	sadd.s32 s21, s3  }
0x9d: {  	[timem:s7], [sflag:s22] =	dma.local [hbm:s5], s20  }
0x9e: {  	_ =	swait.ge [sflag:s22], s20  }
0x9f: {  	s4 =	ssub.s32 $0x0, s20;
	[sflag:s22] =	ssyncset.done $0x0  }
0xa0: {  	[sflag:s22] =	ssyncadd.s32 s4;
	_ =	sdelay $0x1  }
0xa1: {  	s23 =	simm.s32 $0x1B8B  }
0xa2: {  	_ =	swait.ge [sflag:s23], $0x1  }
0xa3: {  	[sflag:s23] =	ssyncset.done $0x0  }
0xa4: {  	s25 =	simm.s32 $0x1B8E;
	s24 =	sld [smem:$0x3FFE];
	[sflag:s23] =	ssyncadd.s32 $0xFFFFFFFF  }
0xa5: {  	s26 =	simm.s32 $execute0_lowered;
	[smem:$0x3FD2] =	sst s25  }
0xa6: {  	s5 =	sshll.u32 s26, $0x1;
	_ =	strace $0x80000046;
	[dreg:$0x1] =	wrdreg $0xFFFFFFFF  }
0xa7: {  	s28 =	simm.s32 $_size_execute0_lowered;
	s3 =	sadd.s32 s3, s5;
	[dreg:$0x0] =	wrdreg $0x0  }
0xa8: {  	s5 =	sshll.u32 s28, $0x1;
	[dreg:$0x2] =	wrdreg s3  }
0xa9: {  	[dreg:$0x3] =	wrdreg s5  }
0xaa: {  	[dreg:$0x4] =	wrdreg $0xC0  }
0xab: {  	_ =	task [dreg:s7], $0x5FFFF  }
0xac: {  	[dreg:$0x1] =	wrdreg $0xFFFFFFFF  }
0xad: {  	[dreg:$0x0] =	wrdreg $0x60  }
0xae: {  	[dreg:$0x2] =	wrdreg s2  }
0xaf: {  	[dreg:$0x3] =	wrdreg s24  }
0xb0: {  	[dreg:$0x4] =	wrdreg $0xB8000  }
0xb1: {  	[dreg:$0x5] =	wrdreg $0x9  }
0xb2: {  	_ =	task.clear_ibuf [dreg:s7], $0x6FFFF;
	_ =	strace $0x90000046  }
0xb3: {  	s29 =	simm.s32 $0x9;
	_ =	strace $0x80000048  }
0xb4: {  	_ =	swait.ge [sflag:s29], $0x1  }
0xb5: {  	[sflag:s29] =	ssyncadd.s32 $0xFFFFFFFF  }
0xb6: {  	_ =	strace $0x90000048  }
0xb7: {  	_ =	sfence  }
0xb8: {  	s30 =	sld [smem:$0x0];
	_ =	sdelay $0x2  }
0xb9: {  	s31 =	sshll.u32 s1, $0xD;
	s1 =	sshrl.u32 s1, $0x2  }
0xba: {  	s3 =	sand.u32 $0x4000, s31;
	s1 =	sadd.s32 s1, s30  }
0xbb: {  	s0 =	sor.u32 s3, s0;
	s1 =	sshll.u32 s1, $0x11  }
0xbc: {  	s0 =	sor.u32 s1, s0  }
0xbd: {  	s0 =	sadd.s32 $0x8F2B, s0  }
0xbe: {  	[sflag:s0] =	ssyncadd.remote.s32 $0x1  }
0xbf: {  	_ =	sfence.sel $0xFFFF  }
0xc0: {  	[dreg:$0x0] =	wrdreg $0xFFFFFFFF;
	(pc) =	sbr.abs _section_cstart, $3  }
0xc1: {  	[dreg:$0x1] =	wrdreg $0xFFFFFFFF  }
0xc2: {  	_ =	task.clear_ibuf [dreg:s7], $0x2FFFF;
	_ =	strace $0x9FFFFFFF  }
0xc3: {  	(tm) =	ssettm $0x7FFFFFFF  }
tec
execute0_lowered:
.L_overlay_start_1:
0x0: {  	(tag) =	ssettag $0x1  }
0x1: {  	s1 =	rddreg [dreg:$0x0]  }
0x2: {  	s0 =	rddreg [dreg:$0x1]  }
0x3: {  	s2 =	rddreg [dreg:$0x2]  }
0x4: {  	s3 =	srdreg.scid;
	s11 =	stileid.u32  }
0x5: {  	s4 =	simm.s32 $0x0;
	s3 =	sand.u32 $0x1, s3;
	s7 =	smul.u32 $0x14000, s11  }
0x6: {  	[smem:$0x7FF] =	sst s4;
	s5 =	sadd.s32 $0x1C00, s0;
	s23 =	smul.u32 $0x50000, s11  }
0x7: {  	s6 =	smul.u32 $0x140000, s3;
	s22 =	sshll.u32 s3, $0x4;
	s3 =	ssub.s32 $0x2, s3  }
0x8: {  	_ =	strace $0x80000047;
	s8 =	sor.u32 s11, s22;
	s9 =	sshrl.u32 s3, $0x1  }
0x9: {  	s11 =	sshll.u32 s11, $0x1;
	s6 =	sadd.s32 s7, s6;
	s7 =	sshrl.u32 s23, $0x2  }
0xa: {  	s24 =	smul.u32 $0x4E, s8;
	s10 =	smin.u32 s8, $0x4;
	s7 =	sadd.s32 s7, s2  }
0xb: {  	s3 =	ssub.s32 s3, s9;
	p0 =	sgt.u32 s8, $0x3;
	s25 =	sadd.s32 $0x1000, s7  }
0xc: {  	s8 =	simm.s32 $0xA800;
	s26 =	sadd.s32 $0x2000, s7;
	[dreg:$0x4] =	wrdreg s25  }
0xd: {  	s9 =	simm.s32 $0x3;
	s12 =	sadd.s32 $0x3000, s7;
	[dreg:$0x5] =	wrdreg s26  }
0xe: {  	s6 =	sshrl.u32 s6, $0x3;
	s13 =	sadd.s32 $0x4000, s7;
	[dreg:$0x6] =	wrdreg s12  }
0xf: {  	s0 =	sadd.s32 s6, s0;
	s14 =	sadd.s32 $0x5000, s7;
	[dreg:$0x7] =	wrdreg s13  }
0x10: {  	s6 =	sadd.s32 s10, s24;
	s15 =	sadd.s32 $0x6000, s7;
	[dreg:$0x8] =	wrdreg s14  }
0x11: {  	s16 =	sadd.s32 $0x7000, s7;
	s17 =	sadd.s32 $0x8000, s7;
	[dreg:$0x9] =	wrdreg s15  }
0x12: {  	s18 =	sadd.s32 $0x9000, s7;
	s19 =	sadd.s32 $0xA000, s7;
	[dreg:$0xa] =	wrdreg s16  }
0x13: {  	s10 =	ssub.s32 s10, s11;
	s22 =	sadd.s32 $0xC000, s7;
	[dreg:$0xb] =	wrdreg s17  }
0x14: {  	s24 =	sadd.s32 $0xD000, s7;
	s28 =	sadd.s32 $0xF000, s7;
	[dreg:$0xc] =	wrdreg s18  }
0x15: {  	s29 =	sadd.s32 $0x10000, s7;
	s30 =	sadd.s32 $0x11000, s7;
	[dreg:$0xd] =	wrdreg s19  }
0x16: {  	s31 =	sadd.s32 $0x12000, s7;
	s11 =	simm.s32 $0x2800;
	[dreg:$0xf] =	wrdreg s10  }
0x17: {  	s20 =	sadd.s32 $0x4E, s6;
	s12 =	sadd.s32 $0xB000, s7;
	[dreg:$0x10] =	wrdreg s22  }
0x18: {  	[dreg:$0x11] =	wrdreg s24;
	s24 =	sadd.s32 $0x15800, s0;
	s0 =	sadd.s32 $0x13000, s7  }
0x19: {  	s10 =	simm.s32 $0x80;
	s13 =	simm.s32 $0x1;
	s14 =	simm.s32 $0x2  }
0x1a: {  	s15 =	simm.s32 $0x0;
	[dreg:$0xe] =	wrdreg s12;
	s21 =	sshll.u32 s20, $0x5  }
0x1b: {  	s26 =	sshll.u32 s20, $0x8;
	s12 =	simm.s32 $0x6800;
	s23 =	sand.u32 $0x1FFFFF00, s21  }
0x1c: {  	s25 =	sadd.s32 s5, s23;
	s23 =	sand.u32 $0x700, s26;
	s26 =	sadd.s32 $0xE000, s7  }
0x1d: {  	v0 =	vimm.f32 $0.0e+00;
	[dreg:$0x12] =	wrdreg s25;
	s25 =	smax.u32 s3, $0x1;
	s3 =	sor.u32 $0x80, s23  }
.LBB2_1:
0x1e: {  	s16 =	simm.s32 $0x0;
	s17 =	simm.s32 $0x200  }
.LBB2_2:
0x1f: {  	p1 =	sne.s32 s17, $0x3E00;
	[tilespmem:s16+$0xA870] =	vst v0  }
0x20: {  	[tilespmem:s16+$0xA800] =	vst v0  }
0x21: {  	[tilespmem:s16+$0xA810] =	vst v0  }
.Ltmp0:
0x22: {  	[tilespmem:s16+$0xA820] =	vst v0;
	(pc) =	sbr.rel @p1 .LBB2_2-.Ltmp0, $4  }
0x23: {  	[tilespmem:s16+$0xA830] =	vst v0  }
0x24: {  	[tilespmem:s16+$0xA840] =	vst v0  }
0x25: {  	[tilespmem:s16+$0xA850] =	vst v0  }
0x26: {  	[tilespmem:s16+$0xA860] =	vst v0;
	s16 =	sshra.s32 s17, $0x2;
	s17 =	sadd.s32 $0x200, s17  }
0x27: {  	[tilespmem:s16+$0xA870] =	vst v0  }
0x28: {  	[tilespmem:s16+$0xA800] =	vst v0  }
0x29: {  	[tilespmem:s16+$0xA810] =	vst v0  }
0x2a: {  	[tilespmem:s16+$0xA820] =	vst v0  }
0x2b: {  	[tilespmem:s16+$0xA830] =	vst v0  }
0x2c: {  	[tilespmem:s16+$0xA840] =	vst v0  }
0x2d: {  	[tilespmem:s16+$0xA850] =	vst v0  }
0x2e: {  	[tilespmem:s16+$0xA860] =	vst v0  }
0x2f: {  	[spmem:s7] =	stream.linear.scatter [tilespmem:s8], [sflag:$0x3], $0x1000, $0x38;
	[tilespmem:$0x1F800] =	vst v63  }
0x30: {  	_ =	swait.ge [sflag:s9], $0x1000  }
0x31: {  	[sflag:s9] =	ssyncset.done $0x0  }
0x32: {  	s22 =	rddreg [dreg:$0x4];
	[sflag:s9] =	ssyncadd.s32 $0xFFFFF000  }
0x33: {  	[spmem:s22] =	stream.linear.scatter [tilespmem:s8], [sflag:$0x3], $0x1000, $0x38;
	[tilespmem:$0x1F800] =	vst v63  }
0x34: {  	_ =	swait.ge [sflag:s9], $0x1000  }
0x35: {  	[sflag:s9] =	ssyncset.done $0x0  }
0x36: {  	s17 =	rddreg [dreg:$0x5];
	[sflag:s9] =	ssyncadd.s32 $0xFFFFF000  }
0x37: {  	[spmem:s17] =	stream.linear.scatter [tilespmem:s8], [sflag:$0x3], $0x1000, $0x38;
	[tilespmem:$0x1F800] =	vst v63  }
0x38: {  	_ =	swait.ge [sflag:s9], $0x1000  }
0x39: {  	[sflag:s9] =	ssyncset.done $0x0  }
0x3a: {  	s18 =	rddreg [dreg:$0x6];
	[sflag:s9] =	ssyncadd.s32 $0xFFFFF000  }
0x3b: {  	[spmem:s18] =	stream.linear.scatter [tilespmem:s8], [sflag:$0x3], $0x1000, $0x38;
	[tilespmem:$0x1F800] =	vst v63  }
0x3c: {  	_ =	swait.ge [sflag:s9], $0x1000  }
0x3d: {  	[sflag:s9] =	ssyncset.done $0x0  }
0x3e: {  	s19 =	rddreg [dreg:$0x7];
	[sflag:s9] =	ssyncadd.s32 $0xFFFFF000  }
0x3f: {  	[spmem:s19] =	stream.linear.scatter [tilespmem:s8], [sflag:$0x3], $0x1000, $0x38;
	[tilespmem:$0x1F800] =	vst v63  }
0x40: {  	_ =	swait.ge [sflag:s9], $0x1000  }
0x41: {  	[sflag:s9] =	ssyncset.done $0x0  }
0x42: {  	s20 =	rddreg [dreg:$0x8];
	[sflag:s9] =	ssyncadd.s32 $0xFFFFF000  }
0x43: {  	[spmem:s20] =	stream.linear.scatter [tilespmem:s8], [sflag:$0x3], $0x1000, $0x38;
	[tilespmem:$0x1F800] =	vst v63  }
0x44: {  	_ =	swait.ge [sflag:s9], $0x1000  }
0x45: {  	[sflag:s9] =	ssyncset.done $0x0  }
0x46: {  	s21 =	rddreg [dreg:$0x9];
	[sflag:s9] =	ssyncadd.s32 $0xFFFFF000  }
0x47: {  	[spmem:s21] =	stream.linear.scatter [tilespmem:s8], [sflag:$0x3], $0x1000, $0x38;
	[tilespmem:$0x1F800] =	vst v63  }
0x48: {  	_ =	swait.ge [sflag:s9], $0x1000  }
0x49: {  	[sflag:s9] =	ssyncset.done $0x0  }
0x4a: {  	s22 =	rddreg [dreg:$0xa];
	[sflag:s9] =	ssyncadd.s32 $0xFFFFF000  }
0x4b: {  	[spmem:s22] =	stream.linear.scatter [tilespmem:s8], [sflag:$0x3], $0x1000, $0x38;
	[tilespmem:$0x1F800] =	vst v63  }
0x4c: {  	_ =	swait.ge [sflag:s9], $0x1000  }
0x4d: {  	[sflag:s9] =	ssyncset.done $0x0  }
0x4e: {  	s17 =	rddreg [dreg:$0xb];
	[sflag:s9] =	ssyncadd.s32 $0xFFFFF000  }
0x4f: {  	[spmem:s17] =	stream.linear.scatter [tilespmem:s8], [sflag:$0x3], $0x1000, $0x38;
	[tilespmem:$0x1F800] =	vst v63  }
0x50: {  	_ =	swait.ge [sflag:s9], $0x1000  }
0x51: {  	[sflag:s9] =	ssyncset.done $0x0  }
0x52: {  	s18 =	rddreg [dreg:$0xc];
	[sflag:s9] =	ssyncadd.s32 $0xFFFFF000  }
0x53: {  	[spmem:s18] =	stream.linear.scatter [tilespmem:s8], [sflag:$0x3], $0x1000, $0x38;
	[tilespmem:$0x1F800] =	vst v63  }
0x54: {  	_ =	swait.ge [sflag:s9], $0x1000  }
0x55: {  	[sflag:s9] =	ssyncset.done $0x0  }
0x56: {  	s19 =	rddreg [dreg:$0xd];
	[sflag:s9] =	ssyncadd.s32 $0xFFFFF000  }
0x57: {  	[spmem:s19] =	stream.linear.scatter [tilespmem:s8], [sflag:$0x3], $0x1000, $0x38;
	[tilespmem:$0x1F800] =	vst v63  }
0x58: {  	_ =	swait.ge [sflag:s9], $0x1000  }
0x59: {  	[sflag:s9] =	ssyncset.done $0x0  }
0x5a: {  	s20 =	rddreg [dreg:$0xe];
	[sflag:s9] =	ssyncadd.s32 $0xFFFFF000  }
0x5b: {  	[spmem:s20] =	stream.linear.scatter [tilespmem:s8], [sflag:$0x3], $0x1000, $0x38;
	[tilespmem:$0x1F800] =	vst v63  }
0x5c: {  	_ =	swait.ge [sflag:s9], $0x1000  }
0x5d: {  	[sflag:s9] =	ssyncset.done $0x0  }
0x5e: {  	s21 =	rddreg [dreg:$0x10];
	[sflag:s9] =	ssyncadd.s32 $0xFFFFF000  }
0x5f: {  	[spmem:s21] =	stream.linear.scatter [tilespmem:s8], [sflag:$0x3], $0x1000, $0x38;
	[tilespmem:$0x1F800] =	vst v63  }
0x60: {  	_ =	swait.ge [sflag:s9], $0x1000  }
0x61: {  	[sflag:s9] =	ssyncset.done $0x0  }
0x62: {  	s22 =	rddreg [dreg:$0x11];
	[sflag:s9] =	ssyncadd.s32 $0xFFFFF000  }
0x63: {  	[spmem:s22] =	stream.linear.scatter [tilespmem:s8], [sflag:$0x3], $0x1000, $0x38;
	[tilespmem:$0x1F800] =	vst v63  }
0x64: {  	_ =	swait.ge [sflag:s9], $0x1000  }
0x65: {  	[sflag:s9] =	ssyncset.done $0x0  }
0x66: {  	[sflag:s9] =	ssyncadd.s32 $0xFFFFF000  }
0x67: {  	[spmem:s26] =	stream.linear.scatter [tilespmem:s8], [sflag:$0x3], $0x1000, $0x38;
	[tilespmem:$0x1F800] =	vst v63  }
0x68: {  	_ =	swait.ge [sflag:s9], $0x1000  }
0x69: {  	[sflag:s9] =	ssyncset.done $0x0  }
0x6a: {  	[sflag:s9] =	ssyncadd.s32 $0xFFFFF000  }
0x6b: {  	[spmem:s28] =	stream.linear.scatter [tilespmem:s8], [sflag:$0x3], $0x1000, $0x38;
	[tilespmem:$0x1F800] =	vst v63  }
0x6c: {  	_ =	swait.ge [sflag:s9], $0x1000  }
0x6d: {  	[sflag:s9] =	ssyncset.done $0x0  }
0x6e: {  	[sflag:s9] =	ssyncadd.s32 $0xFFFFF000  }
0x6f: {  	[spmem:s29] =	stream.linear.scatter [tilespmem:s8], [sflag:$0x3], $0x1000, $0x38;
	[tilespmem:$0x1F800] =	vst v63  }
0x70: {  	_ =	swait.ge [sflag:s9], $0x1000  }
0x71: {  	[sflag:s9] =	ssyncset.done $0x0  }
0x72: {  	[sflag:s9] =	ssyncadd.s32 $0xFFFFF000  }
0x73: {  	[spmem:s30] =	stream.linear.scatter [tilespmem:s8], [sflag:$0x3], $0x1000, $0x38;
	[tilespmem:$0x1F800] =	vst v63  }
0x74: {  	_ =	swait.ge [sflag:s9], $0x1000  }
0x75: {  	[sflag:s9] =	ssyncset.done $0x0  }
0x76: {  	[sflag:s9] =	ssyncadd.s32 $0xFFFFF000  }
0x77: {  	[spmem:s31] =	stream.linear.scatter [tilespmem:s8], [sflag:$0x3], $0x1000, $0x38;
	[tilespmem:$0x1F800] =	vst v63  }
0x78: {  	_ =	swait.ge [sflag:s9], $0x1000  }
0x79: {  	[sflag:s9] =	ssyncset.done $0x0  }
0x7a: {  	[sflag:s9] =	ssyncadd.s32 $0xFFFFF000  }
0x7b: {  	[spmem:s0] =	stream.linear.scatter [tilespmem:s8], [sflag:$0x3], $0x1000, $0x38;
	[tilespmem:$0x1F800] =	vst v63  }
0x7c: {  	_ =	swait.ge [sflag:s9], $0x1000  }
0x7d: {  	[sflag:s9] =	ssyncset.done $0x0  }
0x7e: {  	[sflag:s9] =	ssyncadd.s32 $0xFFFFF000  }
0x7f: {  	[bflag:$0x0] =	sbarrier.arrive $0xFFFF  }
0x80: {  	s16 =	simm.s32 $0x0;
	s19 =	rddreg [dreg:$0xf]  }
.LBB2_4:
0x81: {  	s17 =	smul.u32 $0x1A, s16;
	_ =	sdelay $0x1  }
0x82: {  	s17 =	sadd.s32 s6, s17  }
0x83: {  	s18 =	sshll.u32 s17, $0x5  }
0x84: {  	s18 =	sand.u32 $0x1FFFFF00, s18  }
0x85: {  	s18 =	sadd.s32 s5, s18  }
0x86: {  	[tilespmem:s4], [sflag:$0x3] =	stream.linear.gather [hbm4b:s18+s4], $0x2800, $0x38;
	[tilespmem:$0x1F800] =	vst v63  }
0x87: {  	_ =	swait.ge [sflag:s9], $0x2800  }
0x88: {  	s17 =	sshll.u32 s17, $0x8;
	[sflag:s9] =	ssyncset.done $0x0  }
0x89: {  	s18 =	sand.u32 $0x700, s17;
	[sflag:s9] =	ssyncadd.s32 $0xFFFFD800  }
0x8a: {  	[tilespmem:s11], [sflag:$0x1] =	stream.indirect.gather [hbm4b:s1+s10], $0x80, s18, s10, $0xb8;
	[tilespmem:$0x1F800] =	vst v63  }
0x8b: {  	s21 =	sand.u32 $0x7, s19;
	s20 =	sadd.s32 $0x100, s18  }
0x8c: {  	[tilespmem:s12], [sflag:$0x2] =	stream.indirect.gather [hbm4b:s1+s10], $0x80, s20, s10, $0xb8;
	[tilespmem:$0x1F800] =	vst v63  }
0x8d: {  	s20 =	sshll.u32 s21, $0x8;
	_ =	swait.ge [sflag:s13], $0x4000  }
0x8e: {  	s21 =	sadd.s32 $0xFFFFE800, s20;
	[sflag:s13] =	ssyncset.done $0x0  }
0x8f: {  	s22 =	sadd.s32 $0x1880, s21;
	[sflag:s13] =	ssyncadd.s32 $0xFFFFC000  }
0x90: {  	[spmem:s2] =	stream.indirect.scatter.add.f32 [tilespmem:s11], [sflag:$0x3], $0x80, s22, s10, $0xb8;
	[tilespmem:$0x1F800] =	vst v63  }
0x91: {  	_ =	swait.ge [sflag:s9], $0x4000  }
0x92: {  	[sflag:s9] =	ssyncset.done $0x0  }
0x93: {  	s22 =	sadd.s32 $0x1A00, s21;
	[sflag:s9] =	ssyncadd.s32 $0xFFFFC000  }
0x94: {  	[tilespmem:s11], [sflag:$0x1] =	stream.indirect.gather [hbm4b:s1+s10], $0x80, s22, s10, $0xb8;
	[tilespmem:$0x1F800] =	vst v63  }
0x95: {  	_ =	swait.ge [sflag:s14], $0x4000  }
0x96: {  	[sflag:s14] =	ssyncset.done $0x0  }
0x97: {  	s22 =	sadd.s32 $0x1980, s21;
	[sflag:s14] =	ssyncadd.s32 $0xFFFFC000  }
0x98: {  	[spmem:s2] =	stream.indirect.scatter.add.f32 [tilespmem:s12], [sflag:$0x3], $0x80, s22, s10, $0xb8;
	[tilespmem:$0x1F800] =	vst v63  }
0x99: {  	_ =	swait.ge [sflag:s9], $0x4000  }
0x9a: {  	[sflag:s9] =	ssyncset.done $0x0  }
0x9b: {  	s17 =	simm.s32 $0xFFFFA800;
	s21 =	sadd.s32 $0x1B00, s21;
	[sflag:s9] =	ssyncadd.s32 $0xFFFFC000  }
.LBB2_5:
0x9c: {  	[tilespmem:s12], [sflag:$0x2] =	stream.indirect.gather [hbm4b:s1+s10], $0x80, s21, s10, $0xb8;
	[tilespmem:$0x1F800] =	vst v63  }
0x9d: {  	s21 =	sshra.s32 s17, $0x2;
	p1 =	sne.s32 s17, $0xFFFFF800;
	_ =	swait.ge [sflag:s13], $0x4000  }
0x9e: {  	s17 =	sadd.s32 $0x800, s17;
	s21 =	sadd.s32 s21, s20;
	[sflag:s13] =	ssyncset.done $0x0  }
0x9f: {  	s22 =	sadd.s32 $0x1880, s21;
	[sflag:s13] =	ssyncadd.s32 $0xFFFFC000  }
0xa0: {  	[spmem:s2] =	stream.indirect.scatter.add.f32 [tilespmem:s11], [sflag:$0x3], $0x80, s22, s10, $0xb8;
	[tilespmem:$0x1F800] =	vst v63  }
0xa1: {  	_ =	swait.ge [sflag:s9], $0x4000  }
0xa2: {  	[sflag:s9] =	ssyncset.done $0x0  }
0xa3: {  	s22 =	sadd.s32 $0x1A00, s21;
	[sflag:s9] =	ssyncadd.s32 $0xFFFFC000  }
0xa4: {  	[tilespmem:s11], [sflag:$0x1] =	stream.indirect.gather [hbm4b:s1+s10], $0x80, s22, s10, $0xb8;
	[tilespmem:$0x1F800] =	vst v63  }
0xa5: {  	_ =	swait.ge [sflag:s14], $0x4000  }
0xa6: {  	[sflag:s14] =	ssyncset.done $0x0  }
.Ltmp1:
0xa7: {  	s22 =	sadd.s32 $0x1980, s21;
	[sflag:s14] =	ssyncadd.s32 $0xFFFFC000;
	(pc) =	sbr.rel @p1 .LBB2_5-.Ltmp1, $4  }
0xa8: {  	[spmem:s2] =	stream.indirect.scatter.add.f32 [tilespmem:s12], [sflag:$0x3], $0x80, s22, s10, $0xb8;
	[tilespmem:$0x1F800] =	vst v63  }
0xa9: {  	_ =	swait.ge [sflag:s9], $0x4000  }
0xaa: {  	[sflag:s9] =	ssyncset.done $0x0  }
0xab: {  	s21 =	sadd.s32 $0x1B00, s21;
	[sflag:s9] =	ssyncadd.s32 $0xFFFFC000  }
0xac: {  	[tilespmem:s12], [sflag:$0x2] =	stream.indirect.gather [hbm4b:s1+s10], $0x80, s21, s10, $0xb8;
	[tilespmem:$0x1F800] =	vst v63  }
0xad: {  	_ =	swait.ge [sflag:s13], $0x4000  }
0xae: {  	[sflag:s13] =	ssyncset.done $0x0  }
0xaf: {  	s17 =	sadd.s32 $0x1880, s18;
	[sflag:s13] =	ssyncadd.s32 $0xFFFFC000  }
0xb0: {  	[spmem:s2] =	stream.indirect.scatter.add.f32 [tilespmem:s11], [sflag:$0x3], $0x80, s17, s10, $0xb8;
	[tilespmem:$0x1F800] =	vst v63  }
0xb1: {  	_ =	swait.ge [sflag:s9], $0x4000  }
0xb2: {  	[sflag:s9] =	ssyncset.done $0x0  }
0xb3: {  	[sflag:s9] =	ssyncadd.s32 $0xFFFFC000  }
0xb4: {  	s16 =	sadd.s32 $0x1, s16;
	_ =	swait.ge [sflag:s14], $0x4000  }
0xb5: {  	p1 =	seq.s32 s16, $0x3;
	[sflag:s14] =	ssyncset.done $0x0  }
.Ltmp2:
0xb6: {  	s22 =	sadd.s32 $0x1980, s18;
	[sflag:s14] =	ssyncadd.s32 $0xFFFFC000;
	(pc) =	sbr.rel @!p1 .LBB2_4-.Ltmp2, $4  }
0xb7: {  	[spmem:s2] =	stream.indirect.scatter.add.f32 [tilespmem:s12], [sflag:$0x3], $0x80, s22, s10, $0xb8;
	[tilespmem:$0x1F800] =	vst v63  }
0xb8: {  	_ =	swait.ge [sflag:s9], $0x4000  }
0xb9: {  	[sflag:s9] =	ssyncset.done $0x0  }
0xba: {  	s19 =	sadd.s32 $0x2, s19;
	[sflag:s9] =	ssyncadd.s32 $0xFFFFC000  }
0xbb: {  	s16 =	simm.s32 @!p0 $0x0;
	s17 =	rddreg [dreg:$0x12]  }
0xbc: {  	[tilespmem:s16], [sflag:$0x3] =	stream.linear.gather @!p0 [hbm4b:s17+s16], $0x800, $0x38;
	[tilespmem:$0x1F800] =	vst v63  }
0xbd: {  	s16 =	simm.s32 @!p0 $0x3  }
0xbe: {  	_ =	swait.ge @!p0 [sflag:s16], $0x800  }
0xbf: {  	s18 =	simm.s32 @!p0 $0x2800;
	[sflag:s16] =	ssyncset.done @!p0 $0x0  }
0xc0: {  	s19 =	simm.s32 @!p0 $0x1;
	s17 =	simm.s32 @!p0 $0x80;
	[sflag:s16] =	ssyncadd.s32 @!p0 $0xFFFFF800  }
0xc1: {  	[tilespmem:s18], [sflag:$0x1] =	stream.indirect.gather @!p0 [hbm4b:s1+s17], $0x80, s23, s17, $0xb8;
	[tilespmem:$0x1F800] =	vst v63  }
0xc2: {  	_ =	swait.ge @!p0 [sflag:s19], $0x4000  }
0xc3: {  	[sflag:s19] =	ssyncset.done @!p0 $0x0  }
0xc4: {  	[sflag:s19] =	ssyncadd.s32 @!p0 $0xFFFFC000  }
0xc5: {  	[spmem:s2] =	stream.indirect.scatter.add.f32 @!p0 [tilespmem:s18], [sflag:$0x3], $0x80, s3, s17, $0xb8;
	[tilespmem:$0x1F800] =	vst v63  }
0xc6: {  	s21 =	stileid.u32;
	_ =	swait.ge @!p0 [sflag:s16], $0x4000  }
0xc7: {  	s22 =	sshrl.u32 s7, $0x3;
	s15 =	sadd.s32 $0x1, s15;
	[sflag:s16] =	ssyncset.done @!p0 $0x0  }
0xc8: {  	p1 =	sne.s32 s15, s25;
	[sflag:s16] =	ssyncadd.s32 @!p0 $0xFFFFC000;
	s16 =	sshll.u32 s21, $0x6  }
.Ltmp3:
0xc9: {  	[bflag:$0x0] =	sbarrier.arrive $0xFFFF;
	s16 =	sor.u32 $0x1C03, s16;
	(pc) =	sbr.rel @p1 .LBB2_1-.Ltmp3, $4  }
0xca: {  	[hbm:s24], [sflag:s16] =	dma.local [spmem:s22], $0x2800  }
0xcb: {  	_ =	swait.ge [sflag:s9], $0x2800  }
0xcc: {  	[sflag:s9] =	ssyncset.done $0x0  }
0xcd: {  	[sflag:s9] =	ssyncadd.s32 $0xFFFFD800  }
0xce: {  	_ =	sfence.sel $0x180000  }
0xcf: {  	[bflag:$0x0] =	sbarrier.arrive $0xFFFF  }
0xd0: {  	_ =	strace $0x90000047  }
0xd1: {  	s0 =	stileid.u32;
	[bflag:$0x2] =	sbarrier.arrive $0xFFFF  }
0xd2: {  	p0 =	sne.s32 s0, $0x0;
	s0 =	rddreg [dreg:$0x3]  }
0xd3: {  	s0 =	sadd.s32 @!p0 $0x100000, s0  }
0xd4: {  	[sflag:s0] =	ssyncadd.tile.s32 @!p0 $0x1;
	_ =	shalt  }
.Lfunc_end2:
_tile_overlayer_lowered:
.L_overlay_start_2:
0xd5: {  	(tag) =	ssettag $0x2  }
0xd6: {  	s0 =	rddreg [dreg:$0x0];
	s2 =	stileid.u32  }
0xd7: {  	s1 =	rddreg [dreg:$0x1];
	p0 =	sne.s32 s2, $0x0  }
0xd8: {  	s3 =	rddreg [dreg:$0x2];
	[bflag:$0x3] =	sbarrier.arrive $0xFFFF;
	s2 =	simm.s32 @!p0 $0x1C03  }
0xd9: {  	[timem:s3], [sflag:s2] =	dma.local @!p0 [hbm:s0], s1  }
0xda: {  	s0 =	simm.s32 @!p0 $0x3  }
0xdb: {  	_ =	swait.ge @!p0 [sflag:s0], s1  }
0xdc: {  	s1 =	ssub.s32 @!p0 $0x0, s1;
	[sflag:s0] =	ssyncset.done @!p0 $0x0  }
0xdd: {  	[sflag:s0] =	ssyncadd.s32 @!p0 s1  }
0xde: {  	[bflag:$0x3] =	sbarrier.arrive $0xFFFF  }
0xdf: {  	_ =	shalt  }

// kernel: kernel.9.cloned.1.call-start
scs
__scs_entry_jumppad:
0x0: {  	(pc) =	sbr.rel $0x88, $3  }
0x1: {  	(tag) =	ssettag $0x0;
	lr =	simm.s32 $0x1  }
0x2: {  	[smem:$0x3F98] =	sst lr;
	_ =	strace $0xD0000000  }
0x3: {  	_ = 	snop  }
0x4: {  	_ = 	snop  }
0x5: {  	_ = 	snop  }
0x6: {  	_ = 	snop  }
0x7: {  	_ = 	snop  }
__scs_overlays_trampoline_lowered:
0x8: {  	[smem:$0x3FA7] =	sst s0  }
0x9: {  	[smem:$0x3FA8] =	sst s1  }
0xa: {  	[smem:$0x3FA9] =	sst s2  }
0xb: {  	[smem:$0x3FAA] =	sst s3  }
0xc: {  	[smem:$0x3FAB] =	sst s4  }
0xd: {  	[smem:$0x3FAC] =	sst s5  }
0xe: {  	[smem:$0x3FAD] =	sst s6  }
0xf: {  	[smem:$0x3FAE] =	sst s7  }
0x10: {  	[smem:$0x3FAF] =	sst s8  }
0x11: {  	[smem:$0x3FB0] =	sst s9;
	s0 =	simm.s32 @!p0 $0x0  }
0x12: {  	s1 =	sld [smem:$0x3F96];
	s0 =	simm.s32 @p0 $0x1  }
0x13: {  	[smem:$0x3FB1] =	sst s0;
	s0 =	simm.s32 @!p1 $0x0  }
0x14: {  	s2 =	sld [smem:$0x3F95];
	s0 =	simm.s32 @p1 $0x1  }
0x15: {  	[smem:$0x3FB2] =	sst s0;
	s0 =	simm.s32 @!p2 $0x0  }
0x16: {  	s3 =	sld [smem:$0x3FDB];
	s0 =	simm.s32 @p2 $0x1  }
0x17: {  	s4 =	simm.s32 $0x1BF5;
	[smem:$0x3FB4] =	sst s0  }
0x18: {  	s0 =	sld [smem:$0x3F97];
	_ =	swait.ge [sflag:s4], $0x0  }
0x19: {  	s7 =	sld [smem:$0x3F98]  }
0x1a: {  	s8 =	sadd.s32 $0xFFFFE003, lr  }
0x1b: {  	s9 =	sadd.s32 $0xFFFFFEF7, lr;
	s5 =	simm.s32 $0xFFFFFFFF;
	p2 =	slt.u32 s8, $0xFFFFF086  }
0x1c: {  	p1 =	slt.u32 s9, $0xF7A;
	s5 =	simm.s32 @!p2 $0x0  }
0x1d: {  	s5 =	simm.s32 @p1 $0x1;
	p0 =	seq.s32 s7, s2  }
0x1e: {  	s7 =	smul.u32 @!p0 $0xF7A, s2;
	p2 =	seq.s32 @!p0 s5, $0x0  }
0x1f: {  	s9 =	smul.u32 $0xF7A, s1;
	s8 =	simm.s32 @!p0 $0x1BF5;
	p2 =	por !p2, p0  }
0x20: {  	[sflag:s8] =	ssyncset.s32 @!p0 $0xFFFFF086;
	s6 =	sadd.s32 @!p0 s3, s7;
	s7 =	simm.s32 @!p0 $0x108  }
0x21: {  	s3 =	sadd.s32 s3, s9;
	s6 =	sadd.s32 @!p0 $0x88, s6;
	s7 =	simm.s32 @p2 $0x1082  }
0x22: {  	[simem:s7], [sflag:s8] =	dma.local @!p0 [hbm:s6], $0xF7A  }
0x23: {  	s9 =	sor.u32 $0xD0000000, s2;
	s6 =	simm.s32 $0x108;
	_ =	swait.ge @!p0 [sflag:s8], $0x0  }
0x24: {  	s3 =	sadd.s32 $0x88, s3;
	s6 =	simm.s32 @!p1 $0x1082;
	[sflag:s4] =	ssyncset.s32 $0xFFFFF086  }
0x25: {  	[simem:s6], [sflag:s4] =	dma.local [hbm:s3], $0xF7A  }
0x26: {  	[smem:$0x3F98] =	sst s1;
	(tag) =	ssettag s2;
	_ =	strace s9  }
0x27: {  	s1 =	sld [smem:$0x3FA8]  }
0x28: {  	s2 =	sld [smem:$0x3FA9]  }
0x29: {  	s4 =	sld [smem:$0x3FAB]  }
0x2a: {  	p0 =	seq.s32 s5, $0x0;
	s5 =	sld [smem:$0x3FAC]  }
0x2b: {  	s6 =	sld [smem:$0x3FAD]  }
0x2c: {  	s7 =	sld [smem:$0x3FAE]  }
0x2d: {  	s3 =	simm.s32 $0x108;
	s8 =	sld [smem:$0x3FAF]  }
0x2e: {  	s3 =	simm.s32 @!p0 $0x1082;
	s9 =	sld [smem:$0x3FB0]  }
0x2f: {  	lr =	sadd.s32 s0, s3;
	s0 =	sld [smem:$0x3FA7]  }
0x30: {  	s3 =	sld [smem:$0x3FAA]  }
0x31: {  	[smem:$0x3FB3] =	sst s10  }
0x32: {  	s10 =	sld [smem:$0x3FB1];
	_ =	sdelay $0x3  }
0x33: {  	p0 =	seq.s32 s10, $0x1;
	s10 =	sld [smem:$0x3FB3];
	_ =	sdelay $0x3  }
0x34: {  	[smem:$0x3FB3] =	sst s10  }
0x35: {  	s10 =	sld [smem:$0x3FB2];
	_ =	sdelay $0x3  }
0x36: {  	p1 =	seq.s32 s10, $0x1;
	s10 =	sld [smem:$0x3FB3];
	_ =	sdelay $0x3  }
0x37: {  	[smem:$0x3FB3] =	sst s10  }
0x38: {  	s10 =	sld [smem:$0x3FB4]  }
0x39: {  	_ = 	snop;
	(pc) =	sbr.ind lr, $3  }
0x3a: {  	_ = 	snop  }
0x3b: {  	_ = 	snop  }
0x3c: {  	p2 =	seq.s32 s10, $0x1;
	s10 =	sld [smem:$0x3FB3]  }
0x3d: {  	_ =	shalt  }
0x3e: {  	_ =	shalt  }
0x3f: {  	_ =	shalt  }
0x40: {  	_ =	shalt  }
0x41: {  	_ =	shalt  }
0x42: {  	_ =	shalt  }
0x43: {  	_ =	shalt  }
0x44: {  	_ =	shalt  }
0x45: {  	_ =	shalt  }
0x46: {  	_ =	shalt  }
0x47: {  	_ =	shalt  }
0x48: {  	_ =	shalt  }
0x49: {  	_ =	shalt  }
0x4a: {  	_ =	shalt  }
0x4b: {  	_ =	shalt  }
0x4c: {  	_ =	shalt  }
0x4d: {  	_ =	shalt  }
0x4e: {  	_ =	shalt  }
0x4f: {  	_ =	shalt  }
0x50: {  	_ =	shalt  }
0x51: {  	_ =	shalt  }
0x52: {  	_ =	shalt  }
0x53: {  	_ =	shalt  }
0x54: {  	_ =	shalt  }
0x55: {  	_ =	shalt  }
0x56: {  	_ =	shalt  }
0x57: {  	_ =	shalt  }
0x58: {  	_ =	shalt  }
0x59: {  	_ =	shalt  }
0x5a: {  	_ =	shalt  }
0x5b: {  	_ =	shalt  }
0x5c: {  	_ =	shalt  }
0x5d: {  	_ =	shalt  }
0x5e: {  	_ =	shalt  }
0x5f: {  	_ =	shalt  }
0x60: {  	_ =	shalt  }
0x61: {  	_ =	shalt  }
0x62: {  	_ =	shalt  }
0x63: {  	_ =	shalt  }
0x64: {  	_ =	shalt  }
0x65: {  	_ =	shalt  }
0x66: {  	_ =	shalt  }
0x67: {  	_ =	shalt  }
0x68: {  	_ =	shalt  }
0x69: {  	_ =	shalt  }
0x6a: {  	_ =	shalt  }
0x6b: {  	_ =	shalt  }
0x6c: {  	_ =	shalt  }
0x6d: {  	_ =	shalt  }
0x6e: {  	_ =	shalt  }
0x6f: {  	_ =	shalt  }
0x70: {  	_ =	shalt  }
0x71: {  	_ =	shalt  }
0x72: {  	_ =	shalt  }
0x73: {  	_ =	shalt  }
0x74: {  	_ =	shalt  }
0x75: {  	_ =	shalt  }
0x76: {  	_ =	shalt  }
0x77: {  	_ =	shalt  }
0x78: {  	_ =	shalt  }
0x79: {  	_ =	shalt  }
0x7a: {  	_ =	shalt  }
0x7b: {  	_ =	shalt  }
0x7c: {  	_ =	shalt  }
0x7d: {  	_ =	shalt  }
0x7e: {  	_ =	shalt  }
0x7f: {  	_ =	shalt  }
0x80: {  	_ =	shalt  }
0x81: {  	_ =	shalt  }
0x82: {  	_ =	shalt  }
0x83: {  	_ =	shalt  }
0x84: {  	_ =	shalt  }
0x85: {  	_ =	shalt  }
0x86: {  	_ =	shalt  }
0x87: {  	_ =	shalt  }
.Lfunc_end0:
.L_simem_size_0:
called_computation.1_lowered:
.L_overlay_start_0:
0x88: {  	s2 =	sld [smem:$0x3FD9]  }
0x89: {  	s3 =	sld [smem:$0x3FFE];
	_ =	sdelay $0x1  }
0x8a: {  	s1 =	srdreg.scid  }
0x8b: {  	s0 =	sand.u32 $0x1, s1  }
0x8c: {  	s17 =	sshll.u32 s0, $0xA;
	s2 =	sadd.s32 s3, s2  }
0x8d: {  	s2 =	sadd.s32 s2, s17  }
0x8e: {  	[smem:$0x3FBF] =	sst s2  }
0x8f: {  	_ = 	snop  }
0x90: {  	s2 =	sld [smem:$0x3FD0];
	(tm) =	ssettm $0x1  }
0x91: {  	s18 =	sld [smem:$0x3FFB];
	_ =	sdelay $0x3  }
0x92: {  	_ =	strace s18  }
0x93: {  	s3 =	sld [smem:$0x3FFC];
	_ =	sdelay $0x3  }
0x94: {  	_ =	strace s3  }
0x95: {  	s3 =	sld [smem:$0x3FFD];
	_ =	sdelay $0x3  }
0x96: {  	_ =	strace s3  }
0x97: {  	_ =	strace $0x8FFFFFFF  }
0x98: {  	s19 =	sld [smem:$0x3FDB];
	_ =	sdelay $0x1  }
0x99: {  	s4 =	simm.s32 $_scs_section_size  }
0x9a: {  	s5 =	simm.s32 $_size__tile_overlayer_lowered;
	s6 =	simm.s32 $_tile_overlayer_lowered  }
0x9b: {  	s22 =	simm.s32 $0x1BFF;
	s21 =	sshll.u32 s6, $0x1;
	s3 =	sadd.s32 s4, s19  }
0x9c: {  	s7 =	simm.s32 $0x0;
	s20 =	sshll.u32 s5, $0x1;
	s5 =	sadd.s32 s21, s3  }
0x9d: {  	[timem:s7], [sflag:s22] =	dma.local [hbm:s5], s20  }
0x9e: {  	_ =	swait.ge [sflag:s22], s20  }
0x9f: {  	s4 =	ssub.s32 $0x0, s20;
	[sflag:s22] =	ssyncset.done $0x0  }
0xa0: {  	[sflag:s22] =	ssyncadd.s32 s4;
	_ =	sdelay $0x1  }
0xa1: {  	s23 =	simm.s32 $0x1B8B  }
0xa2: {  	_ =	swait.ge [sflag:s23], $0x1  }
0xa3: {  	[sflag:s23] =	ssyncset.done $0x0  }
0xa4: {  	s25 =	simm.s32 $0x1B8E;
	s24 =	sld [smem:$0x3FFE];
	[sflag:s23] =	ssyncadd.s32 $0xFFFFFFFF  }
0xa5: {  	s26 =	simm.s32 $execute0_lowered;
	[smem:$0x3FD2] =	sst s25  }
0xa6: {  	s5 =	sshll.u32 s26, $0x1;
	_ =	strace $0x80000049;
	[dreg:$0x1] =	wrdreg $0xFFFFFFFF  }
0xa7: {  	s28 =	simm.s32 $_size_execute0_lowered;
	s3 =	sadd.s32 s3, s5;
	[dreg:$0x0] =	wrdreg $0x0  }
0xa8: {  	s5 =	sshll.u32 s28, $0x1;
	[dreg:$0x2] =	wrdreg s3  }
0xa9: {  	[dreg:$0x3] =	wrdreg s5  }
0xaa: {  	[dreg:$0x4] =	wrdreg $0xC0  }
0xab: {  	_ =	task [dreg:s7], $0x5FFFF  }
0xac: {  	[dreg:$0x1] =	wrdreg $0xFFFFFFFF  }
0xad: {  	[dreg:$0x0] =	wrdreg $0x60  }
0xae: {  	[dreg:$0x2] =	wrdreg s2  }
0xaf: {  	[dreg:$0x3] =	wrdreg s24  }
0xb0: {  	[dreg:$0x4] =	wrdreg $0xB8000  }
0xb1: {  	[dreg:$0x5] =	wrdreg $0x9  }
0xb2: {  	_ =	task.clear_ibuf [dreg:s7], $0x6FFFF;
	_ =	strace $0x90000049  }
0xb3: {  	s29 =	simm.s32 $0x9;
	_ =	strace $0x8000004B  }
0xb4: {  	_ =	swait.ge [sflag:s29], $0x1  }
0xb5: {  	[sflag:s29] =	ssyncadd.s32 $0xFFFFFFFF  }
0xb6: {  	_ =	strace $0x9000004B  }
0xb7: {  	_ =	sfence  }
0xb8: {  	s30 =	sld [smem:$0x0];
	_ =	sdelay $0x2  }
0xb9: {  	s31 =	sshll.u32 s1, $0xD;
	s1 =	sshrl.u32 s1, $0x2  }
0xba: {  	s3 =	sand.u32 $0x4000, s31;
	s1 =	sadd.s32 s1, s30  }
0xbb: {  	s0 =	sor.u32 s3, s0;
	s1 =	sshll.u32 s1, $0x11  }
0xbc: {  	s0 =	sor.u32 s1, s0  }
0xbd: {  	s0 =	sadd.s32 $0x8F2B, s0  }
0xbe: {  	[sflag:s0] =	ssyncadd.remote.s32 $0x1  }
0xbf: {  	_ =	sfence.sel $0xFFFF  }
0xc0: {  	[dreg:$0x0] =	wrdreg $0xFFFFFFFF;
	(pc) =	sbr.abs _section_cstart, $3  }
0xc1: {  	[dreg:$0x1] =	wrdreg $0xFFFFFFFF  }
0xc2: {  	_ =	task.clear_ibuf [dreg:s7], $0x2FFFF;
	_ =	strace $0x9FFFFFFF  }
0xc3: {  	(tm) =	ssettm $0x7FFFFFFF  }
tec
execute0_lowered:
.L_overlay_start_1:
0x0: {  	(tag) =	ssettag $0x1  }
0x1: {  	s1 =	rddreg [dreg:$0x0]  }
0x2: {  	s0 =	rddreg [dreg:$0x1]  }
0x3: {  	s2 =	rddreg [dreg:$0x2]  }
0x4: {  	s3 =	srdreg.scid;
	s11 =	stileid.u32  }
0x5: {  	s4 =	simm.s32 $0x0;
	s3 =	sand.u32 $0x1, s3;
	s7 =	smul.u32 $0x14000, s11  }
0x6: {  	[smem:$0x7FF] =	sst s4;
	s5 =	sadd.s32 $0x1C00, s0;
	s23 =	smul.u32 $0x50000, s11  }
0x7: {  	s6 =	smul.u32 $0x140000, s3;
	s22 =	sshll.u32 s3, $0x4;
	s3 =	ssub.s32 $0x2, s3  }
0x8: {  	_ =	strace $0x8000004A;
	s8 =	sor.u32 s11, s22;
	s9 =	sshrl.u32 s3, $0x1  }
0x9: {  	s11 =	sshll.u32 s11, $0x1;
	s6 =	sadd.s32 s7, s6;
	s7 =	sshrl.u32 s23, $0x2  }
0xa: {  	s24 =	smul.u32 $0x4E, s8;
	s10 =	smin.u32 s8, $0x4;
	s7 =	sadd.s32 s7, s2  }
0xb: {  	s3 =	ssub.s32 s3, s9;
	p0 =	sgt.u32 s8, $0x3;
	s25 =	sadd.s32 $0x1000, s7  }
0xc: {  	s8 =	simm.s32 $0xA800;
	s26 =	sadd.s32 $0x2000, s7;
	[dreg:$0x4] =	wrdreg s25  }
0xd: {  	s9 =	simm.s32 $0x3;
	s12 =	sadd.s32 $0x3000, s7;
	[dreg:$0x5] =	wrdreg s26  }
0xe: {  	s6 =	sshrl.u32 s6, $0x3;
	s13 =	sadd.s32 $0x4000, s7;
	[dreg:$0x6] =	wrdreg s12  }
0xf: {  	s0 =	sadd.s32 s6, s0;
	s14 =	sadd.s32 $0x5000, s7;
	[dreg:$0x7] =	wrdreg s13  }
0x10: {  	s6 =	sadd.s32 s10, s24;
	s15 =	sadd.s32 $0x6000, s7;
	[dreg:$0x8] =	wrdreg s14  }
0x11: {  	s16 =	sadd.s32 $0x7000, s7;
	s17 =	sadd.s32 $0x8000, s7;
	[dreg:$0x9] =	wrdreg s15  }
0x12: {  	s18 =	sadd.s32 $0x9000, s7;
	s19 =	sadd.s32 $0xA000, s7;
	[dreg:$0xa] =	wrdreg s16  }
0x13: {  	s10 =	ssub.s32 s10, s11;
	s22 =	sadd.s32 $0xC000, s7;
	[dreg:$0xb] =	wrdreg s17  }
0x14: {  	s24 =	sadd.s32 $0xD000, s7;
	s28 =	sadd.s32 $0xF000, s7;
	[dreg:$0xc] =	wrdreg s18  }
0x15: {  	s29 =	sadd.s32 $0x10000, s7;
	s30 =	sadd.s32 $0x11000, s7;
	[dreg:$0xd] =	wrdreg s19  }
0x16: {  	s31 =	sadd.s32 $0x12000, s7;
	s11 =	simm.s32 $0x2800;
	[dreg:$0xf] =	wrdreg s10  }
0x17: {  	s20 =	sadd.s32 $0x4E, s6;
	s12 =	sadd.s32 $0xB000, s7;
	[dreg:$0x10] =	wrdreg s22  }
0x18: {  	[dreg:$0x11] =	wrdreg s24;
	s24 =	sadd.s32 $0x15800, s0;
	s0 =	sadd.s32 $0x13000, s7  }
0x19: {  	s10 =	simm.s32 $0x80;
	s13 =	simm.s32 $0x1;
	s14 =	simm.s32 $0x2  }
0x1a: {  	s15 =	simm.s32 $0x0;
	[dreg:$0xe] =	wrdreg s12;
	s21 =	sshll.u32 s20, $0x5  }
0x1b: {  	s26 =	sshll.u32 s20, $0x8;
	s12 =	simm.s32 $0x6800;
	s23 =	sand.u32 $0x1FFFFF00, s21  }
0x1c: {  	s25 =	sadd.s32 s5, s23;
	s23 =	sand.u32 $0x700, s26;
	s26 =	sadd.s32 $0xE000, s7  }
0x1d: {  	v0 =	vimm.f32 $0.0e+00;
	[dreg:$0x12] =	wrdreg s25;
	s25 =	smax.u32 s3, $0x1;
	s3 =	sor.u32 $0x80, s23  }
.LBB2_1:
0x1e: {  	s16 =	simm.s32 $0x0;
	s17 =	simm.s32 $0x200  }
.LBB2_2:
0x1f: {  	p1 =	sne.s32 s17, $0x3E00;
	[tilespmem:s16+$0xA870] =	vst v0  }
0x20: {  	[tilespmem:s16+$0xA800] =	vst v0  }
0x21: {  	[tilespmem:s16+$0xA810] =	vst v0  }
.Ltmp0:
0x22: {  	[tilespmem:s16+$0xA820] =	vst v0;
	(pc) =	sbr.rel @p1 .LBB2_2-.Ltmp0, $4  }
0x23: {  	[tilespmem:s16+$0xA830] =	vst v0  }
0x24: {  	[tilespmem:s16+$0xA840] =	vst v0  }
0x25: {  	[tilespmem:s16+$0xA850] =	vst v0  }
0x26: {  	[tilespmem:s16+$0xA860] =	vst v0;
	s16 =	sshra.s32 s17, $0x2;
	s17 =	sadd.s32 $0x200, s17  }
0x27: {  	[tilespmem:s16+$0xA870] =	vst v0  }
0x28: {  	[tilespmem:s16+$0xA800] =	vst v0  }
0x29: {  	[tilespmem:s16+$0xA810] =	vst v0  }
0x2a: {  	[tilespmem:s16+$0xA820] =	vst v0  }
0x2b: {  	[tilespmem:s16+$0xA830] =	vst v0  }
0x2c: {  	[tilespmem:s16+$0xA840] =	vst v0  }
0x2d: {  	[tilespmem:s16+$0xA850] =	vst v0  }
0x2e: {  	[tilespmem:s16+$0xA860] =	vst v0  }
0x2f: {  	[spmem:s7] =	stream.linear.scatter [tilespmem:s8], [sflag:$0x3], $0x1000, $0x38;
	[tilespmem:$0x1F800] =	vst v63  }
0x30: {  	_ =	swait.ge [sflag:s9], $0x1000  }
0x31: {  	[sflag:s9] =	ssyncset.done $0x0  }
0x32: {  	s22 =	rddreg [dreg:$0x4];
	[sflag:s9] =	ssyncadd.s32 $0xFFFFF000  }
0x33: {  	[spmem:s22] =	stream.linear.scatter [tilespmem:s8], [sflag:$0x3], $0x1000, $0x38;
	[tilespmem:$0x1F800] =	vst v63  }
0x34: {  	_ =	swait.ge [sflag:s9], $0x1000  }
0x35: {  	[sflag:s9] =	ssyncset.done $0x0  }
0x36: {  	s17 =	rddreg [dreg:$0x5];
	[sflag:s9] =	ssyncadd.s32 $0xFFFFF000  }
0x37: {  	[spmem:s17] =	stream.linear.scatter [tilespmem:s8], [sflag:$0x3], $0x1000, $0x38;
	[tilespmem:$0x1F800] =	vst v63  }
0x38: {  	_ =	swait.ge [sflag:s9], $0x1000  }
0x39: {  	[sflag:s9] =	ssyncset.done $0x0  }
0x3a: {  	s18 =	rddreg [dreg:$0x6];
	[sflag:s9] =	ssyncadd.s32 $0xFFFFF000  }
0x3b: {  	[spmem:s18] =	stream.linear.scatter [tilespmem:s8], [sflag:$0x3], $0x1000, $0x38;
	[tilespmem:$0x1F800] =	vst v63  }
0x3c: {  	_ =	swait.ge [sflag:s9], $0x1000  }
0x3d: {  	[sflag:s9] =	ssyncset.done $0x0  }
0x3e: {  	s19 =	rddreg [dreg:$0x7];
	[sflag:s9] =	ssyncadd.s32 $0xFFFFF000  }
0x3f: {  	[spmem:s19] =	stream.linear.scatter [tilespmem:s8], [sflag:$0x3], $0x1000, $0x38;
	[tilespmem:$0x1F800] =	vst v63  }
0x40: {  	_ =	swait.ge [sflag:s9], $0x1000  }
0x41: {  	[sflag:s9] =	ssyncset.done $0x0  }
0x42: {  	s20 =	rddreg [dreg:$0x8];
	[sflag:s9] =	ssyncadd.s32 $0xFFFFF000  }
0x43: {  	[spmem:s20] =	stream.linear.scatter [tilespmem:s8], [sflag:$0x3], $0x1000, $0x38;
	[tilespmem:$0x1F800] =	vst v63  }
0x44: {  	_ =	swait.ge [sflag:s9], $0x1000  }
0x45: {  	[sflag:s9] =	ssyncset.done $0x0  }
0x46: {  	s21 =	rddreg [dreg:$0x9];
	[sflag:s9] =	ssyncadd.s32 $0xFFFFF000  }
0x47: {  	[spmem:s21] =	stream.linear.scatter [tilespmem:s8], [sflag:$0x3], $0x1000, $0x38;
	[tilespmem:$0x1F800] =	vst v63  }
0x48: {  	_ =	swait.ge [sflag:s9], $0x1000  }
0x49: {  	[sflag:s9] =	ssyncset.done $0x0  }
0x4a: {  	s22 =	rddreg [dreg:$0xa];
	[sflag:s9] =	ssyncadd.s32 $0xFFFFF000  }
0x4b: {  	[spmem:s22] =	stream.linear.scatter [tilespmem:s8], [sflag:$0x3], $0x1000, $0x38;
	[tilespmem:$0x1F800] =	vst v63  }
0x4c: {  	_ =	swait.ge [sflag:s9], $0x1000  }
0x4d: {  	[sflag:s9] =	ssyncset.done $0x0  }
0x4e: {  	s17 =	rddreg [dreg:$0xb];
	[sflag:s9] =	ssyncadd.s32 $0xFFFFF000  }
0x4f: {  	[spmem:s17] =	stream.linear.scatter [tilespmem:s8], [sflag:$0x3], $0x1000, $0x38;
	[tilespmem:$0x1F800] =	vst v63  }
0x50: {  	_ =	swait.ge [sflag:s9], $0x1000  }
0x51: {  	[sflag:s9] =	ssyncset.done $0x0  }
0x52: {  	s18 =	rddreg [dreg:$0xc];
	[sflag:s9] =	ssyncadd.s32 $0xFFFFF000  }
0x53: {  	[spmem:s18] =	stream.linear.scatter [tilespmem:s8], [sflag:$0x3], $0x1000, $0x38;
	[tilespmem:$0x1F800] =	vst v63  }
0x54: {  	_ =	swait.ge [sflag:s9], $0x1000  }
0x55: {  	[sflag:s9] =	ssyncset.done $0x0  }
0x56: {  	s19 =	rddreg [dreg:$0xd];
	[sflag:s9] =	ssyncadd.s32 $0xFFFFF000  }
0x57: {  	[spmem:s19] =	stream.linear.scatter [tilespmem:s8], [sflag:$0x3], $0x1000, $0x38;
	[tilespmem:$0x1F800] =	vst v63  }
0x58: {  	_ =	swait.ge [sflag:s9], $0x1000  }
0x59: {  	[sflag:s9] =	ssyncset.done $0x0  }
0x5a: {  	s20 =	rddreg [dreg:$0xe];
	[sflag:s9] =	ssyncadd.s32 $0xFFFFF000  }
0x5b: {  	[spmem:s20] =	stream.linear.scatter [tilespmem:s8], [sflag:$0x3], $0x1000, $0x38;
	[tilespmem:$0x1F800] =	vst v63  }
0x5c: {  	_ =	swait.ge [sflag:s9], $0x1000  }
0x5d: {  	[sflag:s9] =	ssyncset.done $0x0  }
0x5e: {  	s21 =	rddreg [dreg:$0x10];
	[sflag:s9] =	ssyncadd.s32 $0xFFFFF000  }
0x5f: {  	[spmem:s21] =	stream.linear.scatter [tilespmem:s8], [sflag:$0x3], $0x1000, $0x38;
	[tilespmem:$0x1F800] =	vst v63  }
0x60: {  	_ =	swait.ge [sflag:s9], $0x1000  }
0x61: {  	[sflag:s9] =	ssyncset.done $0x0  }
0x62: {  	s22 =	rddreg [dreg:$0x11];
	[sflag:s9] =	ssyncadd.s32 $0xFFFFF000  }
0x63: {  	[spmem:s22] =	stream.linear.scatter [tilespmem:s8], [sflag:$0x3], $0x1000, $0x38;
	[tilespmem:$0x1F800] =	vst v63  }
0x64: {  	_ =	swait.ge [sflag:s9], $0x1000  }
0x65: {  	[sflag:s9] =	ssyncset.done $0x0  }
0x66: {  	[sflag:s9] =	ssyncadd.s32 $0xFFFFF000  }
0x67: {  	[spmem:s26] =	stream.linear.scatter [tilespmem:s8], [sflag:$0x3], $0x1000, $0x38;
	[tilespmem:$0x1F800] =	vst v63  }
0x68: {  	_ =	swait.ge [sflag:s9], $0x1000  }
0x69: {  	[sflag:s9] =	ssyncset.done $0x0  }
0x6a: {  	[sflag:s9] =	ssyncadd.s32 $0xFFFFF000  }
0x6b: {  	[spmem:s28] =	stream.linear.scatter [tilespmem:s8], [sflag:$0x3], $0x1000, $0x38;
	[tilespmem:$0x1F800] =	vst v63  }
0x6c: {  	_ =	swait.ge [sflag:s9], $0x1000  }
0x6d: {  	[sflag:s9] =	ssyncset.done $0x0  }
0x6e: {  	[sflag:s9] =	ssyncadd.s32 $0xFFFFF000  }
0x6f: {  	[spmem:s29] =	stream.linear.scatter [tilespmem:s8], [sflag:$0x3], $0x1000, $0x38;
	[tilespmem:$0x1F800] =	vst v63  }
0x70: {  	_ =	swait.ge [sflag:s9], $0x1000  }
0x71: {  	[sflag:s9] =	ssyncset.done $0x0  }
0x72: {  	[sflag:s9] =	ssyncadd.s32 $0xFFFFF000  }
0x73: {  	[spmem:s30] =	stream.linear.scatter [tilespmem:s8], [sflag:$0x3], $0x1000, $0x38;
	[tilespmem:$0x1F800] =	vst v63  }
0x74: {  	_ =	swait.ge [sflag:s9], $0x1000  }
0x75: {  	[sflag:s9] =	ssyncset.done $0x0  }
0x76: {  	[sflag:s9] =	ssyncadd.s32 $0xFFFFF000  }
0x77: {  	[spmem:s31] =	stream.linear.scatter [tilespmem:s8], [sflag:$0x3], $0x1000, $0x38;
	[tilespmem:$0x1F800] =	vst v63  }
0x78: {  	_ =	swait.ge [sflag:s9], $0x1000  }
0x79: {  	[sflag:s9] =	ssyncset.done $0x0  }
0x7a: {  	[sflag:s9] =	ssyncadd.s32 $0xFFFFF000  }
0x7b: {  	[spmem:s0] =	stream.linear.scatter [tilespmem:s8], [sflag:$0x3], $0x1000, $0x38;
	[tilespmem:$0x1F800] =	vst v63  }
0x7c: {  	_ =	swait.ge [sflag:s9], $0x1000  }
0x7d: {  	[sflag:s9] =	ssyncset.done $0x0  }
0x7e: {  	[sflag:s9] =	ssyncadd.s32 $0xFFFFF000  }
0x7f: {  	[bflag:$0x0] =	sbarrier.arrive $0xFFFF  }
0x80: {  	s16 =	simm.s32 $0x0;
	s19 =	rddreg [dreg:$0xf]  }
.LBB2_4:
0x81: {  	s17 =	smul.u32 $0x1A, s16;
	_ =	sdelay $0x1  }
0x82: {  	s17 =	sadd.s32 s6, s17  }
0x83: {  	s18 =	sshll.u32 s17, $0x5  }
0x84: {  	s18 =	sand.u32 $0x1FFFFF00, s18  }
0x85: {  	s18 =	sadd.s32 s5, s18  }
0x86: {  	[tilespmem:s4], [sflag:$0x3] =	stream.linear.gather [hbm4b:s18+s4], $0x2800, $0x38;
	[tilespmem:$0x1F800] =	vst v63  }
0x87: {  	_ =	swait.ge [sflag:s9], $0x2800  }
0x88: {  	s17 =	sshll.u32 s17, $0x8;
	[sflag:s9] =	ssyncset.done $0x0  }
0x89: {  	s18 =	sand.u32 $0x700, s17;
	[sflag:s9] =	ssyncadd.s32 $0xFFFFD800  }
0x8a: {  	[tilespmem:s11], [sflag:$0x1] =	stream.indirect.gather [hbm4b:s1+s10], $0x80, s18, s10, $0xb8;
	[tilespmem:$0x1F800] =	vst v63  }
0x8b: {  	s21 =	sand.u32 $0x7, s19;
	s20 =	sadd.s32 $0x100, s18  }
0x8c: {  	[tilespmem:s12], [sflag:$0x2] =	stream.indirect.gather [hbm4b:s1+s10], $0x80, s20, s10, $0xb8;
	[tilespmem:$0x1F800] =	vst v63  }
0x8d: {  	s20 =	sshll.u32 s21, $0x8;
	_ =	swait.ge [sflag:s13], $0x4000  }
0x8e: {  	s21 =	sadd.s32 $0xFFFFE800, s20;
	[sflag:s13] =	ssyncset.done $0x0  }
0x8f: {  	s22 =	sadd.s32 $0x1880, s21;
	[sflag:s13] =	ssyncadd.s32 $0xFFFFC000  }
0x90: {  	[spmem:s2] =	stream.indirect.scatter.add.f32 [tilespmem:s11], [sflag:$0x3], $0x80, s22, s10, $0xb8;
	[tilespmem:$0x1F800] =	vst v63  }
0x91: {  	_ =	swait.ge [sflag:s9], $0x4000  }
0x92: {  	[sflag:s9] =	ssyncset.done $0x0  }
0x93: {  	s22 =	sadd.s32 $0x1A00, s21;
	[sflag:s9] =	ssyncadd.s32 $0xFFFFC000  }
0x94: {  	[tilespmem:s11], [sflag:$0x1] =	stream.indirect.gather [hbm4b:s1+s10], $0x80, s22, s10, $0xb8;
	[tilespmem:$0x1F800] =	vst v63  }
0x95: {  	_ =	swait.ge [sflag:s14], $0x4000  }
0x96: {  	[sflag:s14] =	ssyncset.done $0x0  }
0x97: {  	s22 =	sadd.s32 $0x1980, s21;
	[sflag:s14] =	ssyncadd.s32 $0xFFFFC000  }
0x98: {  	[spmem:s2] =	stream.indirect.scatter.add.f32 [tilespmem:s12], [sflag:$0x3], $0x80, s22, s10, $0xb8;
	[tilespmem:$0x1F800] =	vst v63  }
0x99: {  	_ =	swait.ge [sflag:s9], $0x4000  }
0x9a: {  	[sflag:s9] =	ssyncset.done $0x0  }
0x9b: {  	s17 =	simm.s32 $0xFFFFA800;
	s21 =	sadd.s32 $0x1B00, s21;
	[sflag:s9] =	ssyncadd.s32 $0xFFFFC000  }
.LBB2_5:
0x9c: {  	[tilespmem:s12], [sflag:$0x2] =	stream.indirect.gather [hbm4b:s1+s10], $0x80, s21, s10, $0xb8;
	[tilespmem:$0x1F800] =	vst v63  }
0x9d: {  	s21 =	sshra.s32 s17, $0x2;
	p1 =	sne.s32 s17, $0xFFFFF800;
	_ =	swait.ge [sflag:s13], $0x4000  }
0x9e: {  	s17 =	sadd.s32 $0x800, s17;
	s21 =	sadd.s32 s21, s20;
	[sflag:s13] =	ssyncset.done $0x0  }
0x9f: {  	s22 =	sadd.s32 $0x1880, s21;
	[sflag:s13] =	ssyncadd.s32 $0xFFFFC000  }
0xa0: {  	[spmem:s2] =	stream.indirect.scatter.add.f32 [tilespmem:s11], [sflag:$0x3], $0x80, s22, s10, $0xb8;
	[tilespmem:$0x1F800] =	vst v63  }
0xa1: {  	_ =	swait.ge [sflag:s9], $0x4000  }
0xa2: {  	[sflag:s9] =	ssyncset.done $0x0  }
0xa3: {  	s22 =	sadd.s32 $0x1A00, s21;
	[sflag:s9] =	ssyncadd.s32 $0xFFFFC000  }
0xa4: {  	[tilespmem:s11], [sflag:$0x1] =	stream.indirect.gather [hbm4b:s1+s10], $0x80, s22, s10, $0xb8;
	[tilespmem:$0x1F800] =	vst v63  }
0xa5: {  	_ =	swait.ge [sflag:s14], $0x4000  }
0xa6: {  	[sflag:s14] =	ssyncset.done $0x0  }
.Ltmp1:
0xa7: {  	s22 =	sadd.s32 $0x1980, s21;
	[sflag:s14] =	ssyncadd.s32 $0xFFFFC000;
	(pc) =	sbr.rel @p1 .LBB2_5-.Ltmp1, $4  }
0xa8: {  	[spmem:s2] =	stream.indirect.scatter.add.f32 [tilespmem:s12], [sflag:$0x3], $0x80, s22, s10, $0xb8;
	[tilespmem:$0x1F800] =	vst v63  }
0xa9: {  	_ =	swait.ge [sflag:s9], $0x4000  }
0xaa: {  	[sflag:s9] =	ssyncset.done $0x0  }
0xab: {  	s21 =	sadd.s32 $0x1B00, s21;
	[sflag:s9] =	ssyncadd.s32 $0xFFFFC000  }
0xac: {  	[tilespmem:s12], [sflag:$0x2] =	stream.indirect.gather [hbm4b:s1+s10], $0x80, s21, s10, $0xb8;
	[tilespmem:$0x1F800] =	vst v63  }
0xad: {  	_ =	swait.ge [sflag:s13], $0x4000  }
0xae: {  	[sflag:s13] =	ssyncset.done $0x0  }
0xaf: {  	s17 =	sadd.s32 $0x1880, s18;
	[sflag:s13] =	ssyncadd.s32 $0xFFFFC000  }
0xb0: {  	[spmem:s2] =	stream.indirect.scatter.add.f32 [tilespmem:s11], [sflag:$0x3], $0x80, s17, s10, $0xb8;
	[tilespmem:$0x1F800] =	vst v63  }
0xb1: {  	_ =	swait.ge [sflag:s9], $0x4000  }
0xb2: {  	[sflag:s9] =	ssyncset.done $0x0  }
0xb3: {  	[sflag:s9] =	ssyncadd.s32 $0xFFFFC000  }
0xb4: {  	s16 =	sadd.s32 $0x1, s16;
	_ =	swait.ge [sflag:s14], $0x4000  }
0xb5: {  	p1 =	seq.s32 s16, $0x3;
	[sflag:s14] =	ssyncset.done $0x0  }
.Ltmp2:
0xb6: {  	s22 =	sadd.s32 $0x1980, s18;
	[sflag:s14] =	ssyncadd.s32 $0xFFFFC000;
	(pc) =	sbr.rel @!p1 .LBB2_4-.Ltmp2, $4  }
0xb7: {  	[spmem:s2] =	stream.indirect.scatter.add.f32 [tilespmem:s12], [sflag:$0x3], $0x80, s22, s10, $0xb8;
	[tilespmem:$0x1F800] =	vst v63  }
0xb8: {  	_ =	swait.ge [sflag:s9], $0x4000  }
0xb9: {  	[sflag:s9] =	ssyncset.done $0x0  }
0xba: {  	s19 =	sadd.s32 $0x2, s19;
	[sflag:s9] =	ssyncadd.s32 $0xFFFFC000  }
0xbb: {  	s16 =	simm.s32 @!p0 $0x0;
	s17 =	rddreg [dreg:$0x12]  }
0xbc: {  	[tilespmem:s16], [sflag:$0x3] =	stream.linear.gather @!p0 [hbm4b:s17+s16], $0x800, $0x38;
	[tilespmem:$0x1F800] =	vst v63  }
0xbd: {  	s16 =	simm.s32 @!p0 $0x3  }
0xbe: {  	_ =	swait.ge @!p0 [sflag:s16], $0x800  }
0xbf: {  	s18 =	simm.s32 @!p0 $0x2800;
	[sflag:s16] =	ssyncset.done @!p0 $0x0  }
0xc0: {  	s19 =	simm.s32 @!p0 $0x1;
	s17 =	simm.s32 @!p0 $0x80;
	[sflag:s16] =	ssyncadd.s32 @!p0 $0xFFFFF800  }
0xc1: {  	[tilespmem:s18], [sflag:$0x1] =	stream.indirect.gather @!p0 [hbm4b:s1+s17], $0x80, s23, s17, $0xb8;
	[tilespmem:$0x1F800] =	vst v63  }
0xc2: {  	_ =	swait.ge @!p0 [sflag:s19], $0x4000  }
0xc3: {  	[sflag:s19] =	ssyncset.done @!p0 $0x0  }
0xc4: {  	[sflag:s19] =	ssyncadd.s32 @!p0 $0xFFFFC000  }
0xc5: {  	[spmem:s2] =	stream.indirect.scatter.add.f32 @!p0 [tilespmem:s18], [sflag:$0x3], $0x80, s3, s17, $0xb8;
	[tilespmem:$0x1F800] =	vst v63  }
0xc6: {  	s21 =	stileid.u32;
	_ =	swait.ge @!p0 [sflag:s16], $0x4000  }
0xc7: {  	s22 =	sshrl.u32 s7, $0x3;
	s15 =	sadd.s32 $0x1, s15;
	[sflag:s16] =	ssyncset.done @!p0 $0x0  }
0xc8: {  	p1 =	sne.s32 s15, s25;
	[sflag:s16] =	ssyncadd.s32 @!p0 $0xFFFFC000;
	s16 =	sshll.u32 s21, $0x6  }
.Ltmp3:
0xc9: {  	[bflag:$0x0] =	sbarrier.arrive $0xFFFF;
	s16 =	sor.u32 $0x1C03, s16;
	(pc) =	sbr.rel @p1 .LBB2_1-.Ltmp3, $4  }
0xca: {  	[hbm:s24], [sflag:s16] =	dma.local [spmem:s22], $0x2800  }
0xcb: {  	_ =	swait.ge [sflag:s9], $0x2800  }
0xcc: {  	[sflag:s9] =	ssyncset.done $0x0  }
0xcd: {  	[sflag:s9] =	ssyncadd.s32 $0xFFFFD800  }
0xce: {  	_ =	sfence.sel $0x180000  }
0xcf: {  	[bflag:$0x0] =	sbarrier.arrive $0xFFFF  }
0xd0: {  	_ =	strace $0x9000004A  }
0xd1: {  	s0 =	stileid.u32;
	[bflag:$0x2] =	sbarrier.arrive $0xFFFF  }
0xd2: {  	p0 =	sne.s32 s0, $0x0;
	s0 =	rddreg [dreg:$0x3]  }
0xd3: {  	s0 =	sadd.s32 @!p0 $0x100000, s0  }
0xd4: {  	[sflag:s0] =	ssyncadd.tile.s32 @!p0 $0x1;
	_ =	shalt  }
.Lfunc_end2:
_tile_overlayer_lowered:
.L_overlay_start_2:
0xd5: {  	(tag) =	ssettag $0x2  }
0xd6: {  	s0 =	rddreg [dreg:$0x0];
	s2 =	stileid.u32  }
0xd7: {  	s1 =	rddreg [dreg:$0x1];
	p0 =	sne.s32 s2, $0x0  }
0xd8: {  	s3 =	rddreg [dreg:$0x2];
	[bflag:$0x3] =	sbarrier.arrive $0xFFFF;
	s2 =	simm.s32 @!p0 $0x1C03  }
0xd9: {  	[timem:s3], [sflag:s2] =	dma.local @!p0 [hbm:s0], s1  }
0xda: {  	s0 =	simm.s32 @!p0 $0x3  }
0xdb: {  	_ =	swait.ge @!p0 [sflag:s0], s1  }
0xdc: {  	s1 =	ssub.s32 @!p0 $0x0, s1;
	[sflag:s0] =	ssyncset.done @!p0 $0x0  }
0xdd: {  	[sflag:s0] =	ssyncadd.s32 @!p0 s1  }
0xde: {  	[bflag:$0x3] =	sbarrier.arrive $0xFFFF  }
0xdf: {  	_ =	shalt  }

</sc_bundles>
